<compile_context>
chip_gen: v7x
topology: tpu7x:2x2x1
jax: 0.10.2.dev20260603
libtpu: 0.0.44.dev20260713+nightly
codegen_flags: <defaults>
</compile_context>

<pallas_src>
import jax
import jax.numpy as jnp
from jax import lax
from jax.experimental import pallas as pl
from jax.experimental.pallas import tpu as pltpu
from jax.experimental.pallas import tpu_sc as plsc

_B = 16384
_D = 64
_V = 1000000

_info = plsc.get_sparse_core_info()
_NC = _info.num_cores
_NS = _info.num_subcores
_NW = _NC * _NS
_BPW = _B // _NW
_NG = _BPW // 16


def _mk_slab_kernel():
    import functools

    @functools.partial(
        pl.kernel,
        mesh=plsc.VectorSubcoreMesh(core_axis_name="c", subcore_axis_name="s"),
        compiler_params=pltpu.CompilerParams(needs_layout_passes=False),
        out_type=jax.ShapeDtypeStruct((_B * _D,), jnp.float32),
        scratch_types=[
            pltpu.VMEM((_BPW,), jnp.int32),
            pltpu.VMEM((8, 8, 128), jnp.float32),
            pltpu.VMEM((8, 8, 128), jnp.float32),
            pltpu.VMEM((8, 8, 128), jnp.float32),
            pltpu.VMEM((8, 8, 128), jnp.float32),
            pltpu.VMEM((_BPW * _D,), jnp.float32),
            pltpu.SemaphoreType.DMA,
            pltpu.SemaphoreType.DMA,
            pltpu.SemaphoreType.DMA,
            pltpu.SemaphoreType.DMA,
        ],
    )
    def slab_gather(idx_hbm, tab_hbm, out_hbm,
                    idxbuf, slab0, slab1, slab2, slab3, outflat,
                    sem0, sem1, sem2, sem3):
        wid = lax.axis_index("s") * _NC + lax.axis_index("c")
        base = wid * _BPW
        iota = lax.iota(jnp.int32, 16)
        dblk = iota >> 3
        dsub = iota & 7
        slabs = (slab0, slab1, slab2, slab3)
        sems = (sem0, sem1, sem2, sem3)

        def fetch(si, p):
            vb = pl.multiple_of((si >> 7) << 7, 128)
            pltpu.async_copy(tab_hbm.at[:, :, pl.ds(vb, 128)],
                             slabs[p], sems[p])

        def wait(p):
            pltpu.make_async_copy(tab_hbm.at[:, :, pl.ds(0, 128)],
                                  slabs[p], sems[p]).wait()

        pltpu.sync_copy(idx_hbm.at[pl.ds(base, _BPW)], idxbuf)
        iv0 = idxbuf[pl.ds(0, 16)]
        fetch(iv0[0], 0)
        fetch(iv0[1], 1)
        fetch(iv0[2], 2)

        def group_body(g, carry):
            iv = idxbuf[pl.ds(g * 16, 16)]
            nxt_off = jnp.minimum((g + 1) * 16, _BPW - 16)
            ivn = idxbuf[pl.ds(nxt_off, 16)]
            for l in range(16):
                r = g * 16 + l
                p = l & 3
                si_next = iv[l + 3] if l < 13 else ivn[l - 13]
                fetch(si_next, (l + 3) & 3)
                wait(p)
                lane = jnp.full((16,), 0, jnp.int32) + (iv[l] & 127)
                for k in range(4):
                    x = plsc.load_gather(slabs[p], [dblk + 2 * k, dsub, lane])
                    outflat[pl.ds(r * _D + 16 * k, 16)] = x
            return carry

        lax.fori_loop(0, _NG, group_body, 0)
        wait(0)
        wait(1)
        wait(2)
        pltpu.sync_copy(outflat, out_hbm.at[pl.ds(base * _D, _BPW * _D)])

    return slab_gather


def _mk_row_kernel():
    import functools

    @functools.partial(
        pl.kernel,
        mesh=plsc.VectorSubcoreMesh(core_axis_name="c", subcore_axis_name="s"),
        out_type=jax.ShapeDtypeStruct((_B, _D), jnp.float32),
        scratch_types=[
            pltpu.VMEM((_BPW,), jnp.int32),
            pltpu.VMEM((_BPW, _D), jnp.float32),
            pltpu.SemaphoreType.DMA,
        ],
    )
    def row_gather(idx_hbm, tab_hbm, out_hbm, idxbuf, outbuf, sem):
        wid = lax.axis_index("s") * _NC + lax.axis_index("c")
        base = wid * _BPW
        pltpu.sync_copy(idx_hbm.at[pl.ds(base, _BPW)], idxbuf)

        def group_body(g, carry):
            iv = idxbuf[pl.ds(g * 16, 16)]
            for l in range(16):
                si = iv[l]
                pltpu.async_copy(tab_hbm.at[pl.ds(si, 1)],
                                 outbuf.at[pl.ds(g * 16 + l, 1)], sem)
            return carry

        lax.fori_loop(0, _BPW // 16, group_body, 0)
        pltpu.make_async_copy(tab_hbm.at[pl.ds(0, _BPW)], outbuf, sem).wait()
        pltpu.sync_copy(outbuf, out_hbm.at[pl.ds(base, _BPW)])

    return row_gather


_slab_gather = _mk_slab_kernel()
_row_gather = _mk_row_kernel()


def kernel(node_idx_user, node_idx_item, table_user, table_item):
    tab_i = table_item.T.reshape(8, 8, _V)
    out_i = _slab_gather(node_idx_item, tab_i)
    out_u = _row_gather(node_idx_user, table_user)
    return (out_u, out_i.reshape(_B, _D))

# --- scband reference (transcript-rebuilt; emitter-appended) ---
"""Pipeline reference for scband-hetero-node-embedding-43233140802127 (READ-ONLY COPY).

The authoritative reference and input builder live on the scoring server;
editing this copy changes nothing except your own understanding.
"""

import jax, jax.numpy as jnp
import numpy as np

NUM_NODES_USER = 1000000
NUM_NODES_ITEM = 1000000
REPR_DIM = 64
BATCH = 16384


def setup_inputs(seed: int = 0) -> dict:
    key = jax.random.key(seed)
    k1, k2, k3, k4 = jax.random.split(key, 4)
    node_idx_user = jax.random.randint(k1, (BATCH,), 0, NUM_NODES_USER, dtype=jnp.int64 if jax.config.read('jax_enable_x64') else jnp.int32)
    node_idx_item = jax.random.randint(k2, (BATCH,), 0, NUM_NODES_ITEM, dtype=jnp.int64 if jax.config.read('jax_enable_x64') else jnp.int32)
    table_user = jax.random.normal(k3, (NUM_NODES_USER, REPR_DIM), dtype=jnp.float32)
    table_item = jax.random.normal(k4, (NUM_NODES_ITEM, REPR_DIM), dtype=jnp.float32)
    return {
        'node_idx_user': node_idx_user,
        'node_idx_item': node_idx_item,
        'table_user': table_user,
        'table_item': table_item,
    }


def _node_embedding(node_idx, table, num_nodes):
    # Faithful to NodeEmbedding.forward with mask=None:
    #   Z = zeros; existing = idx < num_nodes; Z[existing] = embedding(idx[existing])
    valid = node_idx < num_nodes
    safe_idx = jnp.clip(node_idx, 0, num_nodes - 1)
    emb = jnp.take(table, safe_idx, axis=0)
    Z = jnp.where(valid[:, None], emb, jnp.zeros_like(emb))
    return Z


def reference(node_idx_user, node_idx_item, table_user, table_item):
    # HeteroNodeEmbedding.forward: per-type NodeEmbedding lookup.
    Z_user = _node_embedding(node_idx_user, table_user, NUM_NODES_USER)
    Z_item = _node_embedding(node_idx_item, table_item, NUM_NODES_ITEM)
    return (Z_user, Z_item)

if __name__ == "__main__":
    import jax
    _d = setup_inputs()
    print(jax.jit(kernel)(*tuple(_d.values())))

</pallas_src>

<mosaic_0001>
#map = affine_map<(d0, d1) -> (0)>
#map1 = affine_map<(d0, d1) -> (0, 0, 0)>
module attributes {stable_mosaic.version = 14 : i64} {
  func.func @slab_gather(%arg0: i32, %arg1: i32, %arg2: memref<16384xi32, #tpu.memory_space<hbm>>, %arg3: memref<8x8x1000000xf32, #tpu.memory_space<hbm>>, %arg4: memref<1048576xf32, #tpu.memory_space<hbm>>, %arg5: memref<512xi32, #tpu.memory_space<vmem>>, %arg6: memref<8x8x128xf32, #tpu.memory_space<vmem>>, %arg7: memref<8x8x128xf32, #tpu.memory_space<vmem>>, %arg8: memref<8x8x128xf32, #tpu.memory_space<vmem>>, %arg9: memref<8x8x128xf32, #tpu.memory_space<vmem>>, %arg10: memref<32768xf32, #tpu.memory_space<vmem>>, %arg11: memref<!tpu.dma_semaphore, #tpu.memory_space<semaphore_mem>>, %arg12: memref<!tpu.dma_semaphore, #tpu.memory_space<semaphore_mem>>, %arg13: memref<!tpu.dma_semaphore, #tpu.memory_space<semaphore_mem>>, %arg14: memref<!tpu.dma_semaphore, #tpu.memory_space<semaphore_mem>>) attributes {dimension_semantics = [#tpu.dimension_semantics<core_parallel>, #tpu.dimension_semantics<subcore_parallel>], iteration_bounds = array<i64: 2, 16>, scalar_prefetch = 0 : i64, scratch_operands = 10 : i64, tpu.core_type = #tpu.core_type<sc_vector_subcore>, window_params = [{transform_indices = #map}, {transform_indices = #map1}, {transform_indices = #map}]} {
    %mul3A = arith.constant 2 : i32
    %mul3A_0 = arith.muli %arg1, %mul3A : i32
    %add3A = arith.addi %mul3A_0, %arg0 : i32
    %mul3A_1 = arith.constant 512 : i32
    %mul3A_2 = arith.muli %add3A, %mul3A_1 : i32
    %iota3A = tpu.iota {dimensions = array<i32: 0>} : vector<16xi32>
    %shift_right_arithmetic3A = arith.constant 3 : i32
    %shift_right_arithmetic3A_3 = vector.broadcast %shift_right_arithmetic3A : i32 to vector<16xi32>
    %shift_right_arithmetic3A_4 = arith.shrsi %iota3A, %shift_right_arithmetic3A_3 : vector<16xi32>
    %and3A = arith.constant 7 : i32
    %and3A_5 = vector.broadcast %and3A : i32 to vector<16xi32>
    %and3A_6 = arith.andi %iota3A, %and3A_5 : vector<16xi32>
    "tpu.region"() ({
      %run_scoped3A = tpu.sem_alloc : memref<!tpu.dma_semaphore, #tpu.memory_space<semaphore_mem>>
      %dma_start3A_72 = tpu.memref_slice %arg2[%mul3A_2] : memref<16384xi32, #tpu.memory_space<hbm>> -> memref<512xi32, #tpu.memory_space<hbm>>
      %dma_start3A_73 = tpu.memref_slice %arg2[%mul3A_2] : memref<16384xi32, #tpu.memory_space<hbm>> -> memref<512xi32, #tpu.memory_space<hbm>>
      tpu.enqueue_dma source(%dma_start3A_73 : memref<512xi32, #tpu.memory_space<hbm>>) target(%arg5 : memref<512xi32, #tpu.memory_space<vmem>>) target_semaphore(%run_scoped3A : memref<!tpu.dma_semaphore, #tpu.memory_space<semaphore_mem>>)
      %dma_wait3A_74 = tpu.memref_slice %arg2[%mul3A_2] : memref<16384xi32, #tpu.memory_space<hbm>> -> memref<512xi32, #tpu.memory_space<hbm>>
      %dma_wait3A_75 = tpu.memref_slice %arg2[%mul3A_2] : memref<16384xi32, #tpu.memory_space<hbm>> -> memref<512xi32, #tpu.memory_space<hbm>>
      tpu.wait_dma2 semaphore(%run_scoped3A : memref<!tpu.dma_semaphore, #tpu.memory_space<semaphore_mem>>) src(%dma_wait3A_75 : memref<512xi32, #tpu.memory_space<hbm>>) dst(%arg5 : memref<512xi32, #tpu.memory_space<vmem>>)
      tpu.yield
    }) : () -> ()
    %get3A = arith.constant 0 : index
    %get3A_7 = tpu.vector_load %arg5[%get3A] {strides = array<i32>} : memref<512xi32, #tpu.memory_space<vmem>>, vector<16xi32>,
    %slice3A = vector.extract_strided_slice %get3A_7 {offsets = [0], sizes = [1], strides = [1]} : vector<16xi32> to vector<1xi32>
    %squeeze3A = vector.extract %slice3A[0] : i32 from vector<1xi32>
    %shift_right_arithmetic3A_8 = arith.constant 7 : i32
    %shift_right_arithmetic3A_9 = arith.shrsi %squeeze3A, %shift_right_arithmetic3A_8 : i32
    %shift_left3A = arith.constant 7 : i32
    %shift_left3A_10 = arith.shli %shift_right_arithmetic3A_9, %shift_left3A : i32
    %multiple_of3A = tpu.assume_multiple %shift_left3A_10, 128 : i32
    %dma_start3A = arith.constant 0 : i32
    %dma_start3A_11 = arith.constant 0 : i32
    %dma_start3A_12 = tpu.memref_slice %arg3[%dma_start3A, %dma_start3A_11, %multiple_of3A] : memref<8x8x1000000xf32, #tpu.memory_space<hbm>> -> memref<8x8x128xf32, #tpu.memory_space<hbm>>
    %dma_start3A_13 = arith.constant 0 : i32
    %dma_start3A_14 = arith.constant 0 : i32
    %dma_start3A_15 = tpu.memref_slice %arg3[%dma_start3A_13, %dma_start3A_14, %multiple_of3A] : memref<8x8x1000000xf32, #tpu.memory_space<hbm>> -> memref<8x8x128xf32, #tpu.memory_space<hbm>>
    tpu.enqueue_dma source(%dma_start3A_15 : memref<8x8x128xf32, #tpu.memory_space<hbm>>) target(%arg6 : memref<8x8x128xf32, #tpu.memory_space<vmem>>) target_semaphore(%arg11 : memref<!tpu.dma_semaphore, #tpu.memory_space<semaphore_mem>>)
    %slice3A_16 = vector.extract_strided_slice %get3A_7 {offsets = [1], sizes = [1], strides = [1]} : vector<16xi32> to vector<1xi32>
    %squeeze3A_17 = vector.extract %slice3A_16[0] : i32 from vector<1xi32>
    %shift_right_arithmetic3A_18 = arith.constant 7 : i32
    %shift_right_arithmetic3A_19 = arith.shrsi %squeeze3A_17, %shift_right_arithmetic3A_18 : i32
    %shift_left3A_20 = arith.constant 7 : i32
    %shift_left3A_21 = arith.shli %shift_right_arithmetic3A_19, %shift_left3A_20 : i32
    %multiple_of3A_22 = tpu.assume_multiple %shift_left3A_21, 128 : i32
    %dma_start3A_23 = arith.constant 0 : i32
    %dma_start3A_24 = arith.constant 0 : i32
    %dma_start3A_25 = tpu.memref_slice %arg3[%dma_start3A_23, %dma_start3A_24, %multiple_of3A_22] : memref<8x8x1000000xf32, #tpu.memory_space<hbm>> -> memref<8x8x128xf32, #tpu.memory_space<hbm>>
    %dma_start3A_26 = arith.constant 0 : i32
    %dma_start3A_27 = arith.constant 0 : i32
    %dma_start3A_28 = tpu.memref_slice %arg3[%dma_start3A_26, %dma_start3A_27, %multiple_of3A_22] : memref<8x8x1000000xf32, #tpu.memory_space<hbm>> -> memref<8x8x128xf32, #tpu.memory_space<hbm>>
    tpu.enqueue_dma source(%dma_start3A_28 : memref<8x8x128xf32, #tpu.memory_space<hbm>>) target(%arg7 : memref<8x8x128xf32, #tpu.memory_space<vmem>>) target_semaphore(%arg12 : memref<!tpu.dma_semaphore, #tpu.memory_space<semaphore_mem>>)
    %slice3A_29 = vector.extract_strided_slice %get3A_7 {offsets = [2], sizes = [1], strides = [1]} : vector<16xi32> to vector<1xi32>
    %squeeze3A_30 = vector.extract %slice3A_29[0] : i32 from vector<1xi32>
    %shift_right_arithmetic3A_31 = arith.constant 7 : i32
    %shift_right_arithmetic3A_32 = arith.shrsi %squeeze3A_30, %shift_right_arithmetic3A_31 : i32
    %shift_left3A_33 = arith.constant 7 : i32
    %shift_left3A_34 = arith.shli %shift_right_arithmetic3A_32, %shift_left3A_33 : i32
    %multiple_of3A_35 = tpu.assume_multiple %shift_left3A_34, 128 : i32
    %dma_start3A_36 = arith.constant 0 : i32
    %dma_start3A_37 = arith.constant 0 : i32
    %dma_start3A_38 = tpu.memref_slice %arg3[%dma_start3A_36, %dma_start3A_37, %multiple_of3A_35] : memref<8x8x1000000xf32, #tpu.memory_space<hbm>> -> memref<8x8x128xf32, #tpu.memory_space<hbm>>
    %dma_start3A_39 = arith.constant 0 : i32
    %dma_start3A_40 = arith.constant 0 : i32
    %dma_start3A_41 = tpu.memref_slice %arg3[%dma_start3A_39, %dma_start3A_40, %multiple_of3A_35] : memref<8x8x1000000xf32, #tpu.memory_space<hbm>> -> memref<8x8x128xf32, #tpu.memory_space<hbm>>
    tpu.enqueue_dma source(%dma_start3A_41 : memref<8x8x128xf32, #tpu.memory_space<hbm>>) target(%arg8 : memref<8x8x128xf32, #tpu.memory_space<vmem>>) target_semaphore(%arg13 : memref<!tpu.dma_semaphore, #tpu.memory_space<semaphore_mem>>)
    %scan3A = arith.constant 0 : i32
    %scan3A_42 = arith.constant 0 : i32
    %scan3A_43 = arith.constant 32 : i32
    %scan3A_44 = arith.addi %scan3A_42, %scan3A_43 : i32
    %scan3A_45 = arith.constant 1 : i32
    scf.for %scan3A_72 = %scan3A_42 to %scan3A_44 step %scan3A_45  : i32 {
      %mul3A_73 = arith.constant 16 : i32
      %mul3A_74 = arith.muli %scan3A_72, %mul3A_73 : i32
      %get3A_75 = arith.index_cast %mul3A_74 : i32 to index
      %get3A_76 = tpu.vector_load %arg5[%get3A_75] {strides = array<i32>} : memref<512xi32, #tpu.memory_space<vmem>>, vector<16xi32>,
      %add3A_77 = arith.constant 1 : i32
      %add3A_78 = arith.addi %scan3A_72, %add3A_77 : i32
      %mul3A_79 = arith.constant 16 : i32
      %mul3A_80 = arith.muli %add3A_78, %mul3A_79 : i32
      %min3A = arith.constant 496 : i32
      %min3A_81 = arith.minsi %mul3A_80, %min3A : i32
      %get3A_82 = arith.index_cast %min3A_81 : i32 to index
      %get3A_83 = tpu.vector_load %arg5[%get3A_82] {strides = array<i32>} : memref<512xi32, #tpu.memory_space<vmem>>, vector<16xi32>,
      %mul3A_84 = arith.constant 16 : i32
      %mul3A_85 = arith.muli %scan3A_72, %mul3A_84 : i32
      %add3A_86 = arith.constant 0 : i32
      %add3A_87 = arith.addi %mul3A_85, %add3A_86 : i32
      %slice3A_88 = vector.extract_strided_slice %get3A_76 {offsets = [3], sizes = [1], strides = [1]} : vector<16xi32> to vector<1xi32>
      %squeeze3A_89 = vector.extract %slice3A_88[0] : i32 from vector<1xi32>
      %shift_right_arithmetic3A_90 = arith.constant 7 : i32
      %shift_right_arithmetic3A_91 = arith.shrsi %squeeze3A_89, %shift_right_arithmetic3A_90 : i32
      %shift_left3A_92 = arith.constant 7 : i32
      %shift_left3A_93 = arith.shli %shift_right_arithmetic3A_91, %shift_left3A_92 : i32
      %multiple_of3A_94 = tpu.assume_multiple %shift_left3A_93, 128 : i32
      %dma_start3A_95 = arith.constant 0 : i32
      %dma_start3A_96 = arith.constant 0 : i32
      %dma_start3A_97 = tpu.memref_slice %arg3[%dma_start3A_95, %dma_start3A_96, %multiple_of3A_94] : memref<8x8x1000000xf32, #tpu.memory_space<hbm>> -> memref<8x8x128xf32, #tpu.memory_space<hbm>>
      %dma_start3A_98 = arith.constant 0 : i32
      %dma_start3A_99 = arith.constant 0 : i32
      %dma_start3A_100 = tpu.memref_slice %arg3[%dma_start3A_98, %dma_start3A_99, %multiple_of3A_94] : memref<8x8x1000000xf32, #tpu.memory_space<hbm>> -> memref<8x8x128xf32, #tpu.memory_space<hbm>>
      tpu.enqueue_dma source(%dma_start3A_100 : memref<8x8x128xf32, #tpu.memory_space<hbm>>) target(%arg9 : memref<8x8x128xf32, #tpu.memory_space<vmem>>) target_semaphore(%arg14 : memref<!tpu.dma_semaphore, #tpu.memory_space<semaphore_mem>>)
      %dma_wait3A_101 = arith.constant 0 : i32
      %dma_wait3A_102 = arith.constant 0 : i32
      %dma_wait3A_103 = arith.constant 0 : i32
      %dma_wait3A_104 = tpu.memref_slice %arg3[%dma_wait3A_101, %dma_wait3A_102, %dma_wait3A_103] : memref<8x8x1000000xf32, #tpu.memory_space<hbm>> -> memref<8x8x128xf32, #tpu.memory_space<hbm>>
      %dma_wait3A_105 = arith.constant 0 : i32
      %dma_wait3A_106 = arith.constant 0 : i32
      %dma_wait3A_107 = arith.constant 0 : i32
      %dma_wait3A_108 = tpu.memref_slice %arg3[%dma_wait3A_105, %dma_wait3A_106, %dma_wait3A_107] : memref<8x8x1000000xf32, #tpu.memory_space<hbm>> -> memref<8x8x128xf32, #tpu.memory_space<hbm>>
      tpu.wait_dma2 semaphore(%arg11 : memref<!tpu.dma_semaphore, #tpu.memory_space<semaphore_mem>>) src(%dma_wait3A_108 : memref<8x8x128xf32, #tpu.memory_space<hbm>>) dst(%arg6 : memref<8x8x128xf32, #tpu.memory_space<vmem>>)
      %broadcast_in_dim3A = arith.constant 0 : i32
      %broadcast_in_dim3A_109 = vector.broadcast %broadcast_in_dim3A : i32 to vector<16xi32>
      %slice3A_110 = vector.extract_strided_slice %get3A_76 {offsets = [0], sizes = [1], strides = [1]} : vector<16xi32> to vector<1xi32>
      %squeeze3A_111 = vector.extract %slice3A_110[0] : i32 from vector<1xi32>
      %and3A_112 = arith.constant 127 : i32
      %and3A_113 = arith.andi %squeeze3A_111, %and3A_112 : i32
      %add3A_114 = vector.broadcast %and3A_113 : i32 to vector<16xi32>
      %add3A_115 = arith.addi %broadcast_in_dim3A_109, %add3A_114 : vector<16xi32>
      %add3A_116 = arith.constant 0 : i32
      %add3A_117 = vector.broadcast %add3A_116 : i32 to vector<16xi32>
      %add3A_118 = arith.addi %shift_right_arithmetic3A_4, %add3A_117 : vector<16xi32>
      %gather3A = tpu.vector_load_idx %arg6[%add3A_118, %and3A_6, %add3A_115] : memref<8x8x128xf32, #tpu.memory_space<vmem>>[vector<16xi32>, vector<16xi32>, vector<16xi32>], vector<16xf32>,
      %mul3A_119 = arith.constant 64 : i32
      %mul3A_120 = arith.muli %add3A_87, %mul3A_119 : i32
      %add3A_121 = arith.constant 0 : i32
      %add3A_122 = arith.addi %mul3A_120, %add3A_121 : i32
      %swap3A = arith.index_cast %add3A_122 : i32 to index
      %swap3A_123 = tpu.vector_load %arg10[%swap3A] {strides = array<i32>} : memref<32768xf32, #tpu.memory_space<vmem>>, vector<16xf32>,
      tpu.vector_store %arg10[%swap3A], %gather3A {strides = array<i32>} : memref<32768xf32, #tpu.memory_space<vmem>>, vector<16xf32>,
      %add3A_124 = arith.constant 2 : i32
      %add3A_125 = vector.broadcast %add3A_124 : i32 to vector<16xi32>
      %add3A_126 = arith.addi %shift_right_arithmetic3A_4, %add3A_125 : vector<16xi32>
      %gather3A_127 = tpu.vector_load_idx %arg6[%add3A_126, %and3A_6, %add3A_115] : memref<8x8x128xf32, #tpu.memory_space<vmem>>[vector<16xi32>, vector<16xi32>, vector<16xi32>], vector<16xf32>,
      %mul3A_128 = arith.constant 64 : i32
      %mul3A_129 = arith.muli %add3A_87, %mul3A_128 : i32
      %add3A_130 = arith.constant 16 : i32
      %add3A_131 = arith.addi %mul3A_129, %add3A_130 : i32
      %swap3A_132 = arith.index_cast %add3A_131 : i32 to index
      %swap3A_133 = tpu.vector_load %arg10[%swap3A_132] {strides = array<i32>} : memref<32768xf32, #tpu.memory_space<vmem>>, vector<16xf32>,
      tpu.vector_store %arg10[%swap3A_132], %gather3A_127 {strides = array<i32>} : memref<32768xf32, #tpu.memory_space<vmem>>, vector<16xf32>,
      %add3A_134 = arith.constant 4 : i32
      %add3A_135 = vector.broadcast %add3A_134 : i32 to vector<16xi32>
      %add3A_136 = arith.addi %shift_right_arithmetic3A_4, %add3A_135 : vector<16xi32>
      %gather3A_137 = tpu.vector_load_idx %arg6[%add3A_136, %and3A_6, %add3A_115] : memref<8x8x128xf32, #tpu.memory_space<vmem>>[vector<16xi32>, vector<16xi32>, vector<16xi32>], vector<16xf32>,
      %mul3A_138 = arith.constant 64 : i32
      %mul3A_139 = arith.muli %add3A_87, %mul3A_138 : i32
      %add3A_140 = arith.constant 32 : i32
      %add3A_141 = arith.addi %mul3A_139, %add3A_140 : i32
      %swap3A_142 = arith.index_cast %add3A_141 : i32 to index
      %swap3A_143 = tpu.vector_load %arg10[%swap3A_142] {strides = array<i32>} : memref<32768xf32, #tpu.memory_space<vmem>>, vector<16xf32>,
      tpu.vector_store %arg10[%swap3A_142], %gather3A_137 {strides = array<i32>} : memref<32768xf32, #tpu.memory_space<vmem>>, vector<16xf32>,
      %add3A_144 = arith.constant 6 : i32
      %add3A_145 = vector.broadcast %add3A_144 : i32 to vector<16xi32>
      %add3A_146 = arith.addi %shift_right_arithmetic3A_4, %add3A_145 : vector<16xi32>
      %gather3A_147 = tpu.vector_load_idx %arg6[%add3A_146, %and3A_6, %add3A_115] : memref<8x8x128xf32, #tpu.memory_space<vmem>>[vector<16xi32>, vector<16xi32>, vector<16xi32>], vector<16xf32>,
      %mul3A_148 = arith.constant 64 : i32
      %mul3A_149 = arith.muli %add3A_87, %mul3A_148 : i32
      %add3A_150 = arith.constant 48 : i32
      %add3A_151 = arith.addi %mul3A_149, %add3A_150 : i32
      %swap3A_152 = arith.index_cast %add3A_151 : i32 to index
      %swap3A_153 = tpu.vector_load %arg10[%swap3A_152] {strides = array<i32>} : memref<32768xf32, #tpu.memory_space<vmem>>, vector<16xf32>,
      tpu.vector_store %arg10[%swap3A_152], %gather3A_147 {strides = array<i32>} : memref<32768xf32, #tpu.memory_space<vmem>>, vector<16xf32>,
      %mul3A_154 = arith.constant 16 : i32
      %mul3A_155 = arith.muli %scan3A_72, %mul3A_154 : i32
      %add3A_156 = arith.constant 1 : i32
      %add3A_157 = arith.addi %mul3A_155, %add3A_156 : i32
      %slice3A_158 = vector.extract_strided_slice %get3A_76 {offsets = [4], sizes = [1], strides = [1]} : vector<16xi32> to vector<1xi32>
      %squeeze3A_159 = vector.extract %slice3A_158[0] : i32 from vector<1xi32>
      %shift_right_arithmetic3A_160 = arith.constant 7 : i32
      %shift_right_arithmetic3A_161 = arith.shrsi %squeeze3A_159, %shift_right_arithmetic3A_160 : i32
      %shift_left3A_162 = arith.constant 7 : i32
      %shift_left3A_163 = arith.shli %shift_right_arithmetic3A_161, %shift_left3A_162 : i32
      %multiple_of3A_164 = tpu.assume_multiple %shift_left3A_163, 128 : i32
      %dma_start3A_165 = arith.constant 0 : i32
      %dma_start3A_166 = arith.constant 0 : i32
      %dma_start3A_167 = tpu.memref_slice %arg3[%dma_start3A_165, %dma_start3A_166, %multiple_of3A_164] : memref<8x8x1000000xf32, #tpu.memory_space<hbm>> -> memref<8x8x128xf32, #tpu.memory_space<hbm>>
      %dma_start3A_168 = arith.constant 0 : i32
      %dma_start3A_169 = arith.constant 0 : i32
      %dma_start3A_170 = tpu.memref_slice %arg3[%dma_start3A_168, %dma_start3A_169, %multiple_of3A_164] : memref<8x8x1000000xf32, #tpu.memory_space<hbm>> -> memref<8x8x128xf32, #tpu.memory_space<hbm>>
      tpu.enqueue_dma source(%dma_start3A_170 : memref<8x8x128xf32, #tpu.memory_space<hbm>>) target(%arg6 : memref<8x8x128xf32, #tpu.memory_space<vmem>>) target_semaphore(%arg11 : memref<!tpu.dma_semaphore, #tpu.memory_space<semaphore_mem>>)
      %dma_wait3A_171 = arith.constant 0 : i32
      %dma_wait3A_172 = arith.constant 0 : i32
      %dma_wait3A_173 = arith.constant 0 : i32
      %dma_wait3A_174 = tpu.memref_slice %arg3[%dma_wait3A_171, %dma_wait3A_172, %dma_wait3A_173] : memref<8x8x1000000xf32, #tpu.memory_space<hbm>> -> memref<8x8x128xf32, #tpu.memory_space<hbm>>
      %dma_wait3A_175 = arith.constant 0 : i32
      %dma_wait3A_176 = arith.constant 0 : i32
      %dma_wait3A_177 = arith.constant 0 : i32
      %dma_wait3A_178 = tpu.memref_slice %arg3[%dma_wait3A_175, %dma_wait3A_176, %dma_wait3A_177] : memref<8x8x1000000xf32, #tpu.memory_space<hbm>> -> memref<8x8x128xf32, #tpu.memory_space<hbm>>
      tpu.wait_dma2 semaphore(%arg12 : memref<!tpu.dma_semaphore, #tpu.memory_space<semaphore_mem>>) src(%dma_wait3A_178 : memref<8x8x128xf32, #tpu.memory_space<hbm>>) dst(%arg7 : memref<8x8x128xf32, #tpu.memory_space<vmem>>)
      %broadcast_in_dim3A_179 = arith.constant 0 : i32
      %broadcast_in_dim3A_180 = vector.broadcast %broadcast_in_dim3A_179 : i32 to vector<16xi32>
      %slice3A_181 = vector.extract_strided_slice %get3A_76 {offsets = [1], sizes = [1], strides = [1]} : vector<16xi32> to vector<1xi32>
      %squeeze3A_182 = vector.extract %slice3A_181[0] : i32 from vector<1xi32>
      %and3A_183 = arith.constant 127 : i32
      %and3A_184 = arith.andi %squeeze3A_182, %and3A_183 : i32
      %add3A_185 = vector.broadcast %and3A_184 : i32 to vector<16xi32>
      %add3A_186 = arith.addi %broadcast_in_dim3A_180, %add3A_185 : vector<16xi32>
      %add3A_187 = arith.constant 0 : i32
      %add3A_188 = vector.broadcast %add3A_187 : i32 to vector<16xi32>
      %add3A_189 = arith.addi %shift_right_arithmetic3A_4, %add3A_188 : vector<16xi32>
      %gather3A_190 = tpu.vector_load_idx %arg7[%add3A_189, %and3A_6, %add3A_186] : memref<8x8x128xf32, #tpu.memory_space<vmem>>[vector<16xi32>, vector<16xi32>, vector<16xi32>], vector<16xf32>,
      %mul3A_191 = arith.constant 64 : i32
      %mul3A_192 = arith.muli %add3A_157, %mul3A_191 : i32
      %add3A_193 = arith.constant 0 : i32
      %add3A_194 = arith.addi %mul3A_192, %add3A_193 : i32
      %swap3A_195 = arith.index_cast %add3A_194 : i32 to index
      %swap3A_196 = tpu.vector_load %arg10[%swap3A_195] {strides = array<i32>} : memref<32768xf32, #tpu.memory_space<vmem>>, vector<16xf32>,
      tpu.vector_store %arg10[%swap3A_195], %gather3A_190 {strides = array<i32>} : memref<32768xf32, #tpu.memory_space<vmem>>, vector<16xf32>,
      %add3A_197 = arith.constant 2 : i32
      %add3A_198 = vector.broadcast %add3A_197 : i32 to vector<16xi32>
      %add3A_199 = arith.addi %shift_right_arithmetic3A_4, %add3A_198 : vector<16xi32>
      %gather3A_200 = tpu.vector_load_idx %arg7[%add3A_199, %and3A_6, %add3A_186] : memref<8x8x128xf32, #tpu.memory_space<vmem>>[vector<16xi32>, vector<16xi32>, vector<16xi32>], vector<16xf32>,
      %mul3A_201 = arith.constant 64 : i32
      %mul3A_202 = arith.muli %add3A_157, %mul3A_201 : i32
      %add3A_203 = arith.constant 16 : i32
      %add3A_204 = arith.addi %mul3A_202, %add3A_203 : i32
      %swap3A_205 = arith.index_cast %add3A_204 : i32 to index
      %swap3A_206 = tpu.vector_load %arg10[%swap3A_205] {strides = array<i32>} : memref<32768xf32, #tpu.memory_space<vmem>>, vector<16xf32>,
      tpu.vector_store %arg10[%swap3A_205], %gather3A_200 {strides = array<i32>} : memref<32768xf32, #tpu.memory_space<vmem>>, vector<16xf32>,
      %add3A_207 = arith.constant 4 : i32
      %add3A_208 = vector.broadcast %add3A_207 : i32 to vector<16xi32>
      %add3A_209 = arith.addi %shift_right_arithmetic3A_4, %add3A_208 : vector<16xi32>
      %gather3A_210 = tpu.vector_load_idx %arg7[%add3A_209, %and3A_6, %add3A_186] : memref<8x8x128xf32, #tpu.memory_space<vmem>>[vector<16xi32>, vector<16xi32>, vector<16xi32>], vector<16xf32>,
      %mul3A_211 = arith.constant 64 : i32
      %mul3A_212 = arith.muli %add3A_157, %mul3A_211 : i32
      %add3A_213 = arith.constant 32 : i32
      %add3A_214 = arith.addi %mul3A_212, %add3A_213 : i32
      %swap3A_215 = arith.index_cast %add3A_214 : i32 to index
      %swap3A_216 = tpu.vector_load %arg10[%swap3A_215] {strides = array<i32>} : memref<32768xf32, #tpu.memory_space<vmem>>, vector<16xf32>,
      tpu.vector_store %arg10[%swap3A_215], %gather3A_210 {strides = array<i32>} : memref<32768xf32, #tpu.memory_space<vmem>>, vector<16xf32>,
      %add3A_217 = arith.constant 6 : i32
      %add3A_218 = vector.broadcast %add3A_217 : i32 to vector<16xi32>
      %add3A_219 = arith.addi %shift_right_arithmetic3A_4, %add3A_218 : vector<16xi32>
      %gather3A_220 = tpu.vector_load_idx %arg7[%add3A_219, %and3A_6, %add3A_186] : memref<8x8x128xf32, #tpu.memory_space<vmem>>[vector<16xi32>, vector<16xi32>, vector<16xi32>], vector<16xf32>,
      %mul3A_221 = arith.constant 64 : i32
      %mul3A_222 = arith.muli %add3A_157, %mul3A_221 : i32
      %add3A_223 = arith.constant 48 : i32
      %add3A_224 = arith.addi %mul3A_222, %add3A_223 : i32
      %swap3A_225 = arith.index_cast %add3A_224 : i32 to index
      %swap3A_226 = tpu.vector_load %arg10[%swap3A_225] {strides = array<i32>} : memref<32768xf32, #tpu.memory_space<vmem>>, vector<16xf32>,
      tpu.vector_store %arg10[%swap3A_225], %gather3A_220 {strides = array<i32>} : memref<32768xf32, #tpu.memory_space<vmem>>, vector<16xf32>,
      %mul3A_227 = arith.constant 16 : i32
      %mul3A_228 = arith.muli %scan3A_72, %mul3A_227 : i32
      %add3A_229 = arith.constant 2 : i32
      %add3A_230 = arith.addi %mul3A_228, %add3A_229 : i32
      %slice3A_231 = vector.extract_strided_slice %get3A_76 {offsets = [5], sizes = [1], strides = [1]} : vector<16xi32> to vector<1xi32>
      %squeeze3A_232 = vector.extract %slice3A_231[0] : i32 from vector<1xi32>
      %shift_right_arithmetic3A_233 = arith.constant 7 : i32
      %shift_right_arithmetic3A_234 = arith.shrsi %squeeze3A_232, %shift_right_arithmetic3A_233 : i32
      %shift_left3A_235 = arith.constant 7 : i32
      %shift_left3A_236 = arith.shli %shift_right_arithmetic3A_234, %shift_left3A_235 : i32
      %multiple_of3A_237 = tpu.assume_multiple %shift_left3A_236, 128 : i32
      %dma_start3A_238 = arith.constant 0 : i32
      %dma_start3A_239 = arith.constant 0 : i32
      %dma_start3A_240 = tpu.memref_slice %arg3[%dma_start3A_238, %dma_start3A_239, %multiple_of3A_237] : memref<8x8x1000000xf32, #tpu.memory_space<hbm>> -> memref<8x8x128xf32, #tpu.memory_space<hbm>>
      %dma_start3A_241 = arith.constant 0 : i32
      %dma_start3A_242 = arith.constant 0 : i32
      %dma_start3A_243 = tpu.memref_slice %arg3[%dma_start3A_241, %dma_start3A_242, %multiple_of3A_237] : memref<8x8x1000000xf32, #tpu.memory_space<hbm>> -> memref<8x8x128xf32, #tpu.memory_space<hbm>>
      tpu.enqueue_dma source(%dma_start3A_243 : memref<8x8x128xf32, #tpu.memory_space<hbm>>) target(%arg7 : memref<8x8x128xf32, #tpu.memory_space<vmem>>) target_semaphore(%arg12 : memref<!tpu.dma_semaphore, #tpu.memory_space<semaphore_mem>>)
      %dma_wait3A_244 = arith.constant 0 : i32
      %dma_wait3A_245 = arith.constant 0 : i32
      %dma_wait3A_246 = arith.constant 0 : i32
      %dma_wait3A_247 = tpu.memref_slice %arg3[%dma_wait3A_244, %dma_wait3A_245, %dma_wait3A_246] : memref<8x8x1000000xf32, #tpu.memory_space<hbm>> -> memref<8x8x128xf32, #tpu.memory_space<hbm>>
      %dma_wait3A_248 = arith.constant 0 : i32
      %dma_wait3A_249 = arith.constant 0 : i32
      %dma_wait3A_250 = arith.constant 0 : i32
      %dma_wait3A_251 = tpu.memref_slice %arg3[%dma_wait3A_248, %dma_wait3A_249, %dma_wait3A_250] : memref<8x8x1000000xf32, #tpu.memory_space<hbm>> -> memref<8x8x128xf32, #tpu.memory_space<hbm>>
      tpu.wait_dma2 semaphore(%arg13 : memref<!tpu.dma_semaphore, #tpu.memory_space<semaphore_mem>>) src(%dma_wait3A_251 : memref<8x8x128xf32, #tpu.memory_space<hbm>>) dst(%arg8 : memref<8x8x128xf32, #tpu.memory_space<vmem>>)
      %broadcast_in_dim3A_252 = arith.constant 0 : i32
      %broadcast_in_dim3A_253 = vector.broadcast %broadcast_in_dim3A_252 : i32 to vector<16xi32>
      %slice3A_254 = vector.extract_strided_slice %get3A_76 {offsets = [2], sizes = [1], strides = [1]} : vector<16xi32> to vector<1xi32>
      %squeeze3A_255 = vector.extract %slice3A_254[0] : i32 from vector<1xi32>
      %and3A_256 = arith.constant 127 : i32
      %and3A_257 = arith.andi %squeeze3A_255, %and3A_256 : i32
      %add3A_258 = vector.broadcast %and3A_257 : i32 to vector<16xi32>
      %add3A_259 = arith.addi %broadcast_in_dim3A_253, %add3A_258 : vector<16xi32>
      %add3A_260 = arith.constant 0 : i32
      %add3A_261 = vector.broadcast %add3A_260 : i32 to vector<16xi32>
      %add3A_262 = arith.addi %shift_right_arithmetic3A_4, %add3A_261 : vector<16xi32>
      %gather3A_263 = tpu.vector_load_idx %arg8[%add3A_262, %and3A_6, %add3A_259] : memref<8x8x128xf32, #tpu.memory_space<vmem>>[vector<16xi32>, vector<16xi32>, vector<16xi32>], vector<16xf32>,
      %mul3A_264 = arith.constant 64 : i32
      %mul3A_265 = arith.muli %add3A_230, %mul3A_264 : i32
      %add3A_266 = arith.constant 0 : i32
      %add3A_267 = arith.addi %mul3A_265, %add3A_266 : i32
      %swap3A_268 = arith.index_cast %add3A_267 : i32 to index
      %swap3A_269 = tpu.vector_load %arg10[%swap3A_268] {strides = array<i32>} : memref<32768xf32, #tpu.memory_space<vmem>>, vector<16xf32>,
      tpu.vector_store %arg10[%swap3A_268], %gather3A_263 {strides = array<i32>} : memref<32768xf32, #tpu.memory_space<vmem>>, vector<16xf32>,
      %add3A_270 = arith.constant 2 : i32
      %add3A_271 = vector.broadcast %add3A_270 : i32 to vector<16xi32>
      %add3A_272 = arith.addi %shift_right_arithmetic3A_4, %add3A_271 : vector<16xi32>
      %gather3A_273 = tpu.vector_load_idx %arg8[%add3A_272, %and3A_6, %add3A_259] : memref<8x8x128xf32, #tpu.memory_space<vmem>>[vector<16xi32>, vector<16xi32>, vector<16xi32>], vector<16xf32>,
      %mul3A_274 = arith.constant 64 : i32
      %mul3A_275 = arith.muli %add3A_230, %mul3A_274 : i32
      %add3A_276 = arith.constant 16 : i32
      %add3A_277 = arith.addi %mul3A_275, %add3A_276 : i32
      %swap3A_278 = arith.index_cast %add3A_277 : i32 to index
      %swap3A_279 = tpu.vector_load %arg10[%swap3A_278] {strides = array<i32>} : memref<32768xf32, #tpu.memory_space<vmem>>, vector<16xf32>,
      tpu.vector_store %arg10[%swap3A_278], %gather3A_273 {strides = array<i32>} : memref<32768xf32, #tpu.memory_space<vmem>>, vector<16xf32>,
      %add3A_280 = arith.constant 4 : i32
      %add3A_281 = vector.broadcast %add3A_280 : i32 to vector<16xi32>
      %add3A_282 = arith.addi %shift_right_arithmetic3A_4, %add3A_281 : vector<16xi32>
      %gather3A_283 = tpu.vector_load_idx %arg8[%add3A_282, %and3A_6, %add3A_259] : memref<8x8x128xf32, #tpu.memory_space<vmem>>[vector<16xi32>, vector<16xi32>, vector<16xi32>], vector<16xf32>,
      %mul3A_284 = arith.constant 64 : i32
      %mul3A_285 = arith.muli %add3A_230, %mul3A_284 : i32
      %add3A_286 = arith.constant 32 : i32
      %add3A_287 = arith.addi %mul3A_285, %add3A_286 : i32
      %swap3A_288 = arith.index_cast %add3A_287 : i32 to index
      %swap3A_289 = tpu.vector_load %arg10[%swap3A_288] {strides = array<i32>} : memref<32768xf32, #tpu.memory_space<vmem>>, vector<16xf32>,
      tpu.vector_store %arg10[%swap3A_288], %gather3A_283 {strides = array<i32>} : memref<32768xf32, #tpu.memory_space<vmem>>, vector<16xf32>,
      %add3A_290 = arith.constant 6 : i32
      %add3A_291 = vector.broadcast %add3A_290 : i32 to vector<16xi32>
      %add3A_292 = arith.addi %shift_right_arithmetic3A_4, %add3A_291 : vector<16xi32>
      %gather3A_293 = tpu.vector_load_idx %arg8[%add3A_292, %and3A_6, %add3A_259] : memref<8x8x128xf32, #tpu.memory_space<vmem>>[vector<16xi32>, vector<16xi32>, vector<16xi32>], vector<16xf32>,
      %mul3A_294 = arith.constant 64 : i32
      %mul3A_295 = arith.muli %add3A_230, %mul3A_294 : i32
      %add3A_296 = arith.constant 48 : i32
      %add3A_297 = arith.addi %mul3A_295, %add3A_296 : i32
      %swap3A_298 = arith.index_cast %add3A_297 : i32 to index
      %swap3A_299 = tpu.vector_load %arg10[%swap3A_298] {strides = array<i32>} : memref<32768xf32, #tpu.memory_space<vmem>>, vector<16xf32>,
      tpu.vector_store %arg10[%swap3A_298], %gather3A_293 {strides = array<i32>} : memref<32768xf32, #tpu.memory_space<vmem>>, vector<16xf32>,
      %mul3A_300 = arith.constant 16 : i32
      %mul3A_301 = arith.muli %scan3A_72, %mul3A_300 : i32
      %add3A_302 = arith.constant 3 : i32
      %add3A_303 = arith.addi %mul3A_301, %add3A_302 : i32
      %slice3A_304 = vector.extract_strided_slice %get3A_76 {offsets = [6], sizes = [1], strides = [1]} : vector<16xi32> to vector<1xi32>
      %squeeze3A_305 = vector.extract %slice3A_304[0] : i32 from vector<1xi32>
      %shift_right_arithmetic3A_306 = arith.constant 7 : i32
      %shift_right_arithmetic3A_307 = arith.shrsi %squeeze3A_305, %shift_right_arithmetic3A_306 : i32
      %shift_left3A_308 = arith.constant 7 : i32
      %shift_left3A_309 = arith.shli %shift_right_arithmetic3A_307, %shift_left3A_308 : i32
      %multiple_of3A_310 = tpu.assume_multiple %shift_left3A_309, 128 : i32
      %dma_start3A_311 = arith.constant 0 : i32
      %dma_start3A_312 = arith.constant 0 : i32
      %dma_start3A_313 = tpu.memref_slice %arg3[%dma_start3A_311, %dma_start3A_312, %multiple_of3A_310] : memref<8x8x1000000xf32, #tpu.memory_space<hbm>> -> memref<8x8x128xf32, #tpu.memory_space<hbm>>
      %dma_start3A_314 = arith.constant 0 : i32
      %dma_start3A_315 = arith.constant 0 : i32
      %dma_start3A_316 = tpu.memref_slice %arg3[%dma_start3A_314, %dma_start3A_315, %multiple_of3A_310] : memref<8x8x1000000xf32, #tpu.memory_space<hbm>> -> memref<8x8x128xf32, #tpu.memory_space<hbm>>
      tpu.enqueue_dma source(%dma_start3A_316 : memref<8x8x128xf32, #tpu.memory_space<hbm>>) target(%arg8 : memref<8x8x128xf32, #tpu.memory_space<vmem>>) target_semaphore(%arg13 : memref<!tpu.dma_semaphore, #tpu.memory_space<semaphore_mem>>)
      %dma_wait3A_317 = arith.constant 0 : i32
      %dma_wait3A_318 = arith.constant 0 : i32
      %dma_wait3A_319 = arith.constant 0 : i32
      %dma_wait3A_320 = tpu.memref_slice %arg3[%dma_wait3A_317, %dma_wait3A_318, %dma_wait3A_319] : memref<8x8x1000000xf32, #tpu.memory_space<hbm>> -> memref<8x8x128xf32, #tpu.memory_space<hbm>>
      %dma_wait3A_321 = arith.constant 0 : i32
      %dma_wait3A_322 = arith.constant 0 : i32
      %dma_wait3A_323 = arith.constant 0 : i32
      %dma_wait3A_324 = tpu.memref_slice %arg3[%dma_wait3A_321, %dma_wait3A_322, %dma_wait3A_323] : memref<8x8x1000000xf32, #tpu.memory_space<hbm>> -> memref<8x8x128xf32, #tpu.memory_space<hbm>>
      tpu.wait_dma2 semaphore(%arg14 : memref<!tpu.dma_semaphore, #tpu.memory_space<semaphore_mem>>) src(%dma_wait3A_324 : memref<8x8x128xf32, #tpu.memory_space<hbm>>) dst(%arg9 : memref<8x8x128xf32, #tpu.memory_space<vmem>>)
      %broadcast_in_dim3A_325 = arith.constant 0 : i32
      %broadcast_in_dim3A_326 = vector.broadcast %broadcast_in_dim3A_325 : i32 to vector<16xi32>
      %slice3A_327 = vector.extract_strided_slice %get3A_76 {offsets = [3], sizes = [1], strides = [1]} : vector<16xi32> to vector<1xi32>
      %squeeze3A_328 = vector.extract %slice3A_327[0] : i32 from vector<1xi32>
      %and3A_329 = arith.constant 127 : i32
      %and3A_330 = arith.andi %squeeze3A_328, %and3A_329 : i32
      %add3A_331 = vector.broadcast %and3A_330 : i32 to vector<16xi32>
      %add3A_332 = arith.addi %broadcast_in_dim3A_326, %add3A_331 : vector<16xi32>
      %add3A_333 = arith.constant 0 : i32
      %add3A_334 = vector.broadcast %add3A_333 : i32 to vector<16xi32>
      %add3A_335 = arith.addi %shift_right_arithmetic3A_4, %add3A_334 : vector<16xi32>
      %gather3A_336 = tpu.vector_load_idx %arg9[%add3A_335, %and3A_6, %add3A_332] : memref<8x8x128xf32, #tpu.memory_space<vmem>>[vector<16xi32>, vector<16xi32>, vector<16xi32>], vector<16xf32>,
      %mul3A_337 = arith.constant 64 : i32
      %mul3A_338 = arith.muli %add3A_303, %mul3A_337 : i32
      %add3A_339 = arith.constant 0 : i32
      %add3A_340 = arith.addi %mul3A_338, %add3A_339 : i32
      %swap3A_341 = arith.index_cast %add3A_340 : i32 to index
      %swap3A_342 = tpu.vector_load %arg10[%swap3A_341] {strides = array<i32>} : memref<32768xf32, #tpu.memory_space<vmem>>, vector<16xf32>,
      tpu.vector_store %arg10[%swap3A_341], %gather3A_336 {strides = array<i32>} : memref<32768xf32, #tpu.memory_space<vmem>>, vector<16xf32>,
      %add3A_343 = arith.constant 2 : i32
      %add3A_344 = vector.broadcast %add3A_343 : i32 to vector<16xi32>
      %add3A_345 = arith.addi %shift_right_arithmetic3A_4, %add3A_344 : vector<16xi32>
      %gather3A_346 = tpu.vector_load_idx %arg9[%add3A_345, %and3A_6, %add3A_332] : memref<8x8x128xf32, #tpu.memory_space<vmem>>[vector<16xi32>, vector<16xi32>, vector<16xi32>], vector<16xf32>,
      %mul3A_347 = arith.constant 64 : i32
      %mul3A_348 = arith.muli %add3A_303, %mul3A_347 : i32
      %add3A_349 = arith.constant 16 : i32
      %add3A_350 = arith.addi %mul3A_348, %add3A_349 : i32
      %swap3A_351 = arith.index_cast %add3A_350 : i32 to index
      %swap3A_352 = tpu.vector_load %arg10[%swap3A_351] {strides = array<i32>} : memref<32768xf32, #tpu.memory_space<vmem>>, vector<16xf32>,
      tpu.vector_store %arg10[%swap3A_351], %gather3A_346 {strides = array<i32>} : memref<32768xf32, #tpu.memory_space<vmem>>, vector<16xf32>,
      %add3A_353 = arith.constant 4 : i32
      %add3A_354 = vector.broadcast %add3A_353 : i32 to vector<16xi32>
      %add3A_355 = arith.addi %shift_right_arithmetic3A_4, %add3A_354 : vector<16xi32>
      %gather3A_356 = tpu.vector_load_idx %arg9[%add3A_355, %and3A_6, %add3A_332] : memref<8x8x128xf32, #tpu.memory_space<vmem>>[vector<16xi32>, vector<16xi32>, vector<16xi32>], vector<16xf32>,
      %mul3A_357 = arith.constant 64 : i32
      %mul3A_358 = arith.muli %add3A_303, %mul3A_357 : i32
      %add3A_359 = arith.constant 32 : i32
      %add3A_360 = arith.addi %mul3A_358, %add3A_359 : i32
      %swap3A_361 = arith.index_cast %add3A_360 : i32 to index
      %swap3A_362 = tpu.vector_load %arg10[%swap3A_361] {strides = array<i32>} : memref<32768xf32, #tpu.memory_space<vmem>>, vector<16xf32>,
      tpu.vector_store %arg10[%swap3A_361], %gather3A_356 {strides = array<i32>} : memref<32768xf32, #tpu.memory_space<vmem>>, vector<16xf32>,
      %add3A_363 = arith.constant 6 : i32
      %add3A_364 = vector.broadcast %add3A_363 : i32 to vector<16xi32>
      %add3A_365 = arith.addi %shift_right_arithmetic3A_4, %add3A_364 : vector<16xi32>
      %gather3A_366 = tpu.vector_load_idx %arg9[%add3A_365, %and3A_6, %add3A_332] : memref<8x8x128xf32, #tpu.memory_space<vmem>>[vector<16xi32>, vector<16xi32>, vector<16xi32>], vector<16xf32>,
      %mul3A_367 = arith.constant 64 : i32
      %mul3A_368 = arith.muli %add3A_303, %mul3A_367 : i32
      %add3A_369 = arith.constant 48 : i32
      %add3A_370 = arith.addi %mul3A_368, %add3A_369 : i32
      %swap3A_371 = arith.index_cast %add3A_370 : i32 to index
      %swap3A_372 = tpu.vector_load %arg10[%swap3A_371] {strides = array<i32>} : memref<32768xf32, #tpu.memory_space<vmem>>, vector<16xf32>,
      tpu.vector_store %arg10[%swap3A_371], %gather3A_366 {strides = array<i32>} : memref<32768xf32, #tpu.memory_space<vmem>>, vector<16xf32>,
      %mul3A_373 = arith.constant 16 : i32
      %mul3A_374 = arith.muli %scan3A_72, %mul3A_373 : i32
      %add3A_375 = arith.constant 4 : i32
      %add3A_376 = arith.addi %mul3A_374, %add3A_375 : i32
      %slice3A_377 = vector.extract_strided_slice %get3A_76 {offsets = [7], sizes = [1], strides = [1]} : vector<16xi32> to vector<1xi32>
      %squeeze3A_378 = vector.extract %slice3A_377[0] : i32 from vector<1xi32>
      %shift_right_arithmetic3A_379 = arith.constant 7 : i32
      %shift_right_arithmetic3A_380 = arith.shrsi %squeeze3A_378, %shift_right_arithmetic3A_379 : i32
      %shift_left3A_381 = arith.constant 7 : i32
      %shift_left3A_382 = arith.shli %shift_right_arithmetic3A_380, %shift_left3A_381 : i32
      %multiple_of3A_383 = tpu.assume_multiple %shift_left3A_382, 128 : i32
      %dma_start3A_384 = arith.constant 0 : i32
      %dma_start3A_385 = arith.constant 0 : i32
      %dma_start3A_386 = tpu.memref_slice %arg3[%dma_start3A_384, %dma_start3A_385, %multiple_of3A_383] : memref<8x8x1000000xf32, #tpu.memory_space<hbm>> -> memref<8x8x128xf32, #tpu.memory_space<hbm>>
      %dma_start3A_387 = arith.constant 0 : i32
      %dma_start3A_388 = arith.constant 0 : i32
      %dma_start3A_389 = tpu.memref_slice %arg3[%dma_start3A_387, %dma_start3A_388, %multiple_of3A_383] : memref<8x8x1000000xf32, #tpu.memory_space<hbm>> -> memref<8x8x128xf32, #tpu.memory_space<hbm>>
      tpu.enqueue_dma source(%dma_start3A_389 : memref<8x8x128xf32, #tpu.memory_space<hbm>>) target(%arg9 : memref<8x8x128xf32, #tpu.memory_space<vmem>>) target_semaphore(%arg14 : memref<!tpu.dma_semaphore, #tpu.memory_space<semaphore_mem>>)
      %dma_wait3A_390 = arith.constant 0 : i32
      %dma_wait3A_391 = arith.constant 0 : i32
      %dma_wait3A_392 = arith.constant 0 : i32
      %dma_wait3A_393 = tpu.memref_slice %arg3[%dma_wait3A_390, %dma_wait3A_391, %dma_wait3A_392] : memref<8x8x1000000xf32, #tpu.memory_space<hbm>> -> memref<8x8x128xf32, #tpu.memory_space<hbm>>
      %dma_wait3A_394 = arith.constant 0 : i32
      %dma_wait3A_395 = arith.constant 0 : i32
      %dma_wait3A_396 = arith.constant 0 : i32
      %dma_wait3A_397 = tpu.memref_slice %arg3[%dma_wait3A_394, %dma_wait3A_395, %dma_wait3A_396] : memref<8x8x1000000xf32, #tpu.memory_space<hbm>> -> memref<8x8x128xf32, #tpu.memory_space<hbm>>
      tpu.wait_dma2 semaphore(%arg11 : memref<!tpu.dma_semaphore, #tpu.memory_space<semaphore_mem>>) src(%dma_wait3A_397 : memref<8x8x128xf32, #tpu.memory_space<hbm>>) dst(%arg6 : memref<8x8x128xf32, #tpu.memory_space<vmem>>)
      %broadcast_in_dim3A_398 = arith.constant 0 : i32
      %broadcast_in_dim3A_399 = vector.broadcast %broadcast_in_dim3A_398 : i32 to vector<16xi32>
      %slice3A_400 = vector.extract_strided_slice %get3A_76 {offsets = [4], sizes = [1], strides = [1]} : vector<16xi32> to vector<1xi32>
      %squeeze3A_401 = vector.extract %slice3A_400[0] : i32 from vector<1xi32>
      %and3A_402 = arith.constant 127 : i32
      %and3A_403 = arith.andi %squeeze3A_401, %and3A_402 : i32
      %add3A_404 = vector.broadcast %and3A_403 : i32 to vector<16xi32>
      %add3A_405 = arith.addi %broadcast_in_dim3A_399, %add3A_404 : vector<16xi32>
      %add3A_406 = arith.constant 0 : i32
      %add3A_407 = vector.broadcast %add3A_406 : i32 to vector<16xi32>
      %add3A_408 = arith.addi %shift_right_arithmetic3A_4, %add3A_407 : vector<16xi32>
      %gather3A_409 = tpu.vector_load_idx %arg6[%add3A_408, %and3A_6, %add3A_405] : memref<8x8x128xf32, #tpu.memory_space<vmem>>[vector<16xi32>, vector<16xi32>, vector<16xi32>], vector<16xf32>,
      %mul3A_410 = arith.constant 64 : i32
      %mul3A_411 = arith.muli %add3A_376, %mul3A_410 : i32
      %add3A_412 = arith.constant 0 : i32
      %add3A_413 = arith.addi %mul3A_411, %add3A_412 : i32
      %swap3A_414 = arith.index_cast %add3A_413 : i32 to index
      %swap3A_415 = tpu.vector_load %arg10[%swap3A_414] {strides = array<i32>} : memref<32768xf32, #tpu.memory_space<vmem>>, vector<16xf32>,
      tpu.vector_store %arg10[%swap3A_414], %gather3A_409 {strides = array<i32>} : memref<32768xf32, #tpu.memory_space<vmem>>, vector<16xf32>,
      %add3A_416 = arith.constant 2 : i32
      %add3A_417 = vector.broadcast %add3A_416 : i32 to vector<16xi32>
      %add3A_418 = arith.addi %shift_right_arithmetic3A_4, %add3A_417 : vector<16xi32>
      %gather3A_419 = tpu.vector_load_idx %arg6[%add3A_418, %and3A_6, %add3A_405] : memref<8x8x128xf32, #tpu.memory_space<vmem>>[vector<16xi32>, vector<16xi32>, vector<16xi32>], vector<16xf32>,
      %mul3A_420 = arith.constant 64 : i32
      %mul3A_421 = arith.muli %add3A_376, %mul3A_420 : i32
      %add3A_422 = arith.constant 16 : i32
      %add3A_423 = arith.addi %mul3A_421, %add3A_422 : i32
      %swap3A_424 = arith.index_cast %add3A_423 : i32 to index
      %swap3A_425 = tpu.vector_load %arg10[%swap3A_424] {strides = array<i32>} : memref<32768xf32, #tpu.memory_space<vmem>>, vector<16xf32>,
      tpu.vector_store %arg10[%swap3A_424], %gather3A_419 {strides = array<i32>} : memref<32768xf32, #tpu.memory_space<vmem>>, vector<16xf32>,
      %add3A_426 = arith.constant 4 : i32
      %add3A_427 = vector.broadcast %add3A_426 : i32 to vector<16xi32>
      %add3A_428 = arith.addi %shift_right_arithmetic3A_4, %add3A_427 : vector<16xi32>
      %gather3A_429 = tpu.vector_load_idx %arg6[%add3A_428, %and3A_6, %add3A_405] : memref<8x8x128xf32, #tpu.memory_space<vmem>>[vector<16xi32>, vector<16xi32>, vector<16xi32>], vector<16xf32>,
      %mul3A_430 = arith.constant 64 : i32
      %mul3A_431 = arith.muli %add3A_376, %mul3A_430 : i32
      %add3A_432 = arith.constant 32 : i32
      %add3A_433 = arith.addi %mul3A_431, %add3A_432 : i32
      %swap3A_434 = arith.index_cast %add3A_433 : i32 to index
      %swap3A_435 = tpu.vector_load %arg10[%swap3A_434] {strides = array<i32>} : memref<32768xf32, #tpu.memory_space<vmem>>, vector<16xf32>,
      tpu.vector_store %arg10[%swap3A_434], %gather3A_429 {strides = array<i32>} : memref<32768xf32, #tpu.memory_space<vmem>>, vector<16xf32>,
      %add3A_436 = arith.constant 6 : i32
      %add3A_437 = vector.broadcast %add3A_436 : i32 to vector<16xi32>
      %add3A_438 = arith.addi %shift_right_arithmetic3A_4, %add3A_437 : vector<16xi32>
      %gather3A_439 = tpu.vector_load_idx %arg6[%add3A_438, %and3A_6, %add3A_405] : memref<8x8x128xf32, #tpu.memory_space<vmem>>[vector<16xi32>, vector<16xi32>, vector<16xi32>], vector<16xf32>,
      %mul3A_440 = arith.constant 64 : i32
      %mul3A_441 = arith.muli %add3A_376, %mul3A_440 : i32
      %add3A_442 = arith.constant 48 : i32
      %add3A_443 = arith.addi %mul3A_441, %add3A_442 : i32
      %swap3A_444 = arith.index_cast %add3A_443 : i32 to index
      %swap3A_445 = tpu.vector_load %arg10[%swap3A_444] {strides = array<i32>} : memref<32768xf32, #tpu.memory_space<vmem>>, vector<16xf32>,
      tpu.vector_store %arg10[%swap3A_444], %gather3A_439 {strides = array<i32>} : memref<32768xf32, #tpu.memory_space<vmem>>, vector<16xf32>,
      %mul3A_446 = arith.constant 16 : i32
      %mul3A_447 = arith.muli %scan3A_72, %mul3A_446 : i32
      %add3A_448 = arith.constant 5 : i32
      %add3A_449 = arith.addi %mul3A_447, %add3A_448 : i32
      %slice3A_450 = vector.extract_strided_slice %get3A_76 {offsets = [8], sizes = [1], strides = [1]} : vector<16xi32> to vector<1xi32>
      %squeeze3A_451 = vector.extract %slice3A_450[0] : i32 from vector<1xi32>
      %shift_right_arithmetic3A_452 = arith.constant 7 : i32
      %shift_right_arithmetic3A_453 = arith.shrsi %squeeze3A_451, %shift_right_arithmetic3A_452 : i32
      %shift_left3A_454 = arith.constant 7 : i32
      %shift_left3A_455 = arith.shli %shift_right_arithmetic3A_453, %shift_left3A_454 : i32
      %multiple_of3A_456 = tpu.assume_multiple %shift_left3A_455, 128 : i32
      %dma_start3A_457 = arith.constant 0 : i32
      %dma_start3A_458 = arith.constant 0 : i32
      %dma_start3A_459 = tpu.memref_slice %arg3[%dma_start3A_457, %dma_start3A_458, %multiple_of3A_456] : memref<8x8x1000000xf32, #tpu.memory_space<hbm>> -> memref<8x8x128xf32, #tpu.memory_space<hbm>>
      %dma_start3A_460 = arith.constant 0 : i32
      %dma_start3A_461 = arith.constant 0 : i32
      %dma_start3A_462 = tpu.memref_slice %arg3[%dma_start3A_460, %dma_start3A_461, %multiple_of3A_456] : memref<8x8x1000000xf32, #tpu.memory_space<hbm>> -> memref<8x8x128xf32, #tpu.memory_space<hbm>>
      tpu.enqueue_dma source(%dma_start3A_462 : memref<8x8x128xf32, #tpu.memory_space<hbm>>) target(%arg6 : memref<8x8x128xf32, #tpu.memory_space<vmem>>) target_semaphore(%arg11 : memref<!tpu.dma_semaphore, #tpu.memory_space<semaphore_mem>>)
      %dma_wait3A_463 = arith.constant 0 : i32
      %dma_wait3A_464 = arith.constant 0 : i32
      %dma_wait3A_465 = arith.constant 0 : i32
      %dma_wait3A_466 = tpu.memref_slice %arg3[%dma_wait3A_463, %dma_wait3A_464, %dma_wait3A_465] : memref<8x8x1000000xf32, #tpu.memory_space<hbm>> -> memref<8x8x128xf32, #tpu.memory_space<hbm>>
      %dma_wait3A_467 = arith.constant 0 : i32
      %dma_wait3A_468 = arith.constant 0 : i32
      %dma_wait3A_469 = arith.constant 0 : i32
      %dma_wait3A_470 = tpu.memref_slice %arg3[%dma_wait3A_467, %dma_wait3A_468, %dma_wait3A_469] : memref<8x8x1000000xf32, #tpu.memory_space<hbm>> -> memref<8x8x128xf32, #tpu.memory_space<hbm>>
      tpu.wait_dma2 semaphore(%arg12 : memref<!tpu.dma_semaphore, #tpu.memory_space<semaphore_mem>>) src(%dma_wait3A_470 : memref<8x8x128xf32, #tpu.memory_space<hbm>>) dst(%arg7 : memref<8x8x128xf32, #tpu.memory_space<vmem>>)
      %broadcast_in_dim3A_471 = arith.constant 0 : i32
      %broadcast_in_dim3A_472 = vector.broadcast %broadcast_in_dim3A_471 : i32 to vector<16xi32>
      %slice3A_473 = vector.extract_strided_slice %get3A_76 {offsets = [5], sizes = [1], strides = [1]} : vector<16xi32> to vector<1xi32>
      %squeeze3A_474 = vector.extract %slice3A_473[0] : i32 from vector<1xi32>
      %and3A_475 = arith.constant 127 : i32
      %and3A_476 = arith.andi %squeeze3A_474, %and3A_475 : i32
      %add3A_477 = vector.broadcast %and3A_476 : i32 to vector<16xi32>
      %add3A_478 = arith.addi %broadcast_in_dim3A_472, %add3A_477 : vector<16xi32>
      %add3A_479 = arith.constant 0 : i32
      %add3A_480 = vector.broadcast %add3A_479 : i32 to vector<16xi32>
      %add3A_481 = arith.addi %shift_right_arithmetic3A_4, %add3A_480 : vector<16xi32>
      %gather3A_482 = tpu.vector_load_idx %arg7[%add3A_481, %and3A_6, %add3A_478] : memref<8x8x128xf32, #tpu.memory_space<vmem>>[vector<16xi32>, vector<16xi32>, vector<16xi32>], vector<16xf32>,
      %mul3A_483 = arith.constant 64 : i32
      %mul3A_484 = arith.muli %add3A_449, %mul3A_483 : i32
      %add3A_485 = arith.constant 0 : i32
      %add3A_486 = arith.addi %mul3A_484, %add3A_485 : i32
      %swap3A_487 = arith.index_cast %add3A_486 : i32 to index
      %swap3A_488 = tpu.vector_load %arg10[%swap3A_487] {strides = array<i32>} : memref<32768xf32, #tpu.memory_space<vmem>>, vector<16xf32>,
      tpu.vector_store %arg10[%swap3A_487], %gather3A_482 {strides = array<i32>} : memref<32768xf32, #tpu.memory_space<vmem>>, vector<16xf32>,
      %add3A_489 = arith.constant 2 : i32
      %add3A_490 = vector.broadcast %add3A_489 : i32 to vector<16xi32>
      %add3A_491 = arith.addi %shift_right_arithmetic3A_4, %add3A_490 : vector<16xi32>
      %gather3A_492 = tpu.vector_load_idx %arg7[%add3A_491, %and3A_6, %add3A_478] : memref<8x8x128xf32, #tpu.memory_space<vmem>>[vector<16xi32>, vector<16xi32>, vector<16xi32>], vector<16xf32>,
      %mul3A_493 = arith.constant 64 : i32
      %mul3A_494 = arith.muli %add3A_449, %mul3A_493 : i32
      %add3A_495 = arith.constant 16 : i32
      %add3A_496 = arith.addi %mul3A_494, %add3A_495 : i32
      %swap3A_497 = arith.index_cast %add3A_496 : i32 to index
      %swap3A_498 = tpu.vector_load %arg10[%swap3A_497] {strides = array<i32>} : memref<32768xf32, #tpu.memory_space<vmem>>, vector<16xf32>,
      tpu.vector_store %arg10[%swap3A_497], %gather3A_492 {strides = array<i32>} : memref<32768xf32, #tpu.memory_space<vmem>>, vector<16xf32>,
      %add3A_499 = arith.constant 4 : i32
      %add3A_500 = vector.broadcast %add3A_499 : i32 to vector<16xi32>
      %add3A_501 = arith.addi %shift_right_arithmetic3A_4, %add3A_500 : vector<16xi32>
      %gather3A_502 = tpu.vector_load_idx %arg7[%add3A_501, %and3A_6, %add3A_478] : memref<8x8x128xf32, #tpu.memory_space<vmem>>[vector<16xi32>, vector<16xi32>, vector<16xi32>], vector<16xf32>,
      %mul3A_503 = arith.constant 64 : i32
      %mul3A_504 = arith.muli %add3A_449, %mul3A_503 : i32
      %add3A_505 = arith.constant 32 : i32
      %add3A_506 = arith.addi %mul3A_504, %add3A_505 : i32
      %swap3A_507 = arith.index_cast %add3A_506 : i32 to index
      %swap3A_508 = tpu.vector_load %arg10[%swap3A_507] {strides = array<i32>} : memref<32768xf32, #tpu.memory_space<vmem>>, vector<16xf32>,
      tpu.vector_store %arg10[%swap3A_507], %gather3A_502 {strides = array<i32>} : memref<32768xf32, #tpu.memory_space<vmem>>, vector<16xf32>,
      %add3A_509 = arith.constant 6 : i32
      %add3A_510 = vector.broadcast %add3A_509 : i32 to vector<16xi32>
      %add3A_511 = arith.addi %shift_right_arithmetic3A_4, %add3A_510 : vector<16xi32>
      %gather3A_512 = tpu.vector_load_idx %arg7[%add3A_511, %and3A_6, %add3A_478] : memref<8x8x128xf32, #tpu.memory_space<vmem>>[vector<16xi32>, vector<16xi32>, vector<16xi32>], vector<16xf32>,
      %mul3A_513 = arith.constant 64 : i32
      %mul3A_514 = arith.muli %add3A_449, %mul3A_513 : i32
      %add3A_515 = arith.constant 48 : i32
      %add3A_516 = arith.addi %mul3A_514, %add3A_515 : i32
      %swap3A_517 = arith.index_cast %add3A_516 : i32 to index
      %swap3A_518 = tpu.vector_load %arg10[%swap3A_517] {strides = array<i32>} : memref<32768xf32, #tpu.memory_space<vmem>>, vector<16xf32>,
      tpu.vector_store %arg10[%swap3A_517], %gather3A_512 {strides = array<i32>} : memref<32768xf32, #tpu.memory_space<vmem>>, vector<16xf32>,
      %mul3A_519 = arith.constant 16 : i32
      %mul3A_520 = arith.muli %scan3A_72, %mul3A_519 : i32
      %add3A_521 = arith.constant 6 : i32
      %add3A_522 = arith.addi %mul3A_520, %add3A_521 : i32
      %slice3A_523 = vector.extract_strided_slice %get3A_76 {offsets = [9], sizes = [1], strides = [1]} : vector<16xi32> to vector<1xi32>
      %squeeze3A_524 = vector.extract %slice3A_523[0] : i32 from vector<1xi32>
      %shift_right_arithmetic3A_525 = arith.constant 7 : i32
      %shift_right_arithmetic3A_526 = arith.shrsi %squeeze3A_524, %shift_right_arithmetic3A_525 : i32
      %shift_left3A_527 = arith.constant 7 : i32
      %shift_left3A_528 = arith.shli %shift_right_arithmetic3A_526, %shift_left3A_527 : i32
      %multiple_of3A_529 = tpu.assume_multiple %shift_left3A_528, 128 : i32
      %dma_start3A_530 = arith.constant 0 : i32
      %dma_start3A_531 = arith.constant 0 : i32
      %dma_start3A_532 = tpu.memref_slice %arg3[%dma_start3A_530, %dma_start3A_531, %multiple_of3A_529] : memref<8x8x1000000xf32, #tpu.memory_space<hbm>> -> memref<8x8x128xf32, #tpu.memory_space<hbm>>
      %dma_start3A_533 = arith.constant 0 : i32
      %dma_start3A_534 = arith.constant 0 : i32
      %dma_start3A_535 = tpu.memref_slice %arg3[%dma_start3A_533, %dma_start3A_534, %multiple_of3A_529] : memref<8x8x1000000xf32, #tpu.memory_space<hbm>> -> memref<8x8x128xf32, #tpu.memory_space<hbm>>
      tpu.enqueue_dma source(%dma_start3A_535 : memref<8x8x128xf32, #tpu.memory_space<hbm>>) target(%arg7 : memref<8x8x128xf32, #tpu.memory_space<vmem>>) target_semaphore(%arg12 : memref<!tpu.dma_semaphore, #tpu.memory_space<semaphore_mem>>)
      %dma_wait3A_536 = arith.constant 0 : i32
      %dma_wait3A_537 = arith.constant 0 : i32
      %dma_wait3A_538 = arith.constant 0 : i32
      %dma_wait3A_539 = tpu.memref_slice %arg3[%dma_wait3A_536, %dma_wait3A_537, %dma_wait3A_538] : memref<8x8x1000000xf32, #tpu.memory_space<hbm>> -> memref<8x8x128xf32, #tpu.memory_space<hbm>>
      %dma_wait3A_540 = arith.constant 0 : i32
      %dma_wait3A_541 = arith.constant 0 : i32
      %dma_wait3A_542 = arith.constant 0 : i32
      %dma_wait3A_543 = tpu.memref_slice %arg3[%dma_wait3A_540, %dma_wait3A_541, %dma_wait3A_542] : memref<8x8x1000000xf32, #tpu.memory_space<hbm>> -> memref<8x8x128xf32, #tpu.memory_space<hbm>>
      tpu.wait_dma2 semaphore(%arg13 : memref<!tpu.dma_semaphore, #tpu.memory_space<semaphore_mem>>) src(%dma_wait3A_543 : memref<8x8x128xf32, #tpu.memory_space<hbm>>) dst(%arg8 : memref<8x8x128xf32, #tpu.memory_space<vmem>>)
      %broadcast_in_dim3A_544 = arith.constant 0 : i32
      %broadcast_in_dim3A_545 = vector.broadcast %broadcast_in_dim3A_544 : i32 to vector<16xi32>
      %slice3A_546 = vector.extract_strided_slice %get3A_76 {offsets = [6], sizes = [1], strides = [1]} : vector<16xi32> to vector<1xi32>
      %squeeze3A_547 = vector.extract %slice3A_546[0] : i32 from vector<1xi32>
      %and3A_548 = arith.constant 127 : i32
      %and3A_549 = arith.andi %squeeze3A_547, %and3A_548 : i32
      %add3A_550 = vector.broadcast %and3A_549 : i32 to vector<16xi32>
      %add3A_551 = arith.addi %broadcast_in_dim3A_545, %add3A_550 : vector<16xi32>
      %add3A_552 = arith.constant 0 : i32
      %add3A_553 = vector.broadcast %add3A_552 : i32 to vector<16xi32>
      %add3A_554 = arith.addi %shift_right_arithmetic3A_4, %add3A_553 : vector<16xi32>
      %gather3A_555 = tpu.vector_load_idx %arg8[%add3A_554, %and3A_6, %add3A_551] : memref<8x8x128xf32, #tpu.memory_space<vmem>>[vector<16xi32>, vector<16xi32>, vector<16xi32>], vector<16xf32>,
      %mul3A_556 = arith.constant 64 : i32
      %mul3A_557 = arith.muli %add3A_522, %mul3A_556 : i32
      %add3A_558 = arith.constant 0 : i32
      %add3A_559 = arith.addi %mul3A_557, %add3A_558 : i32
      %swap3A_560 = arith.index_cast %add3A_559 : i32 to index
      %swap3A_561 = tpu.vector_load %arg10[%swap3A_560] {strides = array<i32>} : memref<32768xf32, #tpu.memory_space<vmem>>, vector<16xf32>,
      tpu.vector_store %arg10[%swap3A_560], %gather3A_555 {strides = array<i32>} : memref<32768xf32, #tpu.memory_space<vmem>>, vector<16xf32>,
      %add3A_562 = arith.constant 2 : i32
      %add3A_563 = vector.broadcast %add3A_562 : i32 to vector<16xi32>
      %add3A_564 = arith.addi %shift_right_arithmetic3A_4, %add3A_563 : vector<16xi32>
      %gather3A_565 = tpu.vector_load_idx %arg8[%add3A_564, %and3A_6, %add3A_551] : memref<8x8x128xf32, #tpu.memory_space<vmem>>[vector<16xi32>, vector<16xi32>, vector<16xi32>], vector<16xf32>,
      %mul3A_566 = arith.constant 64 : i32
      %mul3A_567 = arith.muli %add3A_522, %mul3A_566 : i32
      %add3A_568 = arith.constant 16 : i32
      %add3A_569 = arith.addi %mul3A_567, %add3A_568 : i32
      %swap3A_570 = arith.index_cast %add3A_569 : i32 to index
      %swap3A_571 = tpu.vector_load %arg10[%swap3A_570] {strides = array<i32>} : memref<32768xf32, #tpu.memory_space<vmem>>, vector<16xf32>,
      tpu.vector_store %arg10[%swap3A_570], %gather3A_565 {strides = array<i32>} : memref<32768xf32, #tpu.memory_space<vmem>>, vector<16xf32>,
      %add3A_572 = arith.constant 4 : i32
      %add3A_573 = vector.broadcast %add3A_572 : i32 to vector<16xi32>
      %add3A_574 = arith.addi %shift_right_arithmetic3A_4, %add3A_573 : vector<16xi32>
      %gather3A_575 = tpu.vector_load_idx %arg8[%add3A_574, %and3A_6, %add3A_551] : memref<8x8x128xf32, #tpu.memory_space<vmem>>[vector<16xi32>, vector<16xi32>, vector<16xi32>], vector<16xf32>,
      %mul3A_576 = arith.constant 64 : i32
      %mul3A_577 = arith.muli %add3A_522, %mul3A_576 : i32
      %add3A_578 = arith.constant 32 : i32
      %add3A_579 = arith.addi %mul3A_577, %add3A_578 : i32
      %swap3A_580 = arith.index_cast %add3A_579 : i32 to index
      %swap3A_581 = tpu.vector_load %arg10[%swap3A_580] {strides = array<i32>} : memref<32768xf32, #tpu.memory_space<vmem>>, vector<16xf32>,
      tpu.vector_store %arg10[%swap3A_580], %gather3A_575 {strides = array<i32>} : memref<32768xf32, #tpu.memory_space<vmem>>, vector<16xf32>,
      %add3A_582 = arith.constant 6 : i32
      %add3A_583 = vector.broadcast %add3A_582 : i32 to vector<16xi32>
      %add3A_584 = arith.addi %shift_right_arithmetic3A_4, %add3A_583 : vector<16xi32>
      %gather3A_585 = tpu.vector_load_idx %arg8[%add3A_584, %and3A_6, %add3A_551] : memref<8x8x128xf32, #tpu.memory_space<vmem>>[vector<16xi32>, vector<16xi32>, vector<16xi32>], vector<16xf32>,
      %mul3A_586 = arith.constant 64 : i32
      %mul3A_587 = arith.muli %add3A_522, %mul3A_586 : i32
      %add3A_588 = arith.constant 48 : i32
      %add3A_589 = arith.addi %mul3A_587, %add3A_588 : i32
      %swap3A_590 = arith.index_cast %add3A_589 : i32 to index
      %swap3A_591 = tpu.vector_load %arg10[%swap3A_590] {strides = array<i32>} : memref<32768xf32, #tpu.memory_space<vmem>>, vector<16xf32>,
      tpu.vector_store %arg10[%swap3A_590], %gather3A_585 {strides = array<i32>} : memref<32768xf32, #tpu.memory_space<vmem>>, vector<16xf32>,
      %mul3A_592 = arith.constant 16 : i32
      %mul3A_593 = arith.muli %scan3A_72, %mul3A_592 : i32
      %add3A_594 = arith.constant 7 : i32
      %add3A_595 = arith.addi %mul3A_593, %add3A_594 : i32
      %slice3A_596 = vector.extract_strided_slice %get3A_76 {offsets = [10], sizes = [1], strides = [1]} : vector<16xi32> to vector<1xi32>
      %squeeze3A_597 = vector.extract %slice3A_596[0] : i32 from vector<1xi32>
      %shift_right_arithmetic3A_598 = arith.constant 7 : i32
      %shift_right_arithmetic3A_599 = arith.shrsi %squeeze3A_597, %shift_right_arithmetic3A_598 : i32
      %shift_left3A_600 = arith.constant 7 : i32
      %shift_left3A_601 = arith.shli %shift_right_arithmetic3A_599, %shift_left3A_600 : i32
      %multiple_of3A_602 = tpu.assume_multiple %shift_left3A_601, 128 : i32
      %dma_start3A_603 = arith.constant 0 : i32
      %dma_start3A_604 = arith.constant 0 : i32
      %dma_start3A_605 = tpu.memref_slice %arg3[%dma_start3A_603, %dma_start3A_604, %multiple_of3A_602] : memref<8x8x1000000xf32, #tpu.memory_space<hbm>> -> memref<8x8x128xf32, #tpu.memory_space<hbm>>
      %dma_start3A_606 = arith.constant 0 : i32
      %dma_start3A_607 = arith.constant 0 : i32
      %dma_start3A_608 = tpu.memref_slice %arg3[%dma_start3A_606, %dma_start3A_607, %multiple_of3A_602] : memref<8x8x1000000xf32, #tpu.memory_space<hbm>> -> memref<8x8x128xf32, #tpu.memory_space<hbm>>
      tpu.enqueue_dma source(%dma_start3A_608 : memref<8x8x128xf32, #tpu.memory_space<hbm>>) target(%arg8 : memref<8x8x128xf32, #tpu.memory_space<vmem>>) target_semaphore(%arg13 : memref<!tpu.dma_semaphore, #tpu.memory_space<semaphore_mem>>)
      %dma_wait3A_609 = arith.constant 0 : i32
      %dma_wait3A_610 = arith.constant 0 : i32
      %dma_wait3A_611 = arith.constant 0 : i32
      %dma_wait3A_612 = tpu.memref_slice %arg3[%dma_wait3A_609, %dma_wait3A_610, %dma_wait3A_611] : memref<8x8x1000000xf32, #tpu.memory_space<hbm>> -> memref<8x8x128xf32, #tpu.memory_space<hbm>>
      %dma_wait3A_613 = arith.constant 0 : i32
      %dma_wait3A_614 = arith.constant 0 : i32
      %dma_wait3A_615 = arith.constant 0 : i32
      %dma_wait3A_616 = tpu.memref_slice %arg3[%dma_wait3A_613, %dma_wait3A_614, %dma_wait3A_615] : memref<8x8x1000000xf32, #tpu.memory_space<hbm>> -> memref<8x8x128xf32, #tpu.memory_space<hbm>>
      tpu.wait_dma2 semaphore(%arg14 : memref<!tpu.dma_semaphore, #tpu.memory_space<semaphore_mem>>) src(%dma_wait3A_616 : memref<8x8x128xf32, #tpu.memory_space<hbm>>) dst(%arg9 : memref<8x8x128xf32, #tpu.memory_space<vmem>>)
      %broadcast_in_dim3A_617 = arith.constant 0 : i32
      %broadcast_in_dim3A_618 = vector.broadcast %broadcast_in_dim3A_617 : i32 to vector<16xi32>
      %slice3A_619 = vector.extract_strided_slice %get3A_76 {offsets = [7], sizes = [1], strides = [1]} : vector<16xi32> to vector<1xi32>
      %squeeze3A_620 = vector.extract %slice3A_619[0] : i32 from vector<1xi32>
      %and3A_621 = arith.constant 127 : i32
      %and3A_622 = arith.andi %squeeze3A_620, %and3A_621 : i32
      %add3A_623 = vector.broadcast %and3A_622 : i32 to vector<16xi32>
      %add3A_624 = arith.addi %broadcast_in_dim3A_618, %add3A_623 : vector<16xi32>
      %add3A_625 = arith.constant 0 : i32
      %add3A_626 = vector.broadcast %add3A_625 : i32 to vector<16xi32>
      %add3A_627 = arith.addi %shift_right_arithmetic3A_4, %add3A_626 : vector<16xi32>
      %gather3A_628 = tpu.vector_load_idx %arg9[%add3A_627, %and3A_6, %add3A_624] : memref<8x8x128xf32, #tpu.memory_space<vmem>>[vector<16xi32>, vector<16xi32>, vector<16xi32>], vector<16xf32>,
      %mul3A_629 = arith.constant 64 : i32
      %mul3A_630 = arith.muli %add3A_595, %mul3A_629 : i32
      %add3A_631 = arith.constant 0 : i32
      %add3A_632 = arith.addi %mul3A_630, %add3A_631 : i32
      %swap3A_633 = arith.index_cast %add3A_632 : i32 to index
      %swap3A_634 = tpu.vector_load %arg10[%swap3A_633] {strides = array<i32>} : memref<32768xf32, #tpu.memory_space<vmem>>, vector<16xf32>,
      tpu.vector_store %arg10[%swap3A_633], %gather3A_628 {strides = array<i32>} : memref<32768xf32, #tpu.memory_space<vmem>>, vector<16xf32>,
      %add3A_635 = arith.constant 2 : i32
      %add3A_636 = vector.broadcast %add3A_635 : i32 to vector<16xi32>
      %add3A_637 = arith.addi %shift_right_arithmetic3A_4, %add3A_636 : vector<16xi32>
      %gather3A_638 = tpu.vector_load_idx %arg9[%add3A_637, %and3A_6, %add3A_624] : memref<8x8x128xf32, #tpu.memory_space<vmem>>[vector<16xi32>, vector<16xi32>, vector<16xi32>], vector<16xf32>,
      %mul3A_639 = arith.constant 64 : i32
      %mul3A_640 = arith.muli %add3A_595, %mul3A_639 : i32
      %add3A_641 = arith.constant 16 : i32
      %add3A_642 = arith.addi %mul3A_640, %add3A_641 : i32
      %swap3A_643 = arith.index_cast %add3A_642 : i32 to index
      %swap3A_644 = tpu.vector_load %arg10[%swap3A_643] {strides = array<i32>} : memref<32768xf32, #tpu.memory_space<vmem>>, vector<16xf32>,
      tpu.vector_store %arg10[%swap3A_643], %gather3A_638 {strides = array<i32>} : memref<32768xf32, #tpu.memory_space<vmem>>, vector<16xf32>,
      %add3A_645 = arith.constant 4 : i32
      %add3A_646 = vector.broadcast %add3A_645 : i32 to vector<16xi32>
      %add3A_647 = arith.addi %shift_right_arithmetic3A_4, %add3A_646 : vector<16xi32>
      %gather3A_648 = tpu.vector_load_idx %arg9[%add3A_647, %and3A_6, %add3A_624] : memref<8x8x128xf32, #tpu.memory_space<vmem>>[vector<16xi32>, vector<16xi32>, vector<16xi32>], vector<16xf32>,
      %mul3A_649 = arith.constant 64 : i32
      %mul3A_650 = arith.muli %add3A_595, %mul3A_649 : i32
      %add3A_651 = arith.constant 32 : i32
      %add3A_652 = arith.addi %mul3A_650, %add3A_651 : i32
      %swap3A_653 = arith.index_cast %add3A_652 : i32 to index
      %swap3A_654 = tpu.vector_load %arg10[%swap3A_653] {strides = array<i32>} : memref<32768xf32, #tpu.memory_space<vmem>>, vector<16xf32>,
      tpu.vector_store %arg10[%swap3A_653], %gather3A_648 {strides = array<i32>} : memref<32768xf32, #tpu.memory_space<vmem>>, vector<16xf32>,
      %add3A_655 = arith.constant 6 : i32
      %add3A_656 = vector.broadcast %add3A_655 : i32 to vector<16xi32>
      %add3A_657 = arith.addi %shift_right_arithmetic3A_4, %add3A_656 : vector<16xi32>
      %gather3A_658 = tpu.vector_load_idx %arg9[%add3A_657, %and3A_6, %add3A_624] : memref<8x8x128xf32, #tpu.memory_space<vmem>>[vector<16xi32>, vector<16xi32>, vector<16xi32>], vector<16xf32>,
      %mul3A_659 = arith.constant 64 : i32
      %mul3A_660 = arith.muli %add3A_595, %mul3A_659 : i32
      %add3A_661 = arith.constant 48 : i32
      %add3A_662 = arith.addi %mul3A_660, %add3A_661 : i32
      %swap3A_663 = arith.index_cast %add3A_662 : i32 to index
      %swap3A_664 = tpu.vector_load %arg10[%swap3A_663] {strides = array<i32>} : memref<32768xf32, #tpu.memory_space<vmem>>, vector<16xf32>,
      tpu.vector_store %arg10[%swap3A_663], %gather3A_658 {strides = array<i32>} : memref<32768xf32, #tpu.memory_space<vmem>>, vector<16xf32>,
      %mul3A_665 = arith.constant 16 : i32
      %mul3A_666 = arith.muli %scan3A_72, %mul3A_665 : i32
      %add3A_667 = arith.constant 8 : i32
      %add3A_668 = arith.addi %mul3A_666, %add3A_667 : i32
      %slice3A_669 = vector.extract_strided_slice %get3A_76 {offsets = [11], sizes = [1], strides = [1]} : vector<16xi32> to vector<1xi32>
      %squeeze3A_670 = vector.extract %slice3A_669[0] : i32 from vector<1xi32>
      %shift_right_arithmetic3A_671 = arith.constant 7 : i32
      %shift_right_arithmetic3A_672 = arith.shrsi %squeeze3A_670, %shift_right_arithmetic3A_671 : i32
      %shift_left3A_673 = arith.constant 7 : i32
      %shift_left3A_674 = arith.shli %shift_right_arithmetic3A_672, %shift_left3A_673 : i32
      %multiple_of3A_675 = tpu.assume_multiple %shift_left3A_674, 128 : i32
      %dma_start3A_676 = arith.constant 0 : i32
      %dma_start3A_677 = arith.constant 0 : i32
      %dma_start3A_678 = tpu.memref_slice %arg3[%dma_start3A_676, %dma_start3A_677, %multiple_of3A_675] : memref<8x8x1000000xf32, #tpu.memory_space<hbm>> -> memref<8x8x128xf32, #tpu.memory_space<hbm>>
      %dma_start3A_679 = arith.constant 0 : i32
      %dma_start3A_680 = arith.constant 0 : i32
      %dma_start3A_681 = tpu.memref_slice %arg3[%dma_start3A_679, %dma_start3A_680, %multiple_of3A_675] : memref<8x8x1000000xf32, #tpu.memory_space<hbm>> -> memref<8x8x128xf32, #tpu.memory_space<hbm>>
      tpu.enqueue_dma source(%dma_start3A_681 : memref<8x8x128xf32, #tpu.memory_space<hbm>>) target(%arg9 : memref<8x8x128xf32, #tpu.memory_space<vmem>>) target_semaphore(%arg14 : memref<!tpu.dma_semaphore, #tpu.memory_space<semaphore_mem>>)
      %dma_wait3A_682 = arith.constant 0 : i32
      %dma_wait3A_683 = arith.constant 0 : i32
      %dma_wait3A_684 = arith.constant 0 : i32
      %dma_wait3A_685 = tpu.memref_slice %arg3[%dma_wait3A_682, %dma_wait3A_683, %dma_wait3A_684] : memref<8x8x1000000xf32, #tpu.memory_space<hbm>> -> memref<8x8x128xf32, #tpu.memory_space<hbm>>
      %dma_wait3A_686 = arith.constant 0 : i32
      %dma_wait3A_687 = arith.constant 0 : i32
      %dma_wait3A_688 = arith.constant 0 : i32
      %dma_wait3A_689 = tpu.memref_slice %arg3[%dma_wait3A_686, %dma_wait3A_687, %dma_wait3A_688] : memref<8x8x1000000xf32, #tpu.memory_space<hbm>> -> memref<8x8x128xf32, #tpu.memory_space<hbm>>
      tpu.wait_dma2 semaphore(%arg11 : memref<!tpu.dma_semaphore, #tpu.memory_space<semaphore_mem>>) src(%dma_wait3A_689 : memref<8x8x128xf32, #tpu.memory_space<hbm>>) dst(%arg6 : memref<8x8x128xf32, #tpu.memory_space<vmem>>)
      %broadcast_in_dim3A_690 = arith.constant 0 : i32
      %broadcast_in_dim3A_691 = vector.broadcast %broadcast_in_dim3A_690 : i32 to vector<16xi32>
      %slice3A_692 = vector.extract_strided_slice %get3A_76 {offsets = [8], sizes = [1], strides = [1]} : vector<16xi32> to vector<1xi32>
      %squeeze3A_693 = vector.extract %slice3A_692[0] : i32 from vector<1xi32>
      %and3A_694 = arith.constant 127 : i32
      %and3A_695 = arith.andi %squeeze3A_693, %and3A_694 : i32
      %add3A_696 = vector.broadcast %and3A_695 : i32 to vector<16xi32>
      %add3A_697 = arith.addi %broadcast_in_dim3A_691, %add3A_696 : vector<16xi32>
      %add3A_698 = arith.constant 0 : i32
      %add3A_699 = vector.broadcast %add3A_698 : i32 to vector<16xi32>
      %add3A_700 = arith.addi %shift_right_arithmetic3A_4, %add3A_699 : vector<16xi32>
      %gather3A_701 = tpu.vector_load_idx %arg6[%add3A_700, %and3A_6, %add3A_697] : memref<8x8x128xf32, #tpu.memory_space<vmem>>[vector<16xi32>, vector<16xi32>, vector<16xi32>], vector<16xf32>,
      %mul3A_702 = arith.constant 64 : i32
      %mul3A_703 = arith.muli %add3A_668, %mul3A_702 : i32
      %add3A_704 = arith.constant 0 : i32
      %add3A_705 = arith.addi %mul3A_703, %add3A_704 : i32
      %swap3A_706 = arith.index_cast %add3A_705 : i32 to index
      %swap3A_707 = tpu.vector_load %arg10[%swap3A_706] {strides = array<i32>} : memref<32768xf32, #tpu.memory_space<vmem>>, vector<16xf32>,
      tpu.vector_store %arg10[%swap3A_706], %gather3A_701 {strides = array<i32>} : memref<32768xf32, #tpu.memory_space<vmem>>, vector<16xf32>,
      %add3A_708 = arith.constant 2 : i32
      %add3A_709 = vector.broadcast %add3A_708 : i32 to vector<16xi32>
      %add3A_710 = arith.addi %shift_right_arithmetic3A_4, %add3A_709 : vector<16xi32>
      %gather3A_711 = tpu.vector_load_idx %arg6[%add3A_710, %and3A_6, %add3A_697] : memref<8x8x128xf32, #tpu.memory_space<vmem>>[vector<16xi32>, vector<16xi32>, vector<16xi32>], vector<16xf32>,
      %mul3A_712 = arith.constant 64 : i32
      %mul3A_713 = arith.muli %add3A_668, %mul3A_712 : i32
      %add3A_714 = arith.constant 16 : i32
      %add3A_715 = arith.addi %mul3A_713, %add3A_714 : i32
      %swap3A_716 = arith.index_cast %add3A_715 : i32 to index
      %swap3A_717 = tpu.vector_load %arg10[%swap3A_716] {strides = array<i32>} : memref<32768xf32, #tpu.memory_space<vmem>>, vector<16xf32>,
      tpu.vector_store %arg10[%swap3A_716], %gather3A_711 {strides = array<i32>} : memref<32768xf32, #tpu.memory_space<vmem>>, vector<16xf32>,
      %add3A_718 = arith.constant 4 : i32
      %add3A_719 = vector.broadcast %add3A_718 : i32 to vector<16xi32>
      %add3A_720 = arith.addi %shift_right_arithmetic3A_4, %add3A_719 : vector<16xi32>
      %gather3A_721 = tpu.vector_load_idx %arg6[%add3A_720, %and3A_6, %add3A_697] : memref<8x8x128xf32, #tpu.memory_space<vmem>>[vector<16xi32>, vector<16xi32>, vector<16xi32>], vector<16xf32>,
      %mul3A_722 = arith.constant 64 : i32
      %mul3A_723 = arith.muli %add3A_668, %mul3A_722 : i32
      %add3A_724 = arith.constant 32 : i32
      %add3A_725 = arith.addi %mul3A_723, %add3A_724 : i32
      %swap3A_726 = arith.index_cast %add3A_725 : i32 to index
      %swap3A_727 = tpu.vector_load %arg10[%swap3A_726] {strides = array<i32>} : memref<32768xf32, #tpu.memory_space<vmem>>, vector<16xf32>,
      tpu.vector_store %arg10[%swap3A_726], %gather3A_721 {strides = array<i32>} : memref<32768xf32, #tpu.memory_space<vmem>>, vector<16xf32>,
      %add3A_728 = arith.constant 6 : i32
      %add3A_729 = vector.broadcast %add3A_728 : i32 to vector<16xi32>
      %add3A_730 = arith.addi %shift_right_arithmetic3A_4, %add3A_729 : vector<16xi32>
      %gather3A_731 = tpu.vector_load_idx %arg6[%add3A_730, %and3A_6, %add3A_697] : memref<8x8x128xf32, #tpu.memory_space<vmem>>[vector<16xi32>, vector<16xi32>, vector<16xi32>], vector<16xf32>,
      %mul3A_732 = arith.constant 64 : i32
      %mul3A_733 = arith.muli %add3A_668, %mul3A_732 : i32
      %add3A_734 = arith.constant 48 : i32
      %add3A_735 = arith.addi %mul3A_733, %add3A_734 : i32
      %swap3A_736 = arith.index_cast %add3A_735 : i32 to index
      %swap3A_737 = tpu.vector_load %arg10[%swap3A_736] {strides = array<i32>} : memref<32768xf32, #tpu.memory_space<vmem>>, vector<16xf32>,
      tpu.vector_store %arg10[%swap3A_736], %gather3A_731 {strides = array<i32>} : memref<32768xf32, #tpu.memory_space<vmem>>, vector<16xf32>,
      %mul3A_738 = arith.constant 16 : i32
      %mul3A_739 = arith.muli %scan3A_72, %mul3A_738 : i32
      %add3A_740 = arith.constant 9 : i32
      %add3A_741 = arith.addi %mul3A_739, %add3A_740 : i32
      %slice3A_742 = vector.extract_strided_slice %get3A_76 {offsets = [12], sizes = [1], strides = [1]} : vector<16xi32> to vector<1xi32>
      %squeeze3A_743 = vector.extract %slice3A_742[0] : i32 from vector<1xi32>
      %shift_right_arithmetic3A_744 = arith.constant 7 : i32
      %shift_right_arithmetic3A_745 = arith.shrsi %squeeze3A_743, %shift_right_arithmetic3A_744 : i32
      %shift_left3A_746 = arith.constant 7 : i32
      %shift_left3A_747 = arith.shli %shift_right_arithmetic3A_745, %shift_left3A_746 : i32
      %multiple_of3A_748 = tpu.assume_multiple %shift_left3A_747, 128 : i32
      %dma_start3A_749 = arith.constant 0 : i32
      %dma_start3A_750 = arith.constant 0 : i32
      %dma_start3A_751 = tpu.memref_slice %arg3[%dma_start3A_749, %dma_start3A_750, %multiple_of3A_748] : memref<8x8x1000000xf32, #tpu.memory_space<hbm>> -> memref<8x8x128xf32, #tpu.memory_space<hbm>>
      %dma_start3A_752 = arith.constant 0 : i32
      %dma_start3A_753 = arith.constant 0 : i32
      %dma_start3A_754 = tpu.memref_slice %arg3[%dma_start3A_752, %dma_start3A_753, %multiple_of3A_748] : memref<8x8x1000000xf32, #tpu.memory_space<hbm>> -> memref<8x8x128xf32, #tpu.memory_space<hbm>>
      tpu.enqueue_dma source(%dma_start3A_754 : memref<8x8x128xf32, #tpu.memory_space<hbm>>) target(%arg6 : memref<8x8x128xf32, #tpu.memory_space<vmem>>) target_semaphore(%arg11 : memref<!tpu.dma_semaphore, #tpu.memory_space<semaphore_mem>>)
      %dma_wait3A_755 = arith.constant 0 : i32
      %dma_wait3A_756 = arith.constant 0 : i32
      %dma_wait3A_757 = arith.constant 0 : i32
      %dma_wait3A_758 = tpu.memref_slice %arg3[%dma_wait3A_755, %dma_wait3A_756, %dma_wait3A_757] : memref<8x8x1000000xf32, #tpu.memory_space<hbm>> -> memref<8x8x128xf32, #tpu.memory_space<hbm>>
      %dma_wait3A_759 = arith.constant 0 : i32
      %dma_wait3A_760 = arith.constant 0 : i32
      %dma_wait3A_761 = arith.constant 0 : i32
      %dma_wait3A_762 = tpu.memref_slice %arg3[%dma_wait3A_759, %dma_wait3A_760, %dma_wait3A_761] : memref<8x8x1000000xf32, #tpu.memory_space<hbm>> -> memref<8x8x128xf32, #tpu.memory_space<hbm>>
      tpu.wait_dma2 semaphore(%arg12 : memref<!tpu.dma_semaphore, #tpu.memory_space<semaphore_mem>>) src(%dma_wait3A_762 : memref<8x8x128xf32, #tpu.memory_space<hbm>>) dst(%arg7 : memref<8x8x128xf32, #tpu.memory_space<vmem>>)
      %broadcast_in_dim3A_763 = arith.constant 0 : i32
      %broadcast_in_dim3A_764 = vector.broadcast %broadcast_in_dim3A_763 : i32 to vector<16xi32>
      %slice3A_765 = vector.extract_strided_slice %get3A_76 {offsets = [9], sizes = [1], strides = [1]} : vector<16xi32> to vector<1xi32>
      %squeeze3A_766 = vector.extract %slice3A_765[0] : i32 from vector<1xi32>
      %and3A_767 = arith.constant 127 : i32
      %and3A_768 = arith.andi %squeeze3A_766, %and3A_767 : i32
      %add3A_769 = vector.broadcast %and3A_768 : i32 to vector<16xi32>
      %add3A_770 = arith.addi %broadcast_in_dim3A_764, %add3A_769 : vector<16xi32>
      %add3A_771 = arith.constant 0 : i32
      %add3A_772 = vector.broadcast %add3A_771 : i32 to vector<16xi32>
      %add3A_773 = arith.addi %shift_right_arithmetic3A_4, %add3A_772 : vector<16xi32>
      %gather3A_774 = tpu.vector_load_idx %arg7[%add3A_773, %and3A_6, %add3A_770] : memref<8x8x128xf32, #tpu.memory_space<vmem>>[vector<16xi32>, vector<16xi32>, vector<16xi32>], vector<16xf32>,
      %mul3A_775 = arith.constant 64 : i32
      %mul3A_776 = arith.muli %add3A_741, %mul3A_775 : i32
      %add3A_777 = arith.constant 0 : i32
      %add3A_778 = arith.addi %mul3A_776, %add3A_777 : i32
      %swap3A_779 = arith.index_cast %add3A_778 : i32 to index
      %swap3A_780 = tpu.vector_load %arg10[%swap3A_779] {strides = array<i32>} : memref<32768xf32, #tpu.memory_space<vmem>>, vector<16xf32>,
      tpu.vector_store %arg10[%swap3A_779], %gather3A_774 {strides = array<i32>} : memref<32768xf32, #tpu.memory_space<vmem>>, vector<16xf32>,
      %add3A_781 = arith.constant 2 : i32
      %add3A_782 = vector.broadcast %add3A_781 : i32 to vector<16xi32>
      %add3A_783 = arith.addi %shift_right_arithmetic3A_4, %add3A_782 : vector<16xi32>
      %gather3A_784 = tpu.vector_load_idx %arg7[%add3A_783, %and3A_6, %add3A_770] : memref<8x8x128xf32, #tpu.memory_space<vmem>>[vector<16xi32>, vector<16xi32>, vector<16xi32>], vector<16xf32>,
      %mul3A_785 = arith.constant 64 : i32
      %mul3A_786 = arith.muli %add3A_741, %mul3A_785 : i32
      %add3A_787 = arith.constant 16 : i32
      %add3A_788 = arith.addi %mul3A_786, %add3A_787 : i32
      %swap3A_789 = arith.index_cast %add3A_788 : i32 to index
      %swap3A_790 = tpu.vector_load %arg10[%swap3A_789] {strides = array<i32>} : memref<32768xf32, #tpu.memory_space<vmem>>, vector<16xf32>,
      tpu.vector_store %arg10[%swap3A_789], %gather3A_784 {strides = array<i32>} : memref<32768xf32, #tpu.memory_space<vmem>>, vector<16xf32>,
      %add3A_791 = arith.constant 4 : i32
      %add3A_792 = vector.broadcast %add3A_791 : i32 to vector<16xi32>
      %add3A_793 = arith.addi %shift_right_arithmetic3A_4, %add3A_792 : vector<16xi32>
      %gather3A_794 = tpu.vector_load_idx %arg7[%add3A_793, %and3A_6, %add3A_770] : memref<8x8x128xf32, #tpu.memory_space<vmem>>[vector<16xi32>, vector<16xi32>, vector<16xi32>], vector<16xf32>,
      %mul3A_795 = arith.constant 64 : i32
      %mul3A_796 = arith.muli %add3A_741, %mul3A_795 : i32
      %add3A_797 = arith.constant 32 : i32
      %add3A_798 = arith.addi %mul3A_796, %add3A_797 : i32
      %swap3A_799 = arith.index_cast %add3A_798 : i32 to index
      %swap3A_800 = tpu.vector_load %arg10[%swap3A_799] {strides = array<i32>} : memref<32768xf32, #tpu.memory_space<vmem>>, vector<16xf32>,
      tpu.vector_store %arg10[%swap3A_799], %gather3A_794 {strides = array<i32>} : memref<32768xf32, #tpu.memory_space<vmem>>, vector<16xf32>,
      %add3A_801 = arith.constant 6 : i32
      %add3A_802 = vector.broadcast %add3A_801 : i32 to vector<16xi32>
      %add3A_803 = arith.addi %shift_right_arithmetic3A_4, %add3A_802 : vector<16xi32>
      %gather3A_804 = tpu.vector_load_idx %arg7[%add3A_803, %and3A_6, %add3A_770] : memref<8x8x128xf32, #tpu.memory_space<vmem>>[vector<16xi32>, vector<16xi32>, vector<16xi32>], vector<16xf32>,
      %mul3A_805 = arith.constant 64 : i32
      %mul3A_806 = arith.muli %add3A_741, %mul3A_805 : i32
      %add3A_807 = arith.constant 48 : i32
      %add3A_808 = arith.addi %mul3A_806, %add3A_807 : i32
      %swap3A_809 = arith.index_cast %add3A_808 : i32 to index
      %swap3A_810 = tpu.vector_load %arg10[%swap3A_809] {strides = array<i32>} : memref<32768xf32, #tpu.memory_space<vmem>>, vector<16xf32>,
      tpu.vector_store %arg10[%swap3A_809], %gather3A_804 {strides = array<i32>} : memref<32768xf32, #tpu.memory_space<vmem>>, vector<16xf32>,
      %mul3A_811 = arith.constant 16 : i32
      %mul3A_812 = arith.muli %scan3A_72, %mul3A_811 : i32
      %add3A_813 = arith.constant 10 : i32
      %add3A_814 = arith.addi %mul3A_812, %add3A_813 : i32
      %slice3A_815 = vector.extract_strided_slice %get3A_76 {offsets = [13], sizes = [1], strides = [1]} : vector<16xi32> to vector<1xi32>
      %squeeze3A_816 = vector.extract %slice3A_815[0] : i32 from vector<1xi32>
      %shift_right_arithmetic3A_817 = arith.constant 7 : i32
      %shift_right_arithmetic3A_818 = arith.shrsi %squeeze3A_816, %shift_right_arithmetic3A_817 : i32
      %shift_left3A_819 = arith.constant 7 : i32
      %shift_left3A_820 = arith.shli %shift_right_arithmetic3A_818, %shift_left3A_819 : i32
      %multiple_of3A_821 = tpu.assume_multiple %shift_left3A_820, 128 : i32
      %dma_start3A_822 = arith.constant 0 : i32
      %dma_start3A_823 = arith.constant 0 : i32
      %dma_start3A_824 = tpu.memref_slice %arg3[%dma_start3A_822, %dma_start3A_823, %multiple_of3A_821] : memref<8x8x1000000xf32, #tpu.memory_space<hbm>> -> memref<8x8x128xf32, #tpu.memory_space<hbm>>
      %dma_start3A_825 = arith.constant 0 : i32
      %dma_start3A_826 = arith.constant 0 : i32
      %dma_start3A_827 = tpu.memref_slice %arg3[%dma_start3A_825, %dma_start3A_826, %multiple_of3A_821] : memref<8x8x1000000xf32, #tpu.memory_space<hbm>> -> memref<8x8x128xf32, #tpu.memory_space<hbm>>
      tpu.enqueue_dma source(%dma_start3A_827 : memref<8x8x128xf32, #tpu.memory_space<hbm>>) target(%arg7 : memref<8x8x128xf32, #tpu.memory_space<vmem>>) target_semaphore(%arg12 : memref<!tpu.dma_semaphore, #tpu.memory_space<semaphore_mem>>)
      %dma_wait3A_828 = arith.constant 0 : i32
      %dma_wait3A_829 = arith.constant 0 : i32
      %dma_wait3A_830 = arith.constant 0 : i32
      %dma_wait3A_831 = tpu.memref_slice %arg3[%dma_wait3A_828, %dma_wait3A_829, %dma_wait3A_830] : memref<8x8x1000000xf32, #tpu.memory_space<hbm>> -> memref<8x8x128xf32, #tpu.memory_space<hbm>>
      %dma_wait3A_832 = arith.constant 0 : i32
      %dma_wait3A_833 = arith.constant 0 : i32
      %dma_wait3A_834 = arith.constant 0 : i32
      %dma_wait3A_835 = tpu.memref_slice %arg3[%dma_wait3A_832, %dma_wait3A_833, %dma_wait3A_834] : memref<8x8x1000000xf32, #tpu.memory_space<hbm>> -> memref<8x8x128xf32, #tpu.memory_space<hbm>>
      tpu.wait_dma2 semaphore(%arg13 : memref<!tpu.dma_semaphore, #tpu.memory_space<semaphore_mem>>) src(%dma_wait3A_835 : memref<8x8x128xf32, #tpu.memory_space<hbm>>) dst(%arg8 : memref<8x8x128xf32, #tpu.memory_space<vmem>>)
      %broadcast_in_dim3A_836 = arith.constant 0 : i32
      %broadcast_in_dim3A_837 = vector.broadcast %broadcast_in_dim3A_836 : i32 to vector<16xi32>
      %slice3A_838 = vector.extract_strided_slice %get3A_76 {offsets = [10], sizes = [1], strides = [1]} : vector<16xi32> to vector<1xi32>
      %squeeze3A_839 = vector.extract %slice3A_838[0] : i32 from vector<1xi32>
      %and3A_840 = arith.constant 127 : i32
      %and3A_841 = arith.andi %squeeze3A_839, %and3A_840 : i32
      %add3A_842 = vector.broadcast %and3A_841 : i32 to vector<16xi32>
      %add3A_843 = arith.addi %broadcast_in_dim3A_837, %add3A_842 : vector<16xi32>
      %add3A_844 = arith.constant 0 : i32
      %add3A_845 = vector.broadcast %add3A_844 : i32 to vector<16xi32>
      %add3A_846 = arith.addi %shift_right_arithmetic3A_4, %add3A_845 : vector<16xi32>
      %gather3A_847 = tpu.vector_load_idx %arg8[%add3A_846, %and3A_6, %add3A_843] : memref<8x8x128xf32, #tpu.memory_space<vmem>>[vector<16xi32>, vector<16xi32>, vector<16xi32>], vector<16xf32>,
      %mul3A_848 = arith.constant 64 : i32
      %mul3A_849 = arith.muli %add3A_814, %mul3A_848 : i32
      %add3A_850 = arith.constant 0 : i32
      %add3A_851 = arith.addi %mul3A_849, %add3A_850 : i32
      %swap3A_852 = arith.index_cast %add3A_851 : i32 to index
      %swap3A_853 = tpu.vector_load %arg10[%swap3A_852] {strides = array<i32>} : memref<32768xf32, #tpu.memory_space<vmem>>, vector<16xf32>,
      tpu.vector_store %arg10[%swap3A_852], %gather3A_847 {strides = array<i32>} : memref<32768xf32, #tpu.memory_space<vmem>>, vector<16xf32>,
      %add3A_854 = arith.constant 2 : i32
      %add3A_855 = vector.broadcast %add3A_854 : i32 to vector<16xi32>
      %add3A_856 = arith.addi %shift_right_arithmetic3A_4, %add3A_855 : vector<16xi32>
      %gather3A_857 = tpu.vector_load_idx %arg8[%add3A_856, %and3A_6, %add3A_843] : memref<8x8x128xf32, #tpu.memory_space<vmem>>[vector<16xi32>, vector<16xi32>, vector<16xi32>], vector<16xf32>,
      %mul3A_858 = arith.constant 64 : i32
      %mul3A_859 = arith.muli %add3A_814, %mul3A_858 : i32
      %add3A_860 = arith.constant 16 : i32
      %add3A_861 = arith.addi %mul3A_859, %add3A_860 : i32
      %swap3A_862 = arith.index_cast %add3A_861 : i32 to index
      %swap3A_863 = tpu.vector_load %arg10[%swap3A_862] {strides = array<i32>} : memref<32768xf32, #tpu.memory_space<vmem>>, vector<16xf32>,
      tpu.vector_store %arg10[%swap3A_862], %gather3A_857 {strides = array<i32>} : memref<32768xf32, #tpu.memory_space<vmem>>, vector<16xf32>,
      %add3A_864 = arith.constant 4 : i32
      %add3A_865 = vector.broadcast %add3A_864 : i32 to vector<16xi32>
      %add3A_866 = arith.addi %shift_right_arithmetic3A_4, %add3A_865 : vector<16xi32>
      %gather3A_867 = tpu.vector_load_idx %arg8[%add3A_866, %and3A_6, %add3A_843] : memref<8x8x128xf32, #tpu.memory_space<vmem>>[vector<16xi32>, vector<16xi32>, vector<16xi32>], vector<16xf32>,
      %mul3A_868 = arith.constant 64 : i32
      %mul3A_869 = arith.muli %add3A_814, %mul3A_868 : i32
      %add3A_870 = arith.constant 32 : i32
      %add3A_871 = arith.addi %mul3A_869, %add3A_870 : i32
      %swap3A_872 = arith.index_cast %add3A_871 : i32 to index
      %swap3A_873 = tpu.vector_load %arg10[%swap3A_872] {strides = array<i32>} : memref<32768xf32, #tpu.memory_space<vmem>>, vector<16xf32>,
      tpu.vector_store %arg10[%swap3A_872], %gather3A_867 {strides = array<i32>} : memref<32768xf32, #tpu.memory_space<vmem>>, vector<16xf32>,
      %add3A_874 = arith.constant 6 : i32
      %add3A_875 = vector.broadcast %add3A_874 : i32 to vector<16xi32>
      %add3A_876 = arith.addi %shift_right_arithmetic3A_4, %add3A_875 : vector<16xi32>
      %gather3A_877 = tpu.vector_load_idx %arg8[%add3A_876, %and3A_6, %add3A_843] : memref<8x8x128xf32, #tpu.memory_space<vmem>>[vector<16xi32>, vector<16xi32>, vector<16xi32>], vector<16xf32>,
      %mul3A_878 = arith.constant 64 : i32
      %mul3A_879 = arith.muli %add3A_814, %mul3A_878 : i32
      %add3A_880 = arith.constant 48 : i32
      %add3A_881 = arith.addi %mul3A_879, %add3A_880 : i32
      %swap3A_882 = arith.index_cast %add3A_881 : i32 to index
      %swap3A_883 = tpu.vector_load %arg10[%swap3A_882] {strides = array<i32>} : memref<32768xf32, #tpu.memory_space<vmem>>, vector<16xf32>,
      tpu.vector_store %arg10[%swap3A_882], %gather3A_877 {strides = array<i32>} : memref<32768xf32, #tpu.memory_space<vmem>>, vector<16xf32>,
      %mul3A_884 = arith.constant 16 : i32
      %mul3A_885 = arith.muli %scan3A_72, %mul3A_884 : i32
      %add3A_886 = arith.constant 11 : i32
      %add3A_887 = arith.addi %mul3A_885, %add3A_886 : i32
      %slice3A_888 = vector.extract_strided_slice %get3A_76 {offsets = [14], sizes = [1], strides = [1]} : vector<16xi32> to vector<1xi32>
      %squeeze3A_889 = vector.extract %slice3A_888[0] : i32 from vector<1xi32>
      %shift_right_arithmetic3A_890 = arith.constant 7 : i32
      %shift_right_arithmetic3A_891 = arith.shrsi %squeeze3A_889, %shift_right_arithmetic3A_890 : i32
      %shift_left3A_892 = arith.constant 7 : i32
      %shift_left3A_893 = arith.shli %shift_right_arithmetic3A_891, %shift_left3A_892 : i32
      %multiple_of3A_894 = tpu.assume_multiple %shift_left3A_893, 128 : i32
      %dma_start3A_895 = arith.constant 0 : i32
      %dma_start3A_896 = arith.constant 0 : i32
      %dma_start3A_897 = tpu.memref_slice %arg3[%dma_start3A_895, %dma_start3A_896, %multiple_of3A_894] : memref<8x8x1000000xf32, #tpu.memory_space<hbm>> -> memref<8x8x128xf32, #tpu.memory_space<hbm>>
      %dma_start3A_898 = arith.constant 0 : i32
      %dma_start3A_899 = arith.constant 0 : i32
      %dma_start3A_900 = tpu.memref_slice %arg3[%dma_start3A_898, %dma_start3A_899, %multiple_of3A_894] : memref<8x8x1000000xf32, #tpu.memory_space<hbm>> -> memref<8x8x128xf32, #tpu.memory_space<hbm>>
      tpu.enqueue_dma source(%dma_start3A_900 : memref<8x8x128xf32, #tpu.memory_space<hbm>>) target(%arg8 : memref<8x8x128xf32, #tpu.memory_space<vmem>>) target_semaphore(%arg13 : memref<!tpu.dma_semaphore, #tpu.memory_space<semaphore_mem>>)
      %dma_wait3A_901 = arith.constant 0 : i32
      %dma_wait3A_902 = arith.constant 0 : i32
      %dma_wait3A_903 = arith.constant 0 : i32
      %dma_wait3A_904 = tpu.memref_slice %arg3[%dma_wait3A_901, %dma_wait3A_902, %dma_wait3A_903] : memref<8x8x1000000xf32, #tpu.memory_space<hbm>> -> memref<8x8x128xf32, #tpu.memory_space<hbm>>
      %dma_wait3A_905 = arith.constant 0 : i32
      %dma_wait3A_906 = arith.constant 0 : i32
      %dma_wait3A_907 = arith.constant 0 : i32
      %dma_wait3A_908 = tpu.memref_slice %arg3[%dma_wait3A_905, %dma_wait3A_906, %dma_wait3A_907] : memref<8x8x1000000xf32, #tpu.memory_space<hbm>> -> memref<8x8x128xf32, #tpu.memory_space<hbm>>
      tpu.wait_dma2 semaphore(%arg14 : memref<!tpu.dma_semaphore, #tpu.memory_space<semaphore_mem>>) src(%dma_wait3A_908 : memref<8x8x128xf32, #tpu.memory_space<hbm>>) dst(%arg9 : memref<8x8x128xf32, #tpu.memory_space<vmem>>)
      %broadcast_in_dim3A_909 = arith.constant 0 : i32
      %broadcast_in_dim3A_910 = vector.broadcast %broadcast_in_dim3A_909 : i32 to vector<16xi32>
      %slice3A_911 = vector.extract_strided_slice %get3A_76 {offsets = [11], sizes = [1], strides = [1]} : vector<16xi32> to vector<1xi32>
      %squeeze3A_912 = vector.extract %slice3A_911[0] : i32 from vector<1xi32>
      %and3A_913 = arith.constant 127 : i32
      %and3A_914 = arith.andi %squeeze3A_912, %and3A_913 : i32
      %add3A_915 = vector.broadcast %and3A_914 : i32 to vector<16xi32>
      %add3A_916 = arith.addi %broadcast_in_dim3A_910, %add3A_915 : vector<16xi32>
      %add3A_917 = arith.constant 0 : i32
      %add3A_918 = vector.broadcast %add3A_917 : i32 to vector<16xi32>
      %add3A_919 = arith.addi %shift_right_arithmetic3A_4, %add3A_918 : vector<16xi32>
      %gather3A_920 = tpu.vector_load_idx %arg9[%add3A_919, %and3A_6, %add3A_916] : memref<8x8x128xf32, #tpu.memory_space<vmem>>[vector<16xi32>, vector<16xi32>, vector<16xi32>], vector<16xf32>,
      %mul3A_921 = arith.constant 64 : i32
      %mul3A_922 = arith.muli %add3A_887, %mul3A_921 : i32
      %add3A_923 = arith.constant 0 : i32
      %add3A_924 = arith.addi %mul3A_922, %add3A_923 : i32
      %swap3A_925 = arith.index_cast %add3A_924 : i32 to index
      %swap3A_926 = tpu.vector_load %arg10[%swap3A_925] {strides = array<i32>} : memref<32768xf32, #tpu.memory_space<vmem>>, vector<16xf32>,
      tpu.vector_store %arg10[%swap3A_925], %gather3A_920 {strides = array<i32>} : memref<32768xf32, #tpu.memory_space<vmem>>, vector<16xf32>,
      %add3A_927 = arith.constant 2 : i32
      %add3A_928 = vector.broadcast %add3A_927 : i32 to vector<16xi32>
      %add3A_929 = arith.addi %shift_right_arithmetic3A_4, %add3A_928 : vector<16xi32>
      %gather3A_930 = tpu.vector_load_idx %arg9[%add3A_929, %and3A_6, %add3A_916] : memref<8x8x128xf32, #tpu.memory_space<vmem>>[vector<16xi32>, vector<16xi32>, vector<16xi32>], vector<16xf32>,
      %mul3A_931 = arith.constant 64 : i32
      %mul3A_932 = arith.muli %add3A_887, %mul3A_931 : i32
      %add3A_933 = arith.constant 16 : i32
      %add3A_934 = arith.addi %mul3A_932, %add3A_933 : i32
      %swap3A_935 = arith.index_cast %add3A_934 : i32 to index
      %swap3A_936 = tpu.vector_load %arg10[%swap3A_935] {strides = array<i32>} : memref<32768xf32, #tpu.memory_space<vmem>>, vector<16xf32>,
      tpu.vector_store %arg10[%swap3A_935], %gather3A_930 {strides = array<i32>} : memref<32768xf32, #tpu.memory_space<vmem>>, vector<16xf32>,
      %add3A_937 = arith.constant 4 : i32
      %add3A_938 = vector.broadcast %add3A_937 : i32 to vector<16xi32>
      %add3A_939 = arith.addi %shift_right_arithmetic3A_4, %add3A_938 : vector<16xi32>
      %gather3A_940 = tpu.vector_load_idx %arg9[%add3A_939, %and3A_6, %add3A_916] : memref<8x8x128xf32, #tpu.memory_space<vmem>>[vector<16xi32>, vector<16xi32>, vector<16xi32>], vector<16xf32>,
      %mul3A_941 = arith.constant 64 : i32
      %mul3A_942 = arith.muli %add3A_887, %mul3A_941 : i32
      %add3A_943 = arith.constant 32 : i32
      %add3A_944 = arith.addi %mul3A_942, %add3A_943 : i32
      %swap3A_945 = arith.index_cast %add3A_944 : i32 to index
      %swap3A_946 = tpu.vector_load %arg10[%swap3A_945] {strides = array<i32>} : memref<32768xf32, #tpu.memory_space<vmem>>, vector<16xf32>,
      tpu.vector_store %arg10[%swap3A_945], %gather3A_940 {strides = array<i32>} : memref<32768xf32, #tpu.memory_space<vmem>>, vector<16xf32>,
      %add3A_947 = arith.constant 6 : i32
      %add3A_948 = vector.broadcast %add3A_947 : i32 to vector<16xi32>
      %add3A_949 = arith.addi %shift_right_arithmetic3A_4, %add3A_948 : vector<16xi32>
      %gather3A_950 = tpu.vector_load_idx %arg9[%add3A_949, %and3A_6, %add3A_916] : memref<8x8x128xf32, #tpu.memory_space<vmem>>[vector<16xi32>, vector<16xi32>, vector<16xi32>], vector<16xf32>,
      %mul3A_951 = arith.constant 64 : i32
      %mul3A_952 = arith.muli %add3A_887, %mul3A_951 : i32
      %add3A_953 = arith.constant 48 : i32
      %add3A_954 = arith.addi %mul3A_952, %add3A_953 : i32
      %swap3A_955 = arith.index_cast %add3A_954 : i32 to index
      %swap3A_956 = tpu.vector_load %arg10[%swap3A_955] {strides = array<i32>} : memref<32768xf32, #tpu.memory_space<vmem>>, vector<16xf32>,
      tpu.vector_store %arg10[%swap3A_955], %gather3A_950 {strides = array<i32>} : memref<32768xf32, #tpu.memory_space<vmem>>, vector<16xf32>,
      %mul3A_957 = arith.constant 16 : i32
      %mul3A_958 = arith.muli %scan3A_72, %mul3A_957 : i32
      %add3A_959 = arith.constant 12 : i32
      %add3A_960 = arith.addi %mul3A_958, %add3A_959 : i32
      %slice3A_961 = vector.extract_strided_slice %get3A_76 {offsets = [15], sizes = [1], strides = [1]} : vector<16xi32> to vector<1xi32>
      %squeeze3A_962 = vector.extract %slice3A_961[0] : i32 from vector<1xi32>
      %shift_right_arithmetic3A_963 = arith.constant 7 : i32
      %shift_right_arithmetic3A_964 = arith.shrsi %squeeze3A_962, %shift_right_arithmetic3A_963 : i32
      %shift_left3A_965 = arith.constant 7 : i32
      %shift_left3A_966 = arith.shli %shift_right_arithmetic3A_964, %shift_left3A_965 : i32
      %multiple_of3A_967 = tpu.assume_multiple %shift_left3A_966, 128 : i32
      %dma_start3A_968 = arith.constant 0 : i32
      %dma_start3A_969 = arith.constant 0 : i32
      %dma_start3A_970 = tpu.memref_slice %arg3[%dma_start3A_968, %dma_start3A_969, %multiple_of3A_967] : memref<8x8x1000000xf32, #tpu.memory_space<hbm>> -> memref<8x8x128xf32, #tpu.memory_space<hbm>>
      %dma_start3A_971 = arith.constant 0 : i32
      %dma_start3A_972 = arith.constant 0 : i32
      %dma_start3A_973 = tpu.memref_slice %arg3[%dma_start3A_971, %dma_start3A_972, %multiple_of3A_967] : memref<8x8x1000000xf32, #tpu.memory_space<hbm>> -> memref<8x8x128xf32, #tpu.memory_space<hbm>>
      tpu.enqueue_dma source(%dma_start3A_973 : memref<8x8x128xf32, #tpu.memory_space<hbm>>) target(%arg9 : memref<8x8x128xf32, #tpu.memory_space<vmem>>) target_semaphore(%arg14 : memref<!tpu.dma_semaphore, #tpu.memory_space<semaphore_mem>>)
      %dma_wait3A_974 = arith.constant 0 : i32
      %dma_wait3A_975 = arith.constant 0 : i32
      %dma_wait3A_976 = arith.constant 0 : i32
      %dma_wait3A_977 = tpu.memref_slice %arg3[%dma_wait3A_974, %dma_wait3A_975, %dma_wait3A_976] : memref<8x8x1000000xf32, #tpu.memory_space<hbm>> -> memref<8x8x128xf32, #tpu.memory_space<hbm>>
      %dma_wait3A_978 = arith.constant 0 : i32
      %dma_wait3A_979 = arith.constant 0 : i32
      %dma_wait3A_980 = arith.constant 0 : i32
      %dma_wait3A_981 = tpu.memref_slice %arg3[%dma_wait3A_978, %dma_wait3A_979, %dma_wait3A_980] : memref<8x8x1000000xf32, #tpu.memory_space<hbm>> -> memref<8x8x128xf32, #tpu.memory_space<hbm>>
      tpu.wait_dma2 semaphore(%arg11 : memref<!tpu.dma_semaphore, #tpu.memory_space<semaphore_mem>>) src(%dma_wait3A_981 : memref<8x8x128xf32, #tpu.memory_space<hbm>>) dst(%arg6 : memref<8x8x128xf32, #tpu.memory_space<vmem>>)
      %broadcast_in_dim3A_982 = arith.constant 0 : i32
      %broadcast_in_dim3A_983 = vector.broadcast %broadcast_in_dim3A_982 : i32 to vector<16xi32>
      %slice3A_984 = vector.extract_strided_slice %get3A_76 {offsets = [12], sizes = [1], strides = [1]} : vector<16xi32> to vector<1xi32>
      %squeeze3A_985 = vector.extract %slice3A_984[0] : i32 from vector<1xi32>
      %and3A_986 = arith.constant 127 : i32
      %and3A_987 = arith.andi %squeeze3A_985, %and3A_986 : i32
      %add3A_988 = vector.broadcast %and3A_987 : i32 to vector<16xi32>
      %add3A_989 = arith.addi %broadcast_in_dim3A_983, %add3A_988 : vector<16xi32>
      %add3A_990 = arith.constant 0 : i32
      %add3A_991 = vector.broadcast %add3A_990 : i32 to vector<16xi32>
      %add3A_992 = arith.addi %shift_right_arithmetic3A_4, %add3A_991 : vector<16xi32>
      %gather3A_993 = tpu.vector_load_idx %arg6[%add3A_992, %and3A_6, %add3A_989] : memref<8x8x128xf32, #tpu.memory_space<vmem>>[vector<16xi32>, vector<16xi32>, vector<16xi32>], vector<16xf32>,
      %mul3A_994 = arith.constant 64 : i32
      %mul3A_995 = arith.muli %add3A_960, %mul3A_994 : i32
      %add3A_996 = arith.constant 0 : i32
      %add3A_997 = arith.addi %mul3A_995, %add3A_996 : i32
      %swap3A_998 = arith.index_cast %add3A_997 : i32 to index
      %swap3A_999 = tpu.vector_load %arg10[%swap3A_998] {strides = array<i32>} : memref<32768xf32, #tpu.memory_space<vmem>>, vector<16xf32>,
      tpu.vector_store %arg10[%swap3A_998], %gather3A_993 {strides = array<i32>} : memref<32768xf32, #tpu.memory_space<vmem>>, vector<16xf32>,
      %add3A_1000 = arith.constant 2 : i32
      %add3A_1001 = vector.broadcast %add3A_1000 : i32 to vector<16xi32>
      %add3A_1002 = arith.addi %shift_right_arithmetic3A_4, %add3A_1001 : vector<16xi32>
      %gather3A_1003 = tpu.vector_load_idx %arg6[%add3A_1002, %and3A_6, %add3A_989] : memref<8x8x128xf32, #tpu.memory_space<vmem>>[vector<16xi32>, vector<16xi32>, vector<16xi32>], vector<16xf32>,
      %mul3A_1004 = arith.constant 64 : i32
      %mul3A_1005 = arith.muli %add3A_960, %mul3A_1004 : i32
      %add3A_1006 = arith.constant 16 : i32
      %add3A_1007 = arith.addi %mul3A_1005, %add3A_1006 : i32
      %swap3A_1008 = arith.index_cast %add3A_1007 : i32 to index
      %swap3A_1009 = tpu.vector_load %arg10[%swap3A_1008] {strides = array<i32>} : memref<32768xf32, #tpu.memory_space<vmem>>, vector<16xf32>,
      tpu.vector_store %arg10[%swap3A_1008], %gather3A_1003 {strides = array<i32>} : memref<32768xf32, #tpu.memory_space<vmem>>, vector<16xf32>,
      %add3A_1010 = arith.constant 4 : i32
      %add3A_1011 = vector.broadcast %add3A_1010 : i32 to vector<16xi32>
      %add3A_1012 = arith.addi %shift_right_arithmetic3A_4, %add3A_1011 : vector<16xi32>
      %gather3A_1013 = tpu.vector_load_idx %arg6[%add3A_1012, %and3A_6, %add3A_989] : memref<8x8x128xf32, #tpu.memory_space<vmem>>[vector<16xi32>, vector<16xi32>, vector<16xi32>], vector<16xf32>,
      %mul3A_1014 = arith.constant 64 : i32
      %mul3A_1015 = arith.muli %add3A_960, %mul3A_1014 : i32
      %add3A_1016 = arith.constant 32 : i32
      %add3A_1017 = arith.addi %mul3A_1015, %add3A_1016 : i32
      %swap3A_1018 = arith.index_cast %add3A_1017 : i32 to index
      %swap3A_1019 = tpu.vector_load %arg10[%swap3A_1018] {strides = array<i32>} : memref<32768xf32, #tpu.memory_space<vmem>>, vector<16xf32>,
      tpu.vector_store %arg10[%swap3A_1018], %gather3A_1013 {strides = array<i32>} : memref<32768xf32, #tpu.memory_space<vmem>>, vector<16xf32>,
      %add3A_1020 = arith.constant 6 : i32
      %add3A_1021 = vector.broadcast %add3A_1020 : i32 to vector<16xi32>
      %add3A_1022 = arith.addi %shift_right_arithmetic3A_4, %add3A_1021 : vector<16xi32>
      %gather3A_1023 = tpu.vector_load_idx %arg6[%add3A_1022, %and3A_6, %add3A_989] : memref<8x8x128xf32, #tpu.memory_space<vmem>>[vector<16xi32>, vector<16xi32>, vector<16xi32>], vector<16xf32>,
      %mul3A_1024 = arith.constant 64 : i32
      %mul3A_1025 = arith.muli %add3A_960, %mul3A_1024 : i32
      %add3A_1026 = arith.constant 48 : i32
      %add3A_1027 = arith.addi %mul3A_1025, %add3A_1026 : i32
      %swap3A_1028 = arith.index_cast %add3A_1027 : i32 to index
      %swap3A_1029 = tpu.vector_load %arg10[%swap3A_1028] {strides = array<i32>} : memref<32768xf32, #tpu.memory_space<vmem>>, vector<16xf32>,
      tpu.vector_store %arg10[%swap3A_1028], %gather3A_1023 {strides = array<i32>} : memref<32768xf32, #tpu.memory_space<vmem>>, vector<16xf32>,
      %mul3A_1030 = arith.constant 16 : i32
      %mul3A_1031 = arith.muli %scan3A_72, %mul3A_1030 : i32
      %add3A_1032 = arith.constant 13 : i32
      %add3A_1033 = arith.addi %mul3A_1031, %add3A_1032 : i32
      %slice3A_1034 = vector.extract_strided_slice %get3A_83 {offsets = [0], sizes = [1], strides = [1]} : vector<16xi32> to vector<1xi32>
      %squeeze3A_1035 = vector.extract %slice3A_1034[0] : i32 from vector<1xi32>
      %shift_right_arithmetic3A_1036 = arith.constant 7 : i32
      %shift_right_arithmetic3A_1037 = arith.shrsi %squeeze3A_1035, %shift_right_arithmetic3A_1036 : i32
      %shift_left3A_1038 = arith.constant 7 : i32
      %shift_left3A_1039 = arith.shli %shift_right_arithmetic3A_1037, %shift_left3A_1038 : i32
      %multiple_of3A_1040 = tpu.assume_multiple %shift_left3A_1039, 128 : i32
      %dma_start3A_1041 = arith.constant 0 : i32
      %dma_start3A_1042 = arith.constant 0 : i32
      %dma_start3A_1043 = tpu.memref_slice %arg3[%dma_start3A_1041, %dma_start3A_1042, %multiple_of3A_1040] : memref<8x8x1000000xf32, #tpu.memory_space<hbm>> -> memref<8x8x128xf32, #tpu.memory_space<hbm>>
      %dma_start3A_1044 = arith.constant 0 : i32
      %dma_start3A_1045 = arith.constant 0 : i32
      %dma_start3A_1046 = tpu.memref_slice %arg3[%dma_start3A_1044, %dma_start3A_1045, %multiple_of3A_1040] : memref<8x8x1000000xf32, #tpu.memory_space<hbm>> -> memref<8x8x128xf32, #tpu.memory_space<hbm>>
      tpu.enqueue_dma source(%dma_start3A_1046 : memref<8x8x128xf32, #tpu.memory_space<hbm>>) target(%arg6 : memref<8x8x128xf32, #tpu.memory_space<vmem>>) target_semaphore(%arg11 : memref<!tpu.dma_semaphore, #tpu.memory_space<semaphore_mem>>)
      %dma_wait3A_1047 = arith.constant 0 : i32
      %dma_wait3A_1048 = arith.constant 0 : i32
      %dma_wait3A_1049 = arith.constant 0 : i32
      %dma_wait3A_1050 = tpu.memref_slice %arg3[%dma_wait3A_1047, %dma_wait3A_1048, %dma_wait3A_1049] : memref<8x8x1000000xf32, #tpu.memory_space<hbm>> -> memref<8x8x128xf32, #tpu.memory_space<hbm>>
      %dma_wait3A_1051 = arith.constant 0 : i32
      %dma_wait3A_1052 = arith.constant 0 : i32
      %dma_wait3A_1053 = arith.constant 0 : i32
      %dma_wait3A_1054 = tpu.memref_slice %arg3[%dma_wait3A_1051, %dma_wait3A_1052, %dma_wait3A_1053] : memref<8x8x1000000xf32, #tpu.memory_space<hbm>> -> memref<8x8x128xf32, #tpu.memory_space<hbm>>
      tpu.wait_dma2 semaphore(%arg12 : memref<!tpu.dma_semaphore, #tpu.memory_space<semaphore_mem>>) src(%dma_wait3A_1054 : memref<8x8x128xf32, #tpu.memory_space<hbm>>) dst(%arg7 : memref<8x8x128xf32, #tpu.memory_space<vmem>>)
      %broadcast_in_dim3A_1055 = arith.constant 0 : i32
      %broadcast_in_dim3A_1056 = vector.broadcast %broadcast_in_dim3A_1055 : i32 to vector<16xi32>
      %slice3A_1057 = vector.extract_strided_slice %get3A_76 {offsets = [13], sizes = [1], strides = [1]} : vector<16xi32> to vector<1xi32>
      %squeeze3A_1058 = vector.extract %slice3A_1057[0] : i32 from vector<1xi32>
      %and3A_1059 = arith.constant 127 : i32
      %and3A_1060 = arith.andi %squeeze3A_1058, %and3A_1059 : i32
      %add3A_1061 = vector.broadcast %and3A_1060 : i32 to vector<16xi32>
      %add3A_1062 = arith.addi %broadcast_in_dim3A_1056, %add3A_1061 : vector<16xi32>
      %add3A_1063 = arith.constant 0 : i32
      %add3A_1064 = vector.broadcast %add3A_1063 : i32 to vector<16xi32>
      %add3A_1065 = arith.addi %shift_right_arithmetic3A_4, %add3A_1064 : vector<16xi32>
      %gather3A_1066 = tpu.vector_load_idx %arg7[%add3A_1065, %and3A_6, %add3A_1062] : memref<8x8x128xf32, #tpu.memory_space<vmem>>[vector<16xi32>, vector<16xi32>, vector<16xi32>], vector<16xf32>,
      %mul3A_1067 = arith.constant 64 : i32
      %mul3A_1068 = arith.muli %add3A_1033, %mul3A_1067 : i32
      %add3A_1069 = arith.constant 0 : i32
      %add3A_1070 = arith.addi %mul3A_1068, %add3A_1069 : i32
      %swap3A_1071 = arith.index_cast %add3A_1070 : i32 to index
      %swap3A_1072 = tpu.vector_load %arg10[%swap3A_1071] {strides = array<i32>} : memref<32768xf32, #tpu.memory_space<vmem>>, vector<16xf32>,
      tpu.vector_store %arg10[%swap3A_1071], %gather3A_1066 {strides = array<i32>} : memref<32768xf32, #tpu.memory_space<vmem>>, vector<16xf32>,
      %add3A_1073 = arith.constant 2 : i32
      %add3A_1074 = vector.broadcast %add3A_1073 : i32 to vector<16xi32>
      %add3A_1075 = arith.addi %shift_right_arithmetic3A_4, %add3A_1074 : vector<16xi32>
      %gather3A_1076 = tpu.vector_load_idx %arg7[%add3A_1075, %and3A_6, %add3A_1062] : memref<8x8x128xf32, #tpu.memory_space<vmem>>[vector<16xi32>, vector<16xi32>, vector<16xi32>], vector<16xf32>,
      %mul3A_1077 = arith.constant 64 : i32
      %mul3A_1078 = arith.muli %add3A_1033, %mul3A_1077 : i32
      %add3A_1079 = arith.constant 16 : i32
      %add3A_1080 = arith.addi %mul3A_1078, %add3A_1079 : i32
      %swap3A_1081 = arith.index_cast %add3A_1080 : i32 to index
      %swap3A_1082 = tpu.vector_load %arg10[%swap3A_1081] {strides = array<i32>} : memref<32768xf32, #tpu.memory_space<vmem>>, vector<16xf32>,
      tpu.vector_store %arg10[%swap3A_1081], %gather3A_1076 {strides = array<i32>} : memref<32768xf32, #tpu.memory_space<vmem>>, vector<16xf32>,
      %add3A_1083 = arith.constant 4 : i32
      %add3A_1084 = vector.broadcast %add3A_1083 : i32 to vector<16xi32>
      %add3A_1085 = arith.addi %shift_right_arithmetic3A_4, %add3A_1084 : vector<16xi32>
      %gather3A_1086 = tpu.vector_load_idx %arg7[%add3A_1085, %and3A_6, %add3A_1062] : memref<8x8x128xf32, #tpu.memory_space<vmem>>[vector<16xi32>, vector<16xi32>, vector<16xi32>], vector<16xf32>,
      %mul3A_1087 = arith.constant 64 : i32
      %mul3A_1088 = arith.muli %add3A_1033, %mul3A_1087 : i32
      %add3A_1089 = arith.constant 32 : i32
      %add3A_1090 = arith.addi %mul3A_1088, %add3A_1089 : i32
      %swap3A_1091 = arith.index_cast %add3A_1090 : i32 to index
      %swap3A_1092 = tpu.vector_load %arg10[%swap3A_1091] {strides = array<i32>} : memref<32768xf32, #tpu.memory_space<vmem>>, vector<16xf32>,
      tpu.vector_store %arg10[%swap3A_1091], %gather3A_1086 {strides = array<i32>} : memref<32768xf32, #tpu.memory_space<vmem>>, vector<16xf32>,
      %add3A_1093 = arith.constant 6 : i32
      %add3A_1094 = vector.broadcast %add3A_1093 : i32 to vector<16xi32>
      %add3A_1095 = arith.addi %shift_right_arithmetic3A_4, %add3A_1094 : vector<16xi32>
      %gather3A_1096 = tpu.vector_load_idx %arg7[%add3A_1095, %and3A_6, %add3A_1062] : memref<8x8x128xf32, #tpu.memory_space<vmem>>[vector<16xi32>, vector<16xi32>, vector<16xi32>], vector<16xf32>,
      %mul3A_1097 = arith.constant 64 : i32
      %mul3A_1098 = arith.muli %add3A_1033, %mul3A_1097 : i32
      %add3A_1099 = arith.constant 48 : i32
      %add3A_1100 = arith.addi %mul3A_1098, %add3A_1099 : i32
      %swap3A_1101 = arith.index_cast %add3A_1100 : i32 to index
      %swap3A_1102 = tpu.vector_load %arg10[%swap3A_1101] {strides = array<i32>} : memref<32768xf32, #tpu.memory_space<vmem>>, vector<16xf32>,
      tpu.vector_store %arg10[%swap3A_1101], %gather3A_1096 {strides = array<i32>} : memref<32768xf32, #tpu.memory_space<vmem>>, vector<16xf32>,
      %mul3A_1103 = arith.constant 16 : i32
      %mul3A_1104 = arith.muli %scan3A_72, %mul3A_1103 : i32
      %add3A_1105 = arith.constant 14 : i32
      %add3A_1106 = arith.addi %mul3A_1104, %add3A_1105 : i32
      %slice3A_1107 = vector.extract_strided_slice %get3A_83 {offsets = [1], sizes = [1], strides = [1]} : vector<16xi32> to vector<1xi32>
      %squeeze3A_1108 = vector.extract %slice3A_1107[0] : i32 from vector<1xi32>
      %shift_right_arithmetic3A_1109 = arith.constant 7 : i32
      %shift_right_arithmetic3A_1110 = arith.shrsi %squeeze3A_1108, %shift_right_arithmetic3A_1109 : i32
      %shift_left3A_1111 = arith.constant 7 : i32
      %shift_left3A_1112 = arith.shli %shift_right_arithmetic3A_1110, %shift_left3A_1111 : i32
      %multiple_of3A_1113 = tpu.assume_multiple %shift_left3A_1112, 128 : i32
      %dma_start3A_1114 = arith.constant 0 : i32
      %dma_start3A_1115 = arith.constant 0 : i32
      %dma_start3A_1116 = tpu.memref_slice %arg3[%dma_start3A_1114, %dma_start3A_1115, %multiple_of3A_1113] : memref<8x8x1000000xf32, #tpu.memory_space<hbm>> -> memref<8x8x128xf32, #tpu.memory_space<hbm>>
      %dma_start3A_1117 = arith.constant 0 : i32
      %dma_start3A_1118 = arith.constant 0 : i32
      %dma_start3A_1119 = tpu.memref_slice %arg3[%dma_start3A_1117, %dma_start3A_1118, %multiple_of3A_1113] : memref<8x8x1000000xf32, #tpu.memory_space<hbm>> -> memref<8x8x128xf32, #tpu.memory_space<hbm>>
      tpu.enqueue_dma source(%dma_start3A_1119 : memref<8x8x128xf32, #tpu.memory_space<hbm>>) target(%arg7 : memref<8x8x128xf32, #tpu.memory_space<vmem>>) target_semaphore(%arg12 : memref<!tpu.dma_semaphore, #tpu.memory_space<semaphore_mem>>)
      %dma_wait3A_1120 = arith.constant 0 : i32
      %dma_wait3A_1121 = arith.constant 0 : i32
      %dma_wait3A_1122 = arith.constant 0 : i32
      %dma_wait3A_1123 = tpu.memref_slice %arg3[%dma_wait3A_1120, %dma_wait3A_1121, %dma_wait3A_1122] : memref<8x8x1000000xf32, #tpu.memory_space<hbm>> -> memref<8x8x128xf32, #tpu.memory_space<hbm>>
      %dma_wait3A_1124 = arith.constant 0 : i32
      %dma_wait3A_1125 = arith.constant 0 : i32
      %dma_wait3A_1126 = arith.constant 0 : i32
      %dma_wait3A_1127 = tpu.memref_slice %arg3[%dma_wait3A_1124, %dma_wait3A_1125, %dma_wait3A_1126] : memref<8x8x1000000xf32, #tpu.memory_space<hbm>> -> memref<8x8x128xf32, #tpu.memory_space<hbm>>
      tpu.wait_dma2 semaphore(%arg13 : memref<!tpu.dma_semaphore, #tpu.memory_space<semaphore_mem>>) src(%dma_wait3A_1127 : memref<8x8x128xf32, #tpu.memory_space<hbm>>) dst(%arg8 : memref<8x8x128xf32, #tpu.memory_space<vmem>>)
      %broadcast_in_dim3A_1128 = arith.constant 0 : i32
      %broadcast_in_dim3A_1129 = vector.broadcast %broadcast_in_dim3A_1128 : i32 to vector<16xi32>
      %slice3A_1130 = vector.extract_strided_slice %get3A_76 {offsets = [14], sizes = [1], strides = [1]} : vector<16xi32> to vector<1xi32>
      %squeeze3A_1131 = vector.extract %slice3A_1130[0] : i32 from vector<1xi32>
      %and3A_1132 = arith.constant 127 : i32
      %and3A_1133 = arith.andi %squeeze3A_1131, %and3A_1132 : i32
      %add3A_1134 = vector.broadcast %and3A_1133 : i32 to vector<16xi32>
      %add3A_1135 = arith.addi %broadcast_in_dim3A_1129, %add3A_1134 : vector<16xi32>
      %add3A_1136 = arith.constant 0 : i32
      %add3A_1137 = vector.broadcast %add3A_1136 : i32 to vector<16xi32>
      %add3A_1138 = arith.addi %shift_right_arithmetic3A_4, %add3A_1137 : vector<16xi32>
      %gather3A_1139 = tpu.vector_load_idx %arg8[%add3A_1138, %and3A_6, %add3A_1135] : memref<8x8x128xf32, #tpu.memory_space<vmem>>[vector<16xi32>, vector<16xi32>, vector<16xi32>], vector<16xf32>,
      %mul3A_1140 = arith.constant 64 : i32
      %mul3A_1141 = arith.muli %add3A_1106, %mul3A_1140 : i32
      %add3A_1142 = arith.constant 0 : i32
      %add3A_1143 = arith.addi %mul3A_1141, %add3A_1142 : i32
      %swap3A_1144 = arith.index_cast %add3A_1143 : i32 to index
      %swap3A_1145 = tpu.vector_load %arg10[%swap3A_1144] {strides = array<i32>} : memref<32768xf32, #tpu.memory_space<vmem>>, vector<16xf32>,
      tpu.vector_store %arg10[%swap3A_1144], %gather3A_1139 {strides = array<i32>} : memref<32768xf32, #tpu.memory_space<vmem>>, vector<16xf32>,
      %add3A_1146 = arith.constant 2 : i32
      %add3A_1147 = vector.broadcast %add3A_1146 : i32 to vector<16xi32>
      %add3A_1148 = arith.addi %shift_right_arithmetic3A_4, %add3A_1147 : vector<16xi32>
      %gather3A_1149 = tpu.vector_load_idx %arg8[%add3A_1148, %and3A_6, %add3A_1135] : memref<8x8x128xf32, #tpu.memory_space<vmem>>[vector<16xi32>, vector<16xi32>, vector<16xi32>], vector<16xf32>,
      %mul3A_1150 = arith.constant 64 : i32
      %mul3A_1151 = arith.muli %add3A_1106, %mul3A_1150 : i32
      %add3A_1152 = arith.constant 16 : i32
      %add3A_1153 = arith.addi %mul3A_1151, %add3A_1152 : i32
      %swap3A_1154 = arith.index_cast %add3A_1153 : i32 to index
      %swap3A_1155 = tpu.vector_load %arg10[%swap3A_1154] {strides = array<i32>} : memref<32768xf32, #tpu.memory_space<vmem>>, vector<16xf32>,
      tpu.vector_store %arg10[%swap3A_1154], %gather3A_1149 {strides = array<i32>} : memref<32768xf32, #tpu.memory_space<vmem>>, vector<16xf32>,
      %add3A_1156 = arith.constant 4 : i32
      %add3A_1157 = vector.broadcast %add3A_1156 : i32 to vector<16xi32>
      %add3A_1158 = arith.addi %shift_right_arithmetic3A_4, %add3A_1157 : vector<16xi32>
      %gather3A_1159 = tpu.vector_load_idx %arg8[%add3A_1158, %and3A_6, %add3A_1135] : memref<8x8x128xf32, #tpu.memory_space<vmem>>[vector<16xi32>, vector<16xi32>, vector<16xi32>], vector<16xf32>,
      %mul3A_1160 = arith.constant 64 : i32
      %mul3A_1161 = arith.muli %add3A_1106, %mul3A_1160 : i32
      %add3A_1162 = arith.constant 32 : i32
      %add3A_1163 = arith.addi %mul3A_1161, %add3A_1162 : i32
      %swap3A_1164 = arith.index_cast %add3A_1163 : i32 to index
      %swap3A_1165 = tpu.vector_load %arg10[%swap3A_1164] {strides = array<i32>} : memref<32768xf32, #tpu.memory_space<vmem>>, vector<16xf32>,
      tpu.vector_store %arg10[%swap3A_1164], %gather3A_1159 {strides = array<i32>} : memref<32768xf32, #tpu.memory_space<vmem>>, vector<16xf32>,
      %add3A_1166 = arith.constant 6 : i32
      %add3A_1167 = vector.broadcast %add3A_1166 : i32 to vector<16xi32>
      %add3A_1168 = arith.addi %shift_right_arithmetic3A_4, %add3A_1167 : vector<16xi32>
      %gather3A_1169 = tpu.vector_load_idx %arg8[%add3A_1168, %and3A_6, %add3A_1135] : memref<8x8x128xf32, #tpu.memory_space<vmem>>[vector<16xi32>, vector<16xi32>, vector<16xi32>], vector<16xf32>,
      %mul3A_1170 = arith.constant 64 : i32
      %mul3A_1171 = arith.muli %add3A_1106, %mul3A_1170 : i32
      %add3A_1172 = arith.constant 48 : i32
      %add3A_1173 = arith.addi %mul3A_1171, %add3A_1172 : i32
      %swap3A_1174 = arith.index_cast %add3A_1173 : i32 to index
      %swap3A_1175 = tpu.vector_load %arg10[%swap3A_1174] {strides = array<i32>} : memref<32768xf32, #tpu.memory_space<vmem>>, vector<16xf32>,
      tpu.vector_store %arg10[%swap3A_1174], %gather3A_1169 {strides = array<i32>} : memref<32768xf32, #tpu.memory_space<vmem>>, vector<16xf32>,
      %mul3A_1176 = arith.constant 16 : i32
      %mul3A_1177 = arith.muli %scan3A_72, %mul3A_1176 : i32
      %add3A_1178 = arith.constant 15 : i32
      %add3A_1179 = arith.addi %mul3A_1177, %add3A_1178 : i32
      %slice3A_1180 = vector.extract_strided_slice %get3A_83 {offsets = [2], sizes = [1], strides = [1]} : vector<16xi32> to vector<1xi32>
      %squeeze3A_1181 = vector.extract %slice3A_1180[0] : i32 from vector<1xi32>
      %shift_right_arithmetic3A_1182 = arith.constant 7 : i32
      %shift_right_arithmetic3A_1183 = arith.shrsi %squeeze3A_1181, %shift_right_arithmetic3A_1182 : i32
      %shift_left3A_1184 = arith.constant 7 : i32
      %shift_left3A_1185 = arith.shli %shift_right_arithmetic3A_1183, %shift_left3A_1184 : i32
      %multiple_of3A_1186 = tpu.assume_multiple %shift_left3A_1185, 128 : i32
      %dma_start3A_1187 = arith.constant 0 : i32
      %dma_start3A_1188 = arith.constant 0 : i32
      %dma_start3A_1189 = tpu.memref_slice %arg3[%dma_start3A_1187, %dma_start3A_1188, %multiple_of3A_1186] : memref<8x8x1000000xf32, #tpu.memory_space<hbm>> -> memref<8x8x128xf32, #tpu.memory_space<hbm>>
      %dma_start3A_1190 = arith.constant 0 : i32
      %dma_start3A_1191 = arith.constant 0 : i32
      %dma_start3A_1192 = tpu.memref_slice %arg3[%dma_start3A_1190, %dma_start3A_1191, %multiple_of3A_1186] : memref<8x8x1000000xf32, #tpu.memory_space<hbm>> -> memref<8x8x128xf32, #tpu.memory_space<hbm>>
      tpu.enqueue_dma source(%dma_start3A_1192 : memref<8x8x128xf32, #tpu.memory_space<hbm>>) target(%arg8 : memref<8x8x128xf32, #tpu.memory_space<vmem>>) target_semaphore(%arg13 : memref<!tpu.dma_semaphore, #tpu.memory_space<semaphore_mem>>)
      %dma_wait3A_1193 = arith.constant 0 : i32
      %dma_wait3A_1194 = arith.constant 0 : i32
      %dma_wait3A_1195 = arith.constant 0 : i32
      %dma_wait3A_1196 = tpu.memref_slice %arg3[%dma_wait3A_1193, %dma_wait3A_1194, %dma_wait3A_1195] : memref<8x8x1000000xf32, #tpu.memory_space<hbm>> -> memref<8x8x128xf32, #tpu.memory_space<hbm>>
      %dma_wait3A_1197 = arith.constant 0 : i32
      %dma_wait3A_1198 = arith.constant 0 : i32
      %dma_wait3A_1199 = arith.constant 0 : i32
      %dma_wait3A_1200 = tpu.memref_slice %arg3[%dma_wait3A_1197, %dma_wait3A_1198, %dma_wait3A_1199] : memref<8x8x1000000xf32, #tpu.memory_space<hbm>> -> memref<8x8x128xf32, #tpu.memory_space<hbm>>
      tpu.wait_dma2 semaphore(%arg14 : memref<!tpu.dma_semaphore, #tpu.memory_space<semaphore_mem>>) src(%dma_wait3A_1200 : memref<8x8x128xf32, #tpu.memory_space<hbm>>) dst(%arg9 : memref<8x8x128xf32, #tpu.memory_space<vmem>>)
      %broadcast_in_dim3A_1201 = arith.constant 0 : i32
      %broadcast_in_dim3A_1202 = vector.broadcast %broadcast_in_dim3A_1201 : i32 to vector<16xi32>
      %slice3A_1203 = vector.extract_strided_slice %get3A_76 {offsets = [15], sizes = [1], strides = [1]} : vector<16xi32> to vector<1xi32>
      %squeeze3A_1204 = vector.extract %slice3A_1203[0] : i32 from vector<1xi32>
      %and3A_1205 = arith.constant 127 : i32
      %and3A_1206 = arith.andi %squeeze3A_1204, %and3A_1205 : i32
      %add3A_1207 = vector.broadcast %and3A_1206 : i32 to vector<16xi32>
      %add3A_1208 = arith.addi %broadcast_in_dim3A_1202, %add3A_1207 : vector<16xi32>
      %add3A_1209 = arith.constant 0 : i32
      %add3A_1210 = vector.broadcast %add3A_1209 : i32 to vector<16xi32>
      %add3A_1211 = arith.addi %shift_right_arithmetic3A_4, %add3A_1210 : vector<16xi32>
      %gather3A_1212 = tpu.vector_load_idx %arg9[%add3A_1211, %and3A_6, %add3A_1208] : memref<8x8x128xf32, #tpu.memory_space<vmem>>[vector<16xi32>, vector<16xi32>, vector<16xi32>], vector<16xf32>,
      %mul3A_1213 = arith.constant 64 : i32
      %mul3A_1214 = arith.muli %add3A_1179, %mul3A_1213 : i32
      %add3A_1215 = arith.constant 0 : i32
      %add3A_1216 = arith.addi %mul3A_1214, %add3A_1215 : i32
      %swap3A_1217 = arith.index_cast %add3A_1216 : i32 to index
      %swap3A_1218 = tpu.vector_load %arg10[%swap3A_1217] {strides = array<i32>} : memref<32768xf32, #tpu.memory_space<vmem>>, vector<16xf32>,
      tpu.vector_store %arg10[%swap3A_1217], %gather3A_1212 {strides = array<i32>} : memref<32768xf32, #tpu.memory_space<vmem>>, vector<16xf32>,
      %add3A_1219 = arith.constant 2 : i32
      %add3A_1220 = vector.broadcast %add3A_1219 : i32 to vector<16xi32>
      %add3A_1221 = arith.addi %shift_right_arithmetic3A_4, %add3A_1220 : vector<16xi32>
      %gather3A_1222 = tpu.vector_load_idx %arg9[%add3A_1221, %and3A_6, %add3A_1208] : memref<8x8x128xf32, #tpu.memory_space<vmem>>[vector<16xi32>, vector<16xi32>, vector<16xi32>], vector<16xf32>,
      %mul3A_1223 = arith.constant 64 : i32
      %mul3A_1224 = arith.muli %add3A_1179, %mul3A_1223 : i32
      %add3A_1225 = arith.constant 16 : i32
      %add3A_1226 = arith.addi %mul3A_1224, %add3A_1225 : i32
      %swap3A_1227 = arith.index_cast %add3A_1226 : i32 to index
      %swap3A_1228 = tpu.vector_load %arg10[%swap3A_1227] {strides = array<i32>} : memref<32768xf32, #tpu.memory_space<vmem>>, vector<16xf32>,
      tpu.vector_store %arg10[%swap3A_1227], %gather3A_1222 {strides = array<i32>} : memref<32768xf32, #tpu.memory_space<vmem>>, vector<16xf32>,
      %add3A_1229 = arith.constant 4 : i32
      %add3A_1230 = vector.broadcast %add3A_1229 : i32 to vector<16xi32>
      %add3A_1231 = arith.addi %shift_right_arithmetic3A_4, %add3A_1230 : vector<16xi32>
      %gather3A_1232 = tpu.vector_load_idx %arg9[%add3A_1231, %and3A_6, %add3A_1208] : memref<8x8x128xf32, #tpu.memory_space<vmem>>[vector<16xi32>, vector<16xi32>, vector<16xi32>], vector<16xf32>,
      %mul3A_1233 = arith.constant 64 : i32
      %mul3A_1234 = arith.muli %add3A_1179, %mul3A_1233 : i32
      %add3A_1235 = arith.constant 32 : i32
      %add3A_1236 = arith.addi %mul3A_1234, %add3A_1235 : i32
      %swap3A_1237 = arith.index_cast %add3A_1236 : i32 to index
      %swap3A_1238 = tpu.vector_load %arg10[%swap3A_1237] {strides = array<i32>} : memref<32768xf32, #tpu.memory_space<vmem>>, vector<16xf32>,
      tpu.vector_store %arg10[%swap3A_1237], %gather3A_1232 {strides = array<i32>} : memref<32768xf32, #tpu.memory_space<vmem>>, vector<16xf32>,
      %add3A_1239 = arith.constant 6 : i32
      %add3A_1240 = vector.broadcast %add3A_1239 : i32 to vector<16xi32>
      %add3A_1241 = arith.addi %shift_right_arithmetic3A_4, %add3A_1240 : vector<16xi32>
      %gather3A_1242 = tpu.vector_load_idx %arg9[%add3A_1241, %and3A_6, %add3A_1208] : memref<8x8x128xf32, #tpu.memory_space<vmem>>[vector<16xi32>, vector<16xi32>, vector<16xi32>], vector<16xf32>,
      %mul3A_1243 = arith.constant 64 : i32
      %mul3A_1244 = arith.muli %add3A_1179, %mul3A_1243 : i32
      %add3A_1245 = arith.constant 48 : i32
      %add3A_1246 = arith.addi %mul3A_1244, %add3A_1245 : i32
      %swap3A_1247 = arith.index_cast %add3A_1246 : i32 to index
      %swap3A_1248 = tpu.vector_load %arg10[%swap3A_1247] {strides = array<i32>} : memref<32768xf32, #tpu.memory_space<vmem>>, vector<16xf32>,
      tpu.vector_store %arg10[%swap3A_1247], %gather3A_1242 {strides = array<i32>} : memref<32768xf32, #tpu.memory_space<vmem>>, vector<16xf32>,
    }
    %scan3A_46 = arith.constant 32 : i32
    %dma_wait3A = arith.constant 0 : i32
    %dma_wait3A_47 = arith.constant 0 : i32
    %dma_wait3A_48 = arith.constant 0 : i32
    %dma_wait3A_49 = tpu.memref_slice %arg3[%dma_wait3A, %dma_wait3A_47, %dma_wait3A_48] : memref<8x8x1000000xf32, #tpu.memory_space<hbm>> -> memref<8x8x128xf32, #tpu.memory_space<hbm>>
    %dma_wait3A_50 = arith.constant 0 : i32
    %dma_wait3A_51 = arith.constant 0 : i32
    %dma_wait3A_52 = arith.constant 0 : i32
    %dma_wait3A_53 = tpu.memref_slice %arg3[%dma_wait3A_50, %dma_wait3A_51, %dma_wait3A_52] : memref<8x8x1000000xf32, #tpu.memory_space<hbm>> -> memref<8x8x128xf32, #tpu.memory_space<hbm>>
    tpu.wait_dma2 semaphore(%arg11 : memref<!tpu.dma_semaphore, #tpu.memory_space<semaphore_mem>>) src(%dma_wait3A_53 : memref<8x8x128xf32, #tpu.memory_space<hbm>>) dst(%arg6 : memref<8x8x128xf32, #tpu.memory_space<vmem>>)
    %dma_wait3A_54 = arith.constant 0 : i32
    %dma_wait3A_55 = arith.constant 0 : i32
    %dma_wait3A_56 = arith.constant 0 : i32
    %dma_wait3A_57 = tpu.memref_slice %arg3[%dma_wait3A_54, %dma_wait3A_55, %dma_wait3A_56] : memref<8x8x1000000xf32, #tpu.memory_space<hbm>> -> memref<8x8x128xf32, #tpu.memory_space<hbm>>
    %dma_wait3A_58 = arith.constant 0 : i32
    %dma_wait3A_59 = arith.constant 0 : i32
    %dma_wait3A_60 = arith.constant 0 : i32
    %dma_wait3A_61 = tpu.memref_slice %arg3[%dma_wait3A_58, %dma_wait3A_59, %dma_wait3A_60] : memref<8x8x1000000xf32, #tpu.memory_space<hbm>> -> memref<8x8x128xf32, #tpu.memory_space<hbm>>
    tpu.wait_dma2 semaphore(%arg12 : memref<!tpu.dma_semaphore, #tpu.memory_space<semaphore_mem>>) src(%dma_wait3A_61 : memref<8x8x128xf32, #tpu.memory_space<hbm>>) dst(%arg7 : memref<8x8x128xf32, #tpu.memory_space<vmem>>)
    %dma_wait3A_62 = arith.constant 0 : i32
    %dma_wait3A_63 = arith.constant 0 : i32
    %dma_wait3A_64 = arith.constant 0 : i32
    %dma_wait3A_65 = tpu.memref_slice %arg3[%dma_wait3A_62, %dma_wait3A_63, %dma_wait3A_64] : memref<8x8x1000000xf32, #tpu.memory_space<hbm>> -> memref<8x8x128xf32, #tpu.memory_space<hbm>>
    %dma_wait3A_66 = arith.constant 0 : i32
    %dma_wait3A_67 = arith.constant 0 : i32
    %dma_wait3A_68 = arith.constant 0 : i32
    %dma_wait3A_69 = tpu.memref_slice %arg3[%dma_wait3A_66, %dma_wait3A_67, %dma_wait3A_68] : memref<8x8x1000000xf32, #tpu.memory_space<hbm>> -> memref<8x8x128xf32, #tpu.memory_space<hbm>>
    tpu.wait_dma2 semaphore(%arg13 : memref<!tpu.dma_semaphore, #tpu.memory_space<semaphore_mem>>) src(%dma_wait3A_69 : memref<8x8x128xf32, #tpu.memory_space<hbm>>) dst(%arg8 : memref<8x8x128xf32, #tpu.memory_space<vmem>>)
    %mul3A_70 = arith.constant 64 : i32
    %mul3A_71 = arith.muli %mul3A_2, %mul3A_70 : i32
    "tpu.region"() ({
      %run_scoped3A = tpu.sem_alloc : memref<!tpu.dma_semaphore, #tpu.memory_space<semaphore_mem>>
      %dma_start3A_72 = tpu.memref_slice %arg4[%mul3A_71] : memref<1048576xf32, #tpu.memory_space<hbm>> -> memref<32768xf32, #tpu.memory_space<hbm>>
      %dma_start3A_73 = tpu.memref_slice %arg4[%mul3A_71] : memref<1048576xf32, #tpu.memory_space<hbm>> -> memref<32768xf32, #tpu.memory_space<hbm>>
      tpu.enqueue_dma source(%arg10 : memref<32768xf32, #tpu.memory_space<vmem>>) target(%dma_start3A_73 : memref<32768xf32, #tpu.memory_space<hbm>>) target_semaphore(%run_scoped3A : memref<!tpu.dma_semaphore, #tpu.memory_space<semaphore_mem>>)
      %dma_wait3A_74 = tpu.memref_slice %arg4[%mul3A_71] : memref<1048576xf32, #tpu.memory_space<hbm>> -> memref<32768xf32, #tpu.memory_space<hbm>>
      %dma_wait3A_75 = tpu.memref_slice %arg4[%mul3A_71] : memref<1048576xf32, #tpu.memory_space<hbm>> -> memref<32768xf32, #tpu.memory_space<hbm>>
      tpu.wait_dma2 semaphore(%run_scoped3A : memref<!tpu.dma_semaphore, #tpu.memory_space<semaphore_mem>>) src(%arg10 : memref<32768xf32, #tpu.memory_space<vmem>>) dst(%dma_wait3A_75 : memref<32768xf32, #tpu.memory_space<hbm>>)
      tpu.yield
    }) : () -> ()
    return
  }
}

#map = affine_map<(d0, d1) -> (0)>
#map1 = affine_map<(d0, d1) -> (0, 0)>
module attributes {stable_mosaic.version = 14 : i64} {
  func.func @row_gather(%arg0: i32, %arg1: i32, %arg2: memref<16384xi32, #tpu.memory_space<hbm>>, %arg3: memref<1000000x64xf32, #tpu.memory_space<hbm>>, %arg4: memref<16384x64xf32, #tpu.memory_space<hbm>>, %arg5: memref<512xi32, #tpu.memory_space<vmem>>, %arg6: memref<512x64xf32, #tpu.memory_space<vmem>>, %arg7: memref<!tpu.dma_semaphore, #tpu.memory_space<semaphore_mem>>) attributes {dimension_semantics = [#tpu.dimension_semantics<core_parallel>, #tpu.dimension_semantics<subcore_parallel>], iteration_bounds = array<i64: 2, 16>, scalar_prefetch = 0 : i64, scratch_operands = 3 : i64, tpu.core_type = #tpu.core_type<sc_vector_subcore>, window_params = [{transform_indices = #map}, {transform_indices = #map1}, {transform_indices = #map1}]} {
    %mul3A = arith.constant 2 : i32
    %mul3A_0 = arith.muli %arg1, %mul3A : i32
    %add3A = arith.addi %mul3A_0, %arg0 : i32
    %mul3A_1 = arith.constant 512 : i32
    %mul3A_2 = arith.muli %add3A, %mul3A_1 : i32
    "tpu.region"() ({
      %run_scoped3A = tpu.sem_alloc : memref<!tpu.dma_semaphore, #tpu.memory_space<semaphore_mem>>
      %dma_start3A = tpu.memref_slice %arg2[%mul3A_2] : memref<16384xi32, #tpu.memory_space<hbm>> -> memref<512xi32, #tpu.memory_space<hbm>>
      %dma_start3A_13 = tpu.memref_slice %arg2[%mul3A_2] : memref<16384xi32, #tpu.memory_space<hbm>> -> memref<512xi32, #tpu.memory_space<hbm>>
      tpu.enqueue_dma source(%dma_start3A_13 : memref<512xi32, #tpu.memory_space<hbm>>) target(%arg5 : memref<512xi32, #tpu.memory_space<vmem>>) target_semaphore(%run_scoped3A : memref<!tpu.dma_semaphore, #tpu.memory_space<semaphore_mem>>)
      %dma_wait3A_14 = tpu.memref_slice %arg2[%mul3A_2] : memref<16384xi32, #tpu.memory_space<hbm>> -> memref<512xi32, #tpu.memory_space<hbm>>
      %dma_wait3A_15 = tpu.memref_slice %arg2[%mul3A_2] : memref<16384xi32, #tpu.memory_space<hbm>> -> memref<512xi32, #tpu.memory_space<hbm>>
      tpu.wait_dma2 semaphore(%run_scoped3A : memref<!tpu.dma_semaphore, #tpu.memory_space<semaphore_mem>>) src(%dma_wait3A_15 : memref<512xi32, #tpu.memory_space<hbm>>) dst(%arg5 : memref<512xi32, #tpu.memory_space<vmem>>)
      tpu.yield
    }) : () -> ()
    %scan3A = arith.constant 0 : i32
    %scan3A_3 = arith.constant 0 : i32
    %scan3A_4 = arith.constant 32 : i32
    %scan3A_5 = arith.addi %scan3A_3, %scan3A_4 : i32
    %scan3A_6 = arith.constant 1 : i32
    scf.for %scan3A_13 = %scan3A_3 to %scan3A_5 step %scan3A_6  : i32 {
      %mul3A_14 = arith.constant 16 : i32
      %mul3A_15 = arith.muli %scan3A_13, %mul3A_14 : i32
      %get3A = arith.index_cast %mul3A_15 : i32 to index
      %get3A_16 = tpu.vector_load %arg5[%get3A] {strides = array<i32>} : memref<512xi32, #tpu.memory_space<vmem>>, vector<16xi32>,
      %slice3A = vector.extract_strided_slice %get3A_16 {offsets = [0], sizes = [1], strides = [1]} : vector<16xi32> to vector<1xi32>
      %squeeze3A = vector.extract %slice3A[0] : i32 from vector<1xi32>
      %mul3A_17 = arith.constant 16 : i32
      %mul3A_18 = arith.muli %scan3A_13, %mul3A_17 : i32
      %add3A_19 = arith.constant 0 : i32
      %add3A_20 = arith.addi %mul3A_18, %add3A_19 : i32
      %dma_start3A = arith.constant 0 : i32
      %dma_start3A_21 = tpu.memref_slice %arg6[%add3A_20, %dma_start3A] : memref<512x64xf32, #tpu.memory_space<vmem>> -> memref<1x64xf32, #tpu.memory_space<vmem>>
      %dma_start3A_22 = arith.constant 0 : i32
      %dma_start3A_23 = tpu.memref_slice %arg3[%squeeze3A, %dma_start3A_22] : memref<1000000x64xf32, #tpu.memory_space<hbm>> -> memref<1x64xf32, #tpu.memory_space<hbm>>
      %dma_start3A_24 = arith.constant 0 : i32
      %dma_start3A_25 = tpu.memref_slice %arg6[%add3A_20, %dma_start3A_24] : memref<512x64xf32, #tpu.memory_space<vmem>> -> memref<1x64xf32, #tpu.memory_space<vmem>>
      %dma_start3A_26 = arith.constant 0 : i32
      %dma_start3A_27 = tpu.memref_slice %arg3[%squeeze3A, %dma_start3A_26] : memref<1000000x64xf32, #tpu.memory_space<hbm>> -> memref<1x64xf32, #tpu.memory_space<hbm>>
      tpu.enqueue_dma source(%dma_start3A_27 : memref<1x64xf32, #tpu.memory_space<hbm>>) target(%dma_start3A_25 : memref<1x64xf32, #tpu.memory_space<vmem>>) target_semaphore(%arg7 : memref<!tpu.dma_semaphore, #tpu.memory_space<semaphore_mem>>)
      %slice3A_28 = vector.extract_strided_slice %get3A_16 {offsets = [1], sizes = [1], strides = [1]} : vector<16xi32> to vector<1xi32>
      %squeeze3A_29 = vector.extract %slice3A_28[0] : i32 from vector<1xi32>
      %mul3A_30 = arith.constant 16 : i32
      %mul3A_31 = arith.muli %scan3A_13, %mul3A_30 : i32
      %add3A_32 = arith.constant 1 : i32
      %add3A_33 = arith.addi %mul3A_31, %add3A_32 : i32
      %dma_start3A_34 = arith.constant 0 : i32
      %dma_start3A_35 = tpu.memref_slice %arg6[%add3A_33, %dma_start3A_34] : memref<512x64xf32, #tpu.memory_space<vmem>> -> memref<1x64xf32, #tpu.memory_space<vmem>>
      %dma_start3A_36 = arith.constant 0 : i32
      %dma_start3A_37 = tpu.memref_slice %arg3[%squeeze3A_29, %dma_start3A_36] : memref<1000000x64xf32, #tpu.memory_space<hbm>> -> memref<1x64xf32, #tpu.memory_space<hbm>>
      %dma_start3A_38 = arith.constant 0 : i32
      %dma_start3A_39 = tpu.memref_slice %arg6[%add3A_33, %dma_start3A_38] : memref<512x64xf32, #tpu.memory_space<vmem>> -> memref<1x64xf32, #tpu.memory_space<vmem>>
      %dma_start3A_40 = arith.constant 0 : i32
      %dma_start3A_41 = tpu.memref_slice %arg3[%squeeze3A_29, %dma_start3A_40] : memref<1000000x64xf32, #tpu.memory_space<hbm>> -> memref<1x64xf32, #tpu.memory_space<hbm>>
      tpu.enqueue_dma source(%dma_start3A_41 : memref<1x64xf32, #tpu.memory_space<hbm>>) target(%dma_start3A_39 : memref<1x64xf32, #tpu.memory_space<vmem>>) target_semaphore(%arg7 : memref<!tpu.dma_semaphore, #tpu.memory_space<semaphore_mem>>)
      %slice3A_42 = vector.extract_strided_slice %get3A_16 {offsets = [2], sizes = [1], strides = [1]} : vector<16xi32> to vector<1xi32>
      %squeeze3A_43 = vector.extract %slice3A_42[0] : i32 from vector<1xi32>
      %mul3A_44 = arith.constant 16 : i32
      %mul3A_45 = arith.muli %scan3A_13, %mul3A_44 : i32
      %add3A_46 = arith.constant 2 : i32
      %add3A_47 = arith.addi %mul3A_45, %add3A_46 : i32
      %dma_start3A_48 = arith.constant 0 : i32
      %dma_start3A_49 = tpu.memref_slice %arg6[%add3A_47, %dma_start3A_48] : memref<512x64xf32, #tpu.memory_space<vmem>> -> memref<1x64xf32, #tpu.memory_space<vmem>>
      %dma_start3A_50 = arith.constant 0 : i32
      %dma_start3A_51 = tpu.memref_slice %arg3[%squeeze3A_43, %dma_start3A_50] : memref<1000000x64xf32, #tpu.memory_space<hbm>> -> memref<1x64xf32, #tpu.memory_space<hbm>>
      %dma_start3A_52 = arith.constant 0 : i32
      %dma_start3A_53 = tpu.memref_slice %arg6[%add3A_47, %dma_start3A_52] : memref<512x64xf32, #tpu.memory_space<vmem>> -> memref<1x64xf32, #tpu.memory_space<vmem>>
      %dma_start3A_54 = arith.constant 0 : i32
      %dma_start3A_55 = tpu.memref_slice %arg3[%squeeze3A_43, %dma_start3A_54] : memref<1000000x64xf32, #tpu.memory_space<hbm>> -> memref<1x64xf32, #tpu.memory_space<hbm>>
      tpu.enqueue_dma source(%dma_start3A_55 : memref<1x64xf32, #tpu.memory_space<hbm>>) target(%dma_start3A_53 : memref<1x64xf32, #tpu.memory_space<vmem>>) target_semaphore(%arg7 : memref<!tpu.dma_semaphore, #tpu.memory_space<semaphore_mem>>)
      %slice3A_56 = vector.extract_strided_slice %get3A_16 {offsets = [3], sizes = [1], strides = [1]} : vector<16xi32> to vector<1xi32>
      %squeeze3A_57 = vector.extract %slice3A_56[0] : i32 from vector<1xi32>
      %mul3A_58 = arith.constant 16 : i32
      %mul3A_59 = arith.muli %scan3A_13, %mul3A_58 : i32
      %add3A_60 = arith.constant 3 : i32
      %add3A_61 = arith.addi %mul3A_59, %add3A_60 : i32
      %dma_start3A_62 = arith.constant 0 : i32
      %dma_start3A_63 = tpu.memref_slice %arg6[%add3A_61, %dma_start3A_62] : memref<512x64xf32, #tpu.memory_space<vmem>> -> memref<1x64xf32, #tpu.memory_space<vmem>>
      %dma_start3A_64 = arith.constant 0 : i32
      %dma_start3A_65 = tpu.memref_slice %arg3[%squeeze3A_57, %dma_start3A_64] : memref<1000000x64xf32, #tpu.memory_space<hbm>> -> memref<1x64xf32, #tpu.memory_space<hbm>>
      %dma_start3A_66 = arith.constant 0 : i32
      %dma_start3A_67 = tpu.memref_slice %arg6[%add3A_61, %dma_start3A_66] : memref<512x64xf32, #tpu.memory_space<vmem>> -> memref<1x64xf32, #tpu.memory_space<vmem>>
      %dma_start3A_68 = arith.constant 0 : i32
      %dma_start3A_69 = tpu.memref_slice %arg3[%squeeze3A_57, %dma_start3A_68] : memref<1000000x64xf32, #tpu.memory_space<hbm>> -> memref<1x64xf32, #tpu.memory_space<hbm>>
      tpu.enqueue_dma source(%dma_start3A_69 : memref<1x64xf32, #tpu.memory_space<hbm>>) target(%dma_start3A_67 : memref<1x64xf32, #tpu.memory_space<vmem>>) target_semaphore(%arg7 : memref<!tpu.dma_semaphore, #tpu.memory_space<semaphore_mem>>)
      %slice3A_70 = vector.extract_strided_slice %get3A_16 {offsets = [4], sizes = [1], strides = [1]} : vector<16xi32> to vector<1xi32>
      %squeeze3A_71 = vector.extract %slice3A_70[0] : i32 from vector<1xi32>
      %mul3A_72 = arith.constant 16 : i32
      %mul3A_73 = arith.muli %scan3A_13, %mul3A_72 : i32
      %add3A_74 = arith.constant 4 : i32
      %add3A_75 = arith.addi %mul3A_73, %add3A_74 : i32
      %dma_start3A_76 = arith.constant 0 : i32
      %dma_start3A_77 = tpu.memref_slice %arg6[%add3A_75, %dma_start3A_76] : memref<512x64xf32, #tpu.memory_space<vmem>> -> memref<1x64xf32, #tpu.memory_space<vmem>>
      %dma_start3A_78 = arith.constant 0 : i32
      %dma_start3A_79 = tpu.memref_slice %arg3[%squeeze3A_71, %dma_start3A_78] : memref<1000000x64xf32, #tpu.memory_space<hbm>> -> memref<1x64xf32, #tpu.memory_space<hbm>>
      %dma_start3A_80 = arith.constant 0 : i32
      %dma_start3A_81 = tpu.memref_slice %arg6[%add3A_75, %dma_start3A_80] : memref<512x64xf32, #tpu.memory_space<vmem>> -> memref<1x64xf32, #tpu.memory_space<vmem>>
      %dma_start3A_82 = arith.constant 0 : i32
      %dma_start3A_83 = tpu.memref_slice %arg3[%squeeze3A_71, %dma_start3A_82] : memref<1000000x64xf32, #tpu.memory_space<hbm>> -> memref<1x64xf32, #tpu.memory_space<hbm>>
      tpu.enqueue_dma source(%dma_start3A_83 : memref<1x64xf32, #tpu.memory_space<hbm>>) target(%dma_start3A_81 : memref<1x64xf32, #tpu.memory_space<vmem>>) target_semaphore(%arg7 : memref<!tpu.dma_semaphore, #tpu.memory_space<semaphore_mem>>)
      %slice3A_84 = vector.extract_strided_slice %get3A_16 {offsets = [5], sizes = [1], strides = [1]} : vector<16xi32> to vector<1xi32>
      %squeeze3A_85 = vector.extract %slice3A_84[0] : i32 from vector<1xi32>
      %mul3A_86 = arith.constant 16 : i32
      %mul3A_87 = arith.muli %scan3A_13, %mul3A_86 : i32
      %add3A_88 = arith.constant 5 : i32
      %add3A_89 = arith.addi %mul3A_87, %add3A_88 : i32
      %dma_start3A_90 = arith.constant 0 : i32
      %dma_start3A_91 = tpu.memref_slice %arg6[%add3A_89, %dma_start3A_90] : memref<512x64xf32, #tpu.memory_space<vmem>> -> memref<1x64xf32, #tpu.memory_space<vmem>>
      %dma_start3A_92 = arith.constant 0 : i32
      %dma_start3A_93 = tpu.memref_slice %arg3[%squeeze3A_85, %dma_start3A_92] : memref<1000000x64xf32, #tpu.memory_space<hbm>> -> memref<1x64xf32, #tpu.memory_space<hbm>>
      %dma_start3A_94 = arith.constant 0 : i32
      %dma_start3A_95 = tpu.memref_slice %arg6[%add3A_89, %dma_start3A_94] : memref<512x64xf32, #tpu.memory_space<vmem>> -> memref<1x64xf32, #tpu.memory_space<vmem>>
      %dma_start3A_96 = arith.constant 0 : i32
      %dma_start3A_97 = tpu.memref_slice %arg3[%squeeze3A_85, %dma_start3A_96] : memref<1000000x64xf32, #tpu.memory_space<hbm>> -> memref<1x64xf32, #tpu.memory_space<hbm>>
      tpu.enqueue_dma source(%dma_start3A_97 : memref<1x64xf32, #tpu.memory_space<hbm>>) target(%dma_start3A_95 : memref<1x64xf32, #tpu.memory_space<vmem>>) target_semaphore(%arg7 : memref<!tpu.dma_semaphore, #tpu.memory_space<semaphore_mem>>)
      %slice3A_98 = vector.extract_strided_slice %get3A_16 {offsets = [6], sizes = [1], strides = [1]} : vector<16xi32> to vector<1xi32>
      %squeeze3A_99 = vector.extract %slice3A_98[0] : i32 from vector<1xi32>
      %mul3A_100 = arith.constant 16 : i32
      %mul3A_101 = arith.muli %scan3A_13, %mul3A_100 : i32
      %add3A_102 = arith.constant 6 : i32
      %add3A_103 = arith.addi %mul3A_101, %add3A_102 : i32
      %dma_start3A_104 = arith.constant 0 : i32
      %dma_start3A_105 = tpu.memref_slice %arg6[%add3A_103, %dma_start3A_104] : memref<512x64xf32, #tpu.memory_space<vmem>> -> memref<1x64xf32, #tpu.memory_space<vmem>>
      %dma_start3A_106 = arith.constant 0 : i32
      %dma_start3A_107 = tpu.memref_slice %arg3[%squeeze3A_99, %dma_start3A_106] : memref<1000000x64xf32, #tpu.memory_space<hbm>> -> memref<1x64xf32, #tpu.memory_space<hbm>>
      %dma_start3A_108 = arith.constant 0 : i32
      %dma_start3A_109 = tpu.memref_slice %arg6[%add3A_103, %dma_start3A_108] : memref<512x64xf32, #tpu.memory_space<vmem>> -> memref<1x64xf32, #tpu.memory_space<vmem>>
      %dma_start3A_110 = arith.constant 0 : i32
      %dma_start3A_111 = tpu.memref_slice %arg3[%squeeze3A_99, %dma_start3A_110] : memref<1000000x64xf32, #tpu.memory_space<hbm>> -> memref<1x64xf32, #tpu.memory_space<hbm>>
      tpu.enqueue_dma source(%dma_start3A_111 : memref<1x64xf32, #tpu.memory_space<hbm>>) target(%dma_start3A_109 : memref<1x64xf32, #tpu.memory_space<vmem>>) target_semaphore(%arg7 : memref<!tpu.dma_semaphore, #tpu.memory_space<semaphore_mem>>)
      %slice3A_112 = vector.extract_strided_slice %get3A_16 {offsets = [7], sizes = [1], strides = [1]} : vector<16xi32> to vector<1xi32>
      %squeeze3A_113 = vector.extract %slice3A_112[0] : i32 from vector<1xi32>
      %mul3A_114 = arith.constant 16 : i32
      %mul3A_115 = arith.muli %scan3A_13, %mul3A_114 : i32
      %add3A_116 = arith.constant 7 : i32
      %add3A_117 = arith.addi %mul3A_115, %add3A_116 : i32
      %dma_start3A_118 = arith.constant 0 : i32
      %dma_start3A_119 = tpu.memref_slice %arg6[%add3A_117, %dma_start3A_118] : memref<512x64xf32, #tpu.memory_space<vmem>> -> memref<1x64xf32, #tpu.memory_space<vmem>>
      %dma_start3A_120 = arith.constant 0 : i32
      %dma_start3A_121 = tpu.memref_slice %arg3[%squeeze3A_113, %dma_start3A_120] : memref<1000000x64xf32, #tpu.memory_space<hbm>> -> memref<1x64xf32, #tpu.memory_space<hbm>>
      %dma_start3A_122 = arith.constant 0 : i32
      %dma_start3A_123 = tpu.memref_slice %arg6[%add3A_117, %dma_start3A_122] : memref<512x64xf32, #tpu.memory_space<vmem>> -> memref<1x64xf32, #tpu.memory_space<vmem>>
      %dma_start3A_124 = arith.constant 0 : i32
      %dma_start3A_125 = tpu.memref_slice %arg3[%squeeze3A_113, %dma_start3A_124] : memref<1000000x64xf32, #tpu.memory_space<hbm>> -> memref<1x64xf32, #tpu.memory_space<hbm>>
      tpu.enqueue_dma source(%dma_start3A_125 : memref<1x64xf32, #tpu.memory_space<hbm>>) target(%dma_start3A_123 : memref<1x64xf32, #tpu.memory_space<vmem>>) target_semaphore(%arg7 : memref<!tpu.dma_semaphore, #tpu.memory_space<semaphore_mem>>)
      %slice3A_126 = vector.extract_strided_slice %get3A_16 {offsets = [8], sizes = [1], strides = [1]} : vector<16xi32> to vector<1xi32>
      %squeeze3A_127 = vector.extract %slice3A_126[0] : i32 from vector<1xi32>
      %mul3A_128 = arith.constant 16 : i32
      %mul3A_129 = arith.muli %scan3A_13, %mul3A_128 : i32
      %add3A_130 = arith.constant 8 : i32
      %add3A_131 = arith.addi %mul3A_129, %add3A_130 : i32
      %dma_start3A_132 = arith.constant 0 : i32
      %dma_start3A_133 = tpu.memref_slice %arg6[%add3A_131, %dma_start3A_132] : memref<512x64xf32, #tpu.memory_space<vmem>> -> memref<1x64xf32, #tpu.memory_space<vmem>>
      %dma_start3A_134 = arith.constant 0 : i32
      %dma_start3A_135 = tpu.memref_slice %arg3[%squeeze3A_127, %dma_start3A_134] : memref<1000000x64xf32, #tpu.memory_space<hbm>> -> memref<1x64xf32, #tpu.memory_space<hbm>>
      %dma_start3A_136 = arith.constant 0 : i32
      %dma_start3A_137 = tpu.memref_slice %arg6[%add3A_131, %dma_start3A_136] : memref<512x64xf32, #tpu.memory_space<vmem>> -> memref<1x64xf32, #tpu.memory_space<vmem>>
      %dma_start3A_138 = arith.constant 0 : i32
      %dma_start3A_139 = tpu.memref_slice %arg3[%squeeze3A_127, %dma_start3A_138] : memref<1000000x64xf32, #tpu.memory_space<hbm>> -> memref<1x64xf32, #tpu.memory_space<hbm>>
      tpu.enqueue_dma source(%dma_start3A_139 : memref<1x64xf32, #tpu.memory_space<hbm>>) target(%dma_start3A_137 : memref<1x64xf32, #tpu.memory_space<vmem>>) target_semaphore(%arg7 : memref<!tpu.dma_semaphore, #tpu.memory_space<semaphore_mem>>)
      %slice3A_140 = vector.extract_strided_slice %get3A_16 {offsets = [9], sizes = [1], strides = [1]} : vector<16xi32> to vector<1xi32>
      %squeeze3A_141 = vector.extract %slice3A_140[0] : i32 from vector<1xi32>
      %mul3A_142 = arith.constant 16 : i32
      %mul3A_143 = arith.muli %scan3A_13, %mul3A_142 : i32
      %add3A_144 = arith.constant 9 : i32
      %add3A_145 = arith.addi %mul3A_143, %add3A_144 : i32
      %dma_start3A_146 = arith.constant 0 : i32
      %dma_start3A_147 = tpu.memref_slice %arg6[%add3A_145, %dma_start3A_146] : memref<512x64xf32, #tpu.memory_space<vmem>> -> memref<1x64xf32, #tpu.memory_space<vmem>>
      %dma_start3A_148 = arith.constant 0 : i32
      %dma_start3A_149 = tpu.memref_slice %arg3[%squeeze3A_141, %dma_start3A_148] : memref<1000000x64xf32, #tpu.memory_space<hbm>> -> memref<1x64xf32, #tpu.memory_space<hbm>>
      %dma_start3A_150 = arith.constant 0 : i32
      %dma_start3A_151 = tpu.memref_slice %arg6[%add3A_145, %dma_start3A_150] : memref<512x64xf32, #tpu.memory_space<vmem>> -> memref<1x64xf32, #tpu.memory_space<vmem>>
      %dma_start3A_152 = arith.constant 0 : i32
      %dma_start3A_153 = tpu.memref_slice %arg3[%squeeze3A_141, %dma_start3A_152] : memref<1000000x64xf32, #tpu.memory_space<hbm>> -> memref<1x64xf32, #tpu.memory_space<hbm>>
      tpu.enqueue_dma source(%dma_start3A_153 : memref<1x64xf32, #tpu.memory_space<hbm>>) target(%dma_start3A_151 : memref<1x64xf32, #tpu.memory_space<vmem>>) target_semaphore(%arg7 : memref<!tpu.dma_semaphore, #tpu.memory_space<semaphore_mem>>)
      %slice3A_154 = vector.extract_strided_slice %get3A_16 {offsets = [10], sizes = [1], strides = [1]} : vector<16xi32> to vector<1xi32>
      %squeeze3A_155 = vector.extract %slice3A_154[0] : i32 from vector<1xi32>
      %mul3A_156 = arith.constant 16 : i32
      %mul3A_157 = arith.muli %scan3A_13, %mul3A_156 : i32
      %add3A_158 = arith.constant 10 : i32
      %add3A_159 = arith.addi %mul3A_157, %add3A_158 : i32
      %dma_start3A_160 = arith.constant 0 : i32
      %dma_start3A_161 = tpu.memref_slice %arg6[%add3A_159, %dma_start3A_160] : memref<512x64xf32, #tpu.memory_space<vmem>> -> memref<1x64xf32, #tpu.memory_space<vmem>>
      %dma_start3A_162 = arith.constant 0 : i32
      %dma_start3A_163 = tpu.memref_slice %arg3[%squeeze3A_155, %dma_start3A_162] : memref<1000000x64xf32, #tpu.memory_space<hbm>> -> memref<1x64xf32, #tpu.memory_space<hbm>>
      %dma_start3A_164 = arith.constant 0 : i32
      %dma_start3A_165 = tpu.memref_slice %arg6[%add3A_159, %dma_start3A_164] : memref<512x64xf32, #tpu.memory_space<vmem>> -> memref<1x64xf32, #tpu.memory_space<vmem>>
      %dma_start3A_166 = arith.constant 0 : i32
      %dma_start3A_167 = tpu.memref_slice %arg3[%squeeze3A_155, %dma_start3A_166] : memref<1000000x64xf32, #tpu.memory_space<hbm>> -> memref<1x64xf32, #tpu.memory_space<hbm>>
      tpu.enqueue_dma source(%dma_start3A_167 : memref<1x64xf32, #tpu.memory_space<hbm>>) target(%dma_start3A_165 : memref<1x64xf32, #tpu.memory_space<vmem>>) target_semaphore(%arg7 : memref<!tpu.dma_semaphore, #tpu.memory_space<semaphore_mem>>)
      %slice3A_168 = vector.extract_strided_slice %get3A_16 {offsets = [11], sizes = [1], strides = [1]} : vector<16xi32> to vector<1xi32>
      %squeeze3A_169 = vector.extract %slice3A_168[0] : i32 from vector<1xi32>
      %mul3A_170 = arith.constant 16 : i32
      %mul3A_171 = arith.muli %scan3A_13, %mul3A_170 : i32
      %add3A_172 = arith.constant 11 : i32
      %add3A_173 = arith.addi %mul3A_171, %add3A_172 : i32
      %dma_start3A_174 = arith.constant 0 : i32
      %dma_start3A_175 = tpu.memref_slice %arg6[%add3A_173, %dma_start3A_174] : memref<512x64xf32, #tpu.memory_space<vmem>> -> memref<1x64xf32, #tpu.memory_space<vmem>>
      %dma_start3A_176 = arith.constant 0 : i32
      %dma_start3A_177 = tpu.memref_slice %arg3[%squeeze3A_169, %dma_start3A_176] : memref<1000000x64xf32, #tpu.memory_space<hbm>> -> memref<1x64xf32, #tpu.memory_space<hbm>>
      %dma_start3A_178 = arith.constant 0 : i32
      %dma_start3A_179 = tpu.memref_slice %arg6[%add3A_173, %dma_start3A_178] : memref<512x64xf32, #tpu.memory_space<vmem>> -> memref<1x64xf32, #tpu.memory_space<vmem>>
      %dma_start3A_180 = arith.constant 0 : i32
      %dma_start3A_181 = tpu.memref_slice %arg3[%squeeze3A_169, %dma_start3A_180] : memref<1000000x64xf32, #tpu.memory_space<hbm>> -> memref<1x64xf32, #tpu.memory_space<hbm>>
      tpu.enqueue_dma source(%dma_start3A_181 : memref<1x64xf32, #tpu.memory_space<hbm>>) target(%dma_start3A_179 : memref<1x64xf32, #tpu.memory_space<vmem>>) target_semaphore(%arg7 : memref<!tpu.dma_semaphore, #tpu.memory_space<semaphore_mem>>)
      %slice3A_182 = vector.extract_strided_slice %get3A_16 {offsets = [12], sizes = [1], strides = [1]} : vector<16xi32> to vector<1xi32>
      %squeeze3A_183 = vector.extract %slice3A_182[0] : i32 from vector<1xi32>
      %mul3A_184 = arith.constant 16 : i32
      %mul3A_185 = arith.muli %scan3A_13, %mul3A_184 : i32
      %add3A_186 = arith.constant 12 : i32
      %add3A_187 = arith.addi %mul3A_185, %add3A_186 : i32
      %dma_start3A_188 = arith.constant 0 : i32
      %dma_start3A_189 = tpu.memref_slice %arg6[%add3A_187, %dma_start3A_188] : memref<512x64xf32, #tpu.memory_space<vmem>> -> memref<1x64xf32, #tpu.memory_space<vmem>>
      %dma_start3A_190 = arith.constant 0 : i32
      %dma_start3A_191 = tpu.memref_slice %arg3[%squeeze3A_183, %dma_start3A_190] : memref<1000000x64xf32, #tpu.memory_space<hbm>> -> memref<1x64xf32, #tpu.memory_space<hbm>>
      %dma_start3A_192 = arith.constant 0 : i32
      %dma_start3A_193 = tpu.memref_slice %arg6[%add3A_187, %dma_start3A_192] : memref<512x64xf32, #tpu.memory_space<vmem>> -> memref<1x64xf32, #tpu.memory_space<vmem>>
      %dma_start3A_194 = arith.constant 0 : i32
      %dma_start3A_195 = tpu.memref_slice %arg3[%squeeze3A_183, %dma_start3A_194] : memref<1000000x64xf32, #tpu.memory_space<hbm>> -> memref<1x64xf32, #tpu.memory_space<hbm>>
      tpu.enqueue_dma source(%dma_start3A_195 : memref<1x64xf32, #tpu.memory_space<hbm>>) target(%dma_start3A_193 : memref<1x64xf32, #tpu.memory_space<vmem>>) target_semaphore(%arg7 : memref<!tpu.dma_semaphore, #tpu.memory_space<semaphore_mem>>)
      %slice3A_196 = vector.extract_strided_slice %get3A_16 {offsets = [13], sizes = [1], strides = [1]} : vector<16xi32> to vector<1xi32>
      %squeeze3A_197 = vector.extract %slice3A_196[0] : i32 from vector<1xi32>
      %mul3A_198 = arith.constant 16 : i32
      %mul3A_199 = arith.muli %scan3A_13, %mul3A_198 : i32
      %add3A_200 = arith.constant 13 : i32
      %add3A_201 = arith.addi %mul3A_199, %add3A_200 : i32
      %dma_start3A_202 = arith.constant 0 : i32
      %dma_start3A_203 = tpu.memref_slice %arg6[%add3A_201, %dma_start3A_202] : memref<512x64xf32, #tpu.memory_space<vmem>> -> memref<1x64xf32, #tpu.memory_space<vmem>>
      %dma_start3A_204 = arith.constant 0 : i32
      %dma_start3A_205 = tpu.memref_slice %arg3[%squeeze3A_197, %dma_start3A_204] : memref<1000000x64xf32, #tpu.memory_space<hbm>> -> memref<1x64xf32, #tpu.memory_space<hbm>>
      %dma_start3A_206 = arith.constant 0 : i32
      %dma_start3A_207 = tpu.memref_slice %arg6[%add3A_201, %dma_start3A_206] : memref<512x64xf32, #tpu.memory_space<vmem>> -> memref<1x64xf32, #tpu.memory_space<vmem>>
      %dma_start3A_208 = arith.constant 0 : i32
      %dma_start3A_209 = tpu.memref_slice %arg3[%squeeze3A_197, %dma_start3A_208] : memref<1000000x64xf32, #tpu.memory_space<hbm>> -> memref<1x64xf32, #tpu.memory_space<hbm>>
      tpu.enqueue_dma source(%dma_start3A_209 : memref<1x64xf32, #tpu.memory_space<hbm>>) target(%dma_start3A_207 : memref<1x64xf32, #tpu.memory_space<vmem>>) target_semaphore(%arg7 : memref<!tpu.dma_semaphore, #tpu.memory_space<semaphore_mem>>)
      %slice3A_210 = vector.extract_strided_slice %get3A_16 {offsets = [14], sizes = [1], strides = [1]} : vector<16xi32> to vector<1xi32>
      %squeeze3A_211 = vector.extract %slice3A_210[0] : i32 from vector<1xi32>
      %mul3A_212 = arith.constant 16 : i32
      %mul3A_213 = arith.muli %scan3A_13, %mul3A_212 : i32
      %add3A_214 = arith.constant 14 : i32
      %add3A_215 = arith.addi %mul3A_213, %add3A_214 : i32
      %dma_start3A_216 = arith.constant 0 : i32
      %dma_start3A_217 = tpu.memref_slice %arg6[%add3A_215, %dma_start3A_216] : memref<512x64xf32, #tpu.memory_space<vmem>> -> memref<1x64xf32, #tpu.memory_space<vmem>>
      %dma_start3A_218 = arith.constant 0 : i32
      %dma_start3A_219 = tpu.memref_slice %arg3[%squeeze3A_211, %dma_start3A_218] : memref<1000000x64xf32, #tpu.memory_space<hbm>> -> memref<1x64xf32, #tpu.memory_space<hbm>>
      %dma_start3A_220 = arith.constant 0 : i32
      %dma_start3A_221 = tpu.memref_slice %arg6[%add3A_215, %dma_start3A_220] : memref<512x64xf32, #tpu.memory_space<vmem>> -> memref<1x64xf32, #tpu.memory_space<vmem>>
      %dma_start3A_222 = arith.constant 0 : i32
      %dma_start3A_223 = tpu.memref_slice %arg3[%squeeze3A_211, %dma_start3A_222] : memref<1000000x64xf32, #tpu.memory_space<hbm>> -> memref<1x64xf32, #tpu.memory_space<hbm>>
      tpu.enqueue_dma source(%dma_start3A_223 : memref<1x64xf32, #tpu.memory_space<hbm>>) target(%dma_start3A_221 : memref<1x64xf32, #tpu.memory_space<vmem>>) target_semaphore(%arg7 : memref<!tpu.dma_semaphore, #tpu.memory_space<semaphore_mem>>)
      %slice3A_224 = vector.extract_strided_slice %get3A_16 {offsets = [15], sizes = [1], strides = [1]} : vector<16xi32> to vector<1xi32>
      %squeeze3A_225 = vector.extract %slice3A_224[0] : i32 from vector<1xi32>
      %mul3A_226 = arith.constant 16 : i32
      %mul3A_227 = arith.muli %scan3A_13, %mul3A_226 : i32
      %add3A_228 = arith.constant 15 : i32
      %add3A_229 = arith.addi %mul3A_227, %add3A_228 : i32
      %dma_start3A_230 = arith.constant 0 : i32
      %dma_start3A_231 = tpu.memref_slice %arg6[%add3A_229, %dma_start3A_230] : memref<512x64xf32, #tpu.memory_space<vmem>> -> memref<1x64xf32, #tpu.memory_space<vmem>>
      %dma_start3A_232 = arith.constant 0 : i32
      %dma_start3A_233 = tpu.memref_slice %arg3[%squeeze3A_225, %dma_start3A_232] : memref<1000000x64xf32, #tpu.memory_space<hbm>> -> memref<1x64xf32, #tpu.memory_space<hbm>>
      %dma_start3A_234 = arith.constant 0 : i32
      %dma_start3A_235 = tpu.memref_slice %arg6[%add3A_229, %dma_start3A_234] : memref<512x64xf32, #tpu.memory_space<vmem>> -> memref<1x64xf32, #tpu.memory_space<vmem>>
      %dma_start3A_236 = arith.constant 0 : i32
      %dma_start3A_237 = tpu.memref_slice %arg3[%squeeze3A_225, %dma_start3A_236] : memref<1000000x64xf32, #tpu.memory_space<hbm>> -> memref<1x64xf32, #tpu.memory_space<hbm>>
      tpu.enqueue_dma source(%dma_start3A_237 : memref<1x64xf32, #tpu.memory_space<hbm>>) target(%dma_start3A_235 : memref<1x64xf32, #tpu.memory_space<vmem>>) target_semaphore(%arg7 : memref<!tpu.dma_semaphore, #tpu.memory_space<semaphore_mem>>)
    }
    %scan3A_7 = arith.constant 32 : i32
    %dma_wait3A = arith.constant 0 : i32
    %dma_wait3A_8 = arith.constant 0 : i32
    %dma_wait3A_9 = tpu.memref_slice %arg3[%dma_wait3A, %dma_wait3A_8] : memref<1000000x64xf32, #tpu.memory_space<hbm>> -> memref<512x64xf32, #tpu.memory_space<hbm>>
    %dma_wait3A_10 = arith.constant 0 : i32
    %dma_wait3A_11 = arith.constant 0 : i32
    %dma_wait3A_12 = tpu.memref_slice %arg3[%dma_wait3A_10, %dma_wait3A_11] : memref<1000000x64xf32, #tpu.memory_space<hbm>> -> memref<512x64xf32, #tpu.memory_space<hbm>>
    tpu.wait_dma2 semaphore(%arg7 : memref<!tpu.dma_semaphore, #tpu.memory_space<semaphore_mem>>) src(%dma_wait3A_12 : memref<512x64xf32, #tpu.memory_space<hbm>>) dst(%arg6 : memref<512x64xf32, #tpu.memory_space<vmem>>)
    "tpu.region"() ({
      %run_scoped3A = tpu.sem_alloc : memref<!tpu.dma_semaphore, #tpu.memory_space<semaphore_mem>>
      %dma_start3A = arith.constant 0 : i32
      %dma_start3A_13 = tpu.memref_slice %arg4[%mul3A_2, %dma_start3A] : memref<16384x64xf32, #tpu.memory_space<hbm>> -> memref<512x64xf32, #tpu.memory_space<hbm>>
      %dma_start3A_14 = arith.constant 0 : i32
      %dma_start3A_15 = tpu.memref_slice %arg4[%mul3A_2, %dma_start3A_14] : memref<16384x64xf32, #tpu.memory_space<hbm>> -> memref<512x64xf32, #tpu.memory_space<hbm>>
      tpu.enqueue_dma source(%arg6 : memref<512x64xf32, #tpu.memory_space<vmem>>) target(%dma_start3A_15 : memref<512x64xf32, #tpu.memory_space<hbm>>) target_semaphore(%run_scoped3A : memref<!tpu.dma_semaphore, #tpu.memory_space<semaphore_mem>>)
      %dma_wait3A_16 = arith.constant 0 : i32
      %dma_wait3A_17 = tpu.memref_slice %arg4[%mul3A_2, %dma_wait3A_16] : memref<16384x64xf32, #tpu.memory_space<hbm>> -> memref<512x64xf32, #tpu.memory_space<hbm>>
      %dma_wait3A_18 = arith.constant 0 : i32
      %dma_wait3A_19 = tpu.memref_slice %arg4[%mul3A_2, %dma_wait3A_18] : memref<16384x64xf32, #tpu.memory_space<hbm>> -> memref<512x64xf32, #tpu.memory_space<hbm>>
      tpu.wait_dma2 semaphore(%run_scoped3A : memref<!tpu.dma_semaphore, #tpu.memory_space<semaphore_mem>>) src(%arg6 : memref<512x64xf32, #tpu.memory_space<vmem>>) dst(%dma_wait3A_19 : memref<512x64xf32, #tpu.memory_space<hbm>>)
      tpu.yield
    }) : () -> ()
    return
  }
}

</mosaic_0001>

<sc_bundles>
// kernel: kernel.4.cloned.1.call-start
scs
__scs_entry_jumppad:
0x0: {  	(pc) =	sbr.rel $0x88, $3  }
0x1: {  	(tag) =	ssettag $0x0;
	lr =	simm.s32 $0x1  }
0x2: {  	[smem:$0x3F9D] =	sst lr;
	_ =	strace $0xD0000000  }
0x3: {  	_ = 	snop  }
0x4: {  	_ = 	snop  }
0x5: {  	_ = 	snop  }
0x6: {  	_ = 	snop  }
0x7: {  	_ = 	snop  }
__scs_overlays_trampoline_lowered:
0x8: {  	[smem:$0x3FAC] =	sst s0  }
0x9: {  	[smem:$0x3FAD] =	sst s1  }
0xa: {  	[smem:$0x3FAE] =	sst s2  }
0xb: {  	[smem:$0x3FAF] =	sst s3  }
0xc: {  	[smem:$0x3FB0] =	sst s4  }
0xd: {  	[smem:$0x3FB1] =	sst s5  }
0xe: {  	[smem:$0x3FB2] =	sst s6  }
0xf: {  	[smem:$0x3FB3] =	sst s7  }
0x10: {  	[smem:$0x3FB4] =	sst s8  }
0x11: {  	[smem:$0x3FB5] =	sst s9;
	s0 =	simm.s32 @!p0 $0x0  }
0x12: {  	s1 =	sld [smem:$0x3F9B];
	s0 =	simm.s32 @p0 $0x1  }
0x13: {  	[smem:$0x3FB6] =	sst s0;
	s0 =	simm.s32 @!p1 $0x0  }
0x14: {  	s2 =	sld [smem:$0x3F9A];
	s0 =	simm.s32 @p1 $0x1  }
0x15: {  	[smem:$0x3FB7] =	sst s0;
	s0 =	simm.s32 @!p2 $0x0  }
0x16: {  	s3 =	sld [smem:$0x3FDB];
	s0 =	simm.s32 @p2 $0x1  }
0x17: {  	s4 =	simm.s32 $0x1BF5;
	[smem:$0x3FB9] =	sst s0  }
0x18: {  	s0 =	sld [smem:$0x3F9C];
	_ =	swait.ge [sflag:s4], $0x0  }
0x19: {  	s7 =	sld [smem:$0x3F9D]  }
0x1a: {  	s8 =	sadd.s32 $0xFFFFE003, lr  }
0x1b: {  	s9 =	sadd.s32 $0xFFFFFEF7, lr;
	s5 =	simm.s32 $0xFFFFFFFF;
	p2 =	slt.u32 s8, $0xFFFFF086  }
0x1c: {  	p1 =	slt.u32 s9, $0xF7A;
	s5 =	simm.s32 @!p2 $0x0  }
0x1d: {  	s5 =	simm.s32 @p1 $0x1;
	p0 =	seq.s32 s7, s2  }
0x1e: {  	s7 =	smul.u32 @!p0 $0xF7A, s2;
	p2 =	seq.s32 @!p0 s5, $0x0  }
0x1f: {  	s9 =	smul.u32 $0xF7A, s1;
	s8 =	simm.s32 @!p0 $0x1BF5;
	p2 =	por !p2, p0  }
0x20: {  	[sflag:s8] =	ssyncset.s32 @!p0 $0xFFFFF086;
	s6 =	sadd.s32 @!p0 s3, s7;
	s7 =	simm.s32 @!p0 $0x108  }
0x21: {  	s3 =	sadd.s32 s3, s9;
	s6 =	sadd.s32 @!p0 $0x88, s6;
	s7 =	simm.s32 @p2 $0x1082  }
0x22: {  	[simem:s7], [sflag:s8] =	dma.local @!p0 [hbm:s6], $0xF7A  }
0x23: {  	s9 =	sor.u32 $0xD0000000, s2;
	s6 =	simm.s32 $0x108;
	_ =	swait.ge @!p0 [sflag:s8], $0x0  }
0x24: {  	s3 =	sadd.s32 $0x88, s3;
	s6 =	simm.s32 @!p1 $0x1082;
	[sflag:s4] =	ssyncset.s32 $0xFFFFF086  }
0x25: {  	[simem:s6], [sflag:s4] =	dma.local [hbm:s3], $0xF7A  }
0x26: {  	[smem:$0x3F9D] =	sst s1;
	(tag) =	ssettag s2;
	_ =	strace s9  }
0x27: {  	s1 =	sld [smem:$0x3FAD]  }
0x28: {  	s2 =	sld [smem:$0x3FAE]  }
0x29: {  	s4 =	sld [smem:$0x3FB0]  }
0x2a: {  	p0 =	seq.s32 s5, $0x0;
	s5 =	sld [smem:$0x3FB1]  }
0x2b: {  	s6 =	sld [smem:$0x3FB2]  }
0x2c: {  	s7 =	sld [smem:$0x3FB3]  }
0x2d: {  	s3 =	simm.s32 $0x108;
	s8 =	sld [smem:$0x3FB4]  }
0x2e: {  	s3 =	simm.s32 @!p0 $0x1082;
	s9 =	sld [smem:$0x3FB5]  }
0x2f: {  	lr =	sadd.s32 s0, s3;
	s0 =	sld [smem:$0x3FAC]  }
0x30: {  	s3 =	sld [smem:$0x3FAF]  }
0x31: {  	[smem:$0x3FB8] =	sst s10  }
0x32: {  	s10 =	sld [smem:$0x3FB6];
	_ =	sdelay $0x3  }
0x33: {  	p0 =	seq.s32 s10, $0x1;
	s10 =	sld [smem:$0x3FB8];
	_ =	sdelay $0x3  }
0x34: {  	[smem:$0x3FB8] =	sst s10  }
0x35: {  	s10 =	sld [smem:$0x3FB7];
	_ =	sdelay $0x3  }
0x36: {  	p1 =	seq.s32 s10, $0x1;
	s10 =	sld [smem:$0x3FB8];
	_ =	sdelay $0x3  }
0x37: {  	[smem:$0x3FB8] =	sst s10  }
0x38: {  	s10 =	sld [smem:$0x3FB9]  }
0x39: {  	_ = 	snop;
	(pc) =	sbr.ind lr, $3  }
0x3a: {  	_ = 	snop  }
0x3b: {  	_ = 	snop  }
0x3c: {  	p2 =	seq.s32 s10, $0x1;
	s10 =	sld [smem:$0x3FB8]  }
0x3d: {  	_ =	shalt  }
0x3e: {  	_ =	shalt  }
0x3f: {  	_ =	shalt  }
0x40: {  	_ =	shalt  }
0x41: {  	_ =	shalt  }
0x42: {  	_ =	shalt  }
0x43: {  	_ =	shalt  }
0x44: {  	_ =	shalt  }
0x45: {  	_ =	shalt  }
0x46: {  	_ =	shalt  }
0x47: {  	_ =	shalt  }
0x48: {  	_ =	shalt  }
0x49: {  	_ =	shalt  }
0x4a: {  	_ =	shalt  }
0x4b: {  	_ =	shalt  }
0x4c: {  	_ =	shalt  }
0x4d: {  	_ =	shalt  }
0x4e: {  	_ =	shalt  }
0x4f: {  	_ =	shalt  }
0x50: {  	_ =	shalt  }
0x51: {  	_ =	shalt  }
0x52: {  	_ =	shalt  }
0x53: {  	_ =	shalt  }
0x54: {  	_ =	shalt  }
0x55: {  	_ =	shalt  }
0x56: {  	_ =	shalt  }
0x57: {  	_ =	shalt  }
0x58: {  	_ =	shalt  }
0x59: {  	_ =	shalt  }
0x5a: {  	_ =	shalt  }
0x5b: {  	_ =	shalt  }
0x5c: {  	_ =	shalt  }
0x5d: {  	_ =	shalt  }
0x5e: {  	_ =	shalt  }
0x5f: {  	_ =	shalt  }
0x60: {  	_ =	shalt  }
0x61: {  	_ =	shalt  }
0x62: {  	_ =	shalt  }
0x63: {  	_ =	shalt  }
0x64: {  	_ =	shalt  }
0x65: {  	_ =	shalt  }
0x66: {  	_ =	shalt  }
0x67: {  	_ =	shalt  }
0x68: {  	_ =	shalt  }
0x69: {  	_ =	shalt  }
0x6a: {  	_ =	shalt  }
0x6b: {  	_ =	shalt  }
0x6c: {  	_ =	shalt  }
0x6d: {  	_ =	shalt  }
0x6e: {  	_ =	shalt  }
0x6f: {  	_ =	shalt  }
0x70: {  	_ =	shalt  }
0x71: {  	_ =	shalt  }
0x72: {  	_ =	shalt  }
0x73: {  	_ =	shalt  }
0x74: {  	_ =	shalt  }
0x75: {  	_ =	shalt  }
0x76: {  	_ =	shalt  }
0x77: {  	_ =	shalt  }
0x78: {  	_ =	shalt  }
0x79: {  	_ =	shalt  }
0x7a: {  	_ =	shalt  }
0x7b: {  	_ =	shalt  }
0x7c: {  	_ =	shalt  }
0x7d: {  	_ =	shalt  }
0x7e: {  	_ =	shalt  }
0x7f: {  	_ =	shalt  }
0x80: {  	_ =	shalt  }
0x81: {  	_ =	shalt  }
0x82: {  	_ =	shalt  }
0x83: {  	_ =	shalt  }
0x84: {  	_ =	shalt  }
0x85: {  	_ =	shalt  }
0x86: {  	_ =	shalt  }
0x87: {  	_ =	shalt  }
.Lfunc_end0:
.L_simem_size_0:
called_computation_lowered:
.L_overlay_start_0:
0x88: {  	s2 =	sld [smem:$0x3FD9]  }
0x89: {  	s3 =	sld [smem:$0x3FFE];
	_ =	sdelay $0x1  }
0x8a: {  	s1 =	srdreg.scid  }
0x8b: {  	s0 =	sand.u32 $0x1, s1  }
0x8c: {  	s15 =	sshll.u32 s0, $0xA;
	s2 =	sadd.s32 s3, s2  }
0x8d: {  	s2 =	sadd.s32 s2, s15  }
0x8e: {  	[smem:$0x3FC4] =	sst s2  }
0x8f: {  	_ = 	snop  }
0x90: {  	s2 =	sld [smem:$0x3FD0];
	_ =	sdelay $0x1  }
0x91: {  	s16 =	sld [smem:$0x3FC8]  }
0x92: {  	s5 =	simm.s32 $0xB;
	s6 =	simm.s32 $0x10;
	s4 =	sld [smem:$0x3FC6]  }
0x93: {  	[smem:s6], [sflag:s5] =	dma.local [hbm:s2], $0x1  }
0x94: {  	_ =	swait.eq [sflag:s5], $0x1  }
0x95: {  	[sflag:s5] =	ssyncset.done $0x0  }
0x96: {  	[sflag:s5] =	ssyncadd.s32 $0xFFFFFFFF  }
0x97: {  	s17 =	sld [smem:$0x11];
	(tm) =	ssettm $0x1  }
0x98: {  	s18 =	sld [smem:$0x3FFB];
	_ =	sdelay $0x3  }
0x99: {  	_ =	strace s18  }
0x9a: {  	s5 =	sld [smem:$0x3FFC];
	_ =	sdelay $0x3  }
0x9b: {  	_ =	strace s5  }
0x9c: {  	s5 =	sld [smem:$0x3FFD];
	_ =	sdelay $0x3  }
0x9d: {  	_ =	strace s5  }
0x9e: {  	_ =	strace $0x8FFFFFFF  }
0x9f: {  	s19 =	sld [smem:$0x3FDB];
	_ =	sdelay $0x1  }
0xa0: {  	s20 =	simm.s32 $_scs_section_size  }
0xa1: {  	s7 =	simm.s32 $_size__tile_overlayer_lowered;
	s8 =	simm.s32 $_tile_overlayer_lowered  }
0xa2: {  	s23 =	simm.s32 $0x1BFF;
	s22 =	sshll.u32 s8, $0x1;
	s5 =	sadd.s32 s20, s19  }
0xa3: {  	s9 =	simm.s32 $0x0;
	s21 =	sshll.u32 s7, $0x1;
	s7 =	sadd.s32 s22, s5  }
0xa4: {  	[timem:s9], [sflag:s23] =	dma.local [hbm:s7], s21  }
0xa5: {  	_ =	swait.ge [sflag:s23], s21  }
0xa6: {  	s6 =	ssub.s32 $0x0, s21;
	[sflag:s23] =	ssyncset.done $0x0  }
0xa7: {  	[sflag:s23] =	ssyncadd.s32 s6;
	_ =	sdelay $0x1  }
0xa8: {  	s24 =	simm.s32 $0x1B8B  }
0xa9: {  	_ =	swait.ge [sflag:s24], $0x1  }
0xaa: {  	[sflag:s24] =	ssyncset.done $0x0  }
0xab: {  	s25 =	simm.s32 $0x1B8E;
	[sflag:s24] =	ssyncadd.s32 $0xFFFFFFFF  }
0xac: {  	s26 =	simm.s32 $execute0_lowered;
	[smem:$0x3FD2] =	sst s25  }
0xad: {  	s6 =	sshll.u32 s26, $0x1;
	_ =	strace $0x80000046;
	[dreg:$0x1] =	wrdreg $0xFFFFFFFF  }
0xae: {  	s28 =	simm.s32 $_size_execute0_lowered;
	s5 =	sadd.s32 s5, s6;
	[dreg:$0x0] =	wrdreg $0x0  }
0xaf: {  	s6 =	sshll.u32 s28, $0x1;
	[dreg:$0x2] =	wrdreg s5  }
0xb0: {  	[dreg:$0x3] =	wrdreg s6  }
0xb1: {  	[dreg:$0x4] =	wrdreg $0xC0  }
0xb2: {  	_ =	task [dreg:s9], $0x5FFFF  }
0xb3: {  	[dreg:$0x1] =	wrdreg $0xFFFFFFFF  }
0xb4: {  	[dreg:$0x0] =	wrdreg $0x60  }
0xb5: {  	[dreg:$0x2] =	wrdreg s16  }
0xb6: {  	[dreg:$0x3] =	wrdreg s4  }
0xb7: {  	[dreg:$0x4] =	wrdreg s17  }
0xb8: {  	[dreg:$0x5] =	wrdreg $0x9  }
0xb9: {  	_ =	task.clear_ibuf [dreg:s9], $0x6FFFF;
	_ =	strace $0x90000046  }
0xba: {  	s29 =	simm.s32 $0x9;
	_ =	strace $0x80000048  }
0xbb: {  	_ =	swait.ge [sflag:s29], $0x1  }
0xbc: {  	[sflag:s29] =	ssyncadd.s32 $0xFFFFFFFF  }
0xbd: {  	_ =	strace $0x90000048  }
0xbe: {  	_ =	sfence  }
0xbf: {  	s30 =	sld [smem:$0x0];
	_ =	sdelay $0x2  }
0xc0: {  	s31 =	sshll.u32 s1, $0xD;
	s1 =	sshrl.u32 s1, $0x2  }
0xc1: {  	s3 =	sand.u32 $0x4000, s31;
	s1 =	sadd.s32 s1, s30  }
0xc2: {  	s0 =	sor.u32 s3, s0;
	s1 =	sshll.u32 s1, $0x11  }
0xc3: {  	s0 =	sor.u32 s1, s0  }
0xc4: {  	s0 =	sadd.s32 $0x8F2B, s0  }
0xc5: {  	[sflag:s0] =	ssyncadd.remote.s32 $0x1  }
0xc6: {  	_ =	sfence.sel $0xFFFF  }
0xc7: {  	[dreg:$0x0] =	wrdreg $0xFFFFFFFF;
	(pc) =	sbr.abs _section_cstart, $3  }
0xc8: {  	[dreg:$0x1] =	wrdreg $0xFFFFFFFF  }
0xc9: {  	_ =	task.clear_ibuf [dreg:s9], $0x2FFFF;
	_ =	strace $0x9FFFFFFF  }
0xca: {  	(tm) =	ssettm $0x7FFFFFFF  }
0xcb: {  	_ =	shalt  }
tec
execute0_lowered:
.L_overlay_start_1:
0x0: {  	(tag) =	ssettag $0x1  }
0x1: {  	s4 =	rddreg [dreg:$0x0]  }
0x2: {  	s2 =	rddreg [dreg:$0x1]  }
0x3: {  	s5 =	rddreg [dreg:$0x2]  }
0x4: {  	s0 =	rddreg [dreg:$0x3]  }
0x5: {  	s6 =	srdreg.scid;
	s1 =	stileid.u32  }
0x6: {  	s3 =	simm.s32 $0x0;
	s10 =	simm.s32 $0x200;
	s11 =	simm.s32 $0x2200  }
0x7: {  	s12 =	simm.s32 $0x4200;
	s13 =	simm.s32 $0x6200;
	s14 =	simm.s32 $0x1  }
0x8: {  	s15 =	simm.s32 $0x2;
	s16 =	simm.s32 $0x3;
	s17 =	simm.s32 $0x4  }
0x9: {  	s18 =	simm.s32 $0x8200;
	s19 =	simm.s32 $0x0;
	s6 =	sand.u32 $0x1, s6  }
0xa: {  	s7 =	sshll.u32 s1, $0x1;
	[smem:$0x7FF] =	sst s3;
	s8 =	ssub.s32 $0x2, s6  }
0xb: {  	v0 =	vlaneseq.u32;
	s6 =	sor.u32 s6, s7;
	_ =	strace $0x80000047;
	s31 =	sshrl.u32 s8, $0x1  }
0xc: {  	v0 =	vmul.u32 $0x80, v0;
	s9 =	sshll.u32 s6, $0x6;
	s6 =	sshll.u32 s6, $0xC;
	s7 =	ssub.s32 s8, s31  }
0xd: {  	s4 =	sadd.s32 s4, s9;
	s5 =	sadd.s32 s5, s6;
	s8 =	simm.s32 $0x400  }
0xe: {  	v1 =	vor.u32 $0x800, v0;
	v2 =	vor.u32 $0x1000, v0;
	v3 =	vor.u32 $0x1800, v0;
	s9 =	simm.s32 $0x7A1400;
	s6 =	smax.u32 s7, $0x1;
	s7 =	simm.s32 $0x5  }
.LBB2_1:
0xf: {  	[tilespmem:s3], [sflag:$0x5] =	stream.linear.gather [hbm4b:s4+s3], $0x200, $0x38;
	[tilespmem:$0x10200] =	vst v63  }
0x10: {  	_ =	swait.ge [sflag:s7], $0x200  }
0x11: {  	[sflag:s7] =	ssyncset.done $0x0  }
0x12: {  	[sflag:s7] =	ssyncadd.s32 $0xFFFFFE00  }
0x13: {  	v4 =	vld [tilespmem:$0x0];
	_ =	sdelay $0x4  }
0x14: {  	(v2sf) =	vpush v4, $0x0  }
0x15: {  	(v2sf) =	vpush v4, $0x1;
	_ =	sdelay $0x2  }
0x16: {  	(v2sf) =	vpush v4, $0x2;
	_ =	sdelay $0xa  }
0x17: {  	s20 =	spop (v2sf)  }
0x18: {  	s20 =	sand.u32 $0xFFFFF80, s20;
	s21 =	spop (v2sf)  }
0x19: {  	s20 =	sadd.s32 s2, s20;
	s30 =	sand.u32 $0xFFFFF80, s21  }
0x1a: {  	[tilespmem:s10], [sflag:$0x1] =	stream.strided.gather [hbm4b:s20+s8], $0x2000, s9, s8, $0x38;
	[tilespmem:$0x10200] =	vst v63  }
0x1b: {  	s31 =	spop (v2sf);
	s20 =	sadd.s32 s2, s30  }
0x1c: {  	[tilespmem:s11], [sflag:$0x2] =	stream.strided.gather [hbm4b:s20+s8], $0x2000, s9, s8, $0x38;
	[tilespmem:$0x10200] =	vst v63  }
0x1d: {  	s20 =	sand.u32 $0xFFFFF80, s31  }
0x1e: {  	s20 =	sadd.s32 s2, s20  }
0x1f: {  	[tilespmem:s12], [sflag:$0x3] =	stream.strided.gather [hbm4b:s20+s8], $0x2000, s9, s8, $0x38;
	[tilespmem:$0x10200] =	vst v63  }
0x20: {  	s22 =	simm.s32 $0x0;
	s21 =	simm.s32 $0x8400;
	s20 =	simm.s32 $0x10  }
.LBB2_2:
0x21: {  	v5 =	vld [tilespmem:s22+$0x0];
	_ =	sdelay $0x4  }
0x22: {  	(v2sf) =	vpush v5, $0x3;
	_ =	sdelay $0xe  }
0x23: {  	s23 =	spop (v2sf)  }
0x24: {  	s25 =	sand.u32 $0xFFFFF80, s23  }
0x25: {  	s24 =	smin.u32 s20, $0x1F0;
	s26 =	sadd.s32 s2, s25  }
0x26: {  	v4 =	vld [tilespmem:s24+$0x0];
	[tilespmem:s13], [sflag:$0x4] =	stream.strided.gather [hbm4b:s26+s8], $0x2000, s9, s8, $0x38  }
0x27: {  	_ =	swait.ge [sflag:s14], $0x2000  }
0x28: {  	(v2sf) =	vpush v5, $0x0;
	_ =	sdelay $0xe  }
0x29: {  	s28 =	spop (v2sf)  }
0x2a: {  	s24 =	sand.u32 $0x7F, s28  }
0x2b: {  	v6 =	vor.u32 s24, v0;
	_ =	sdelay $0x2  }
0x2c: {  	[sflag:s14] =	ssyncset.done $0x0  }
0x2d: {  	[sflag:s14] =	ssyncadd.s32 $0xFFFFE000  }
0x2e: {  	v6 =	vld.idx.msk [tilespmem:v6+s10+$0x0], $0xffff  }
0x2f: {  	v7 =	vor.u32 s24, v1;
	_ =	sdelay $0x3  }
0x30: {  	[tilespmem:s21+$0xFFFFFE00] =	vst v6  }
0x31: {  	(v2sf) =	vpush v5, $0x4;
	v6 =	vld.idx.msk [tilespmem:v7+s10+$0x0], $0xffff  }
0x32: {  	v12 =	vor.u32 s24, v2;
	_ =	sdelay $0x3  }
0x33: {  	[tilespmem:s21+$0xFFFFFE10] =	vst v6  }
0x34: {  	v6 =	vld.idx.msk [tilespmem:v12+s10+$0x0], $0xffff  }
0x35: {  	v13 =	vor.u32 s24, v3;
	_ =	sdelay $0x3  }
0x36: {  	[tilespmem:s21+$0xFFFFFE20] =	vst v6  }
0x37: {  	v6 =	vld.idx.msk [tilespmem:v13+s10+$0x0], $0xffff;
	_ =	sdelay $0x2  }
0x38: {  	s24 =	spop (v2sf)  }
0x39: {  	s29 =	sand.u32 $0xFFFFF80, s24  }
0x3a: {  	s25 =	sadd.s32 s2, s29;
	[tilespmem:s21+$0xFFFFFE30] =	vst v6  }
0x3b: {  	[tilespmem:s10], [sflag:$0x1] =	stream.strided.gather [hbm4b:s25+s8], $0x2000, s9, s8, $0x38;
	[tilespmem:$0x10200] =	vst v63  }
0x3c: {  	_ =	swait.ge [sflag:s15], $0x2000  }
0x3d: {  	(v2sf) =	vpush v5, $0x1;
	_ =	sdelay $0xe  }
0x3e: {  	s30 =	spop (v2sf)  }
0x3f: {  	s25 =	sand.u32 $0x7F, s30  }
0x40: {  	v14 =	vor.u32 s25, v0;
	_ =	sdelay $0x2  }
0x41: {  	[sflag:s15] =	ssyncset.done $0x0  }
0x42: {  	[sflag:s15] =	ssyncadd.s32 $0xFFFFE000  }
0x43: {  	v6 =	vld.idx.msk [tilespmem:v14+s11+$0x0], $0xffff  }
0x44: {  	v15 =	vor.u32 s25, v1;
	_ =	sdelay $0x3  }
0x45: {  	[tilespmem:s21+$0xFFFFFE40] =	vst v6  }
0x46: {  	(v2sf) =	vpush v5, $0x5;
	v6 =	vld.idx.msk [tilespmem:v15+s11+$0x0], $0xffff  }
0x47: {  	v16 =	vor.u32 s25, v2;
	_ =	sdelay $0x3  }
0x48: {  	[tilespmem:s21+$0xFFFFFE50] =	vst v6  }
0x49: {  	v6 =	vld.idx.msk [tilespmem:v16+s11+$0x0], $0xffff  }
0x4a: {  	v17 =	vor.u32 s25, v3;
	_ =	sdelay $0x3  }
0x4b: {  	[tilespmem:s21+$0xFFFFFE60] =	vst v6  }
0x4c: {  	v6 =	vld.idx.msk [tilespmem:v17+s11+$0x0], $0xffff;
	_ =	sdelay $0x2  }
0x4d: {  	s31 =	spop (v2sf)  }
0x4e: {  	s26 =	sand.u32 $0xFFFFF80, s31  }
0x4f: {  	s26 =	sadd.s32 s2, s26;
	[tilespmem:s21+$0xFFFFFE70] =	vst v6  }
0x50: {  	[tilespmem:s11], [sflag:$0x2] =	stream.strided.gather [hbm4b:s26+s8], $0x2000, s9, s8, $0x38;
	[tilespmem:$0x10200] =	vst v63  }
0x51: {  	_ =	swait.ge [sflag:s16], $0x2000  }
0x52: {  	(v2sf) =	vpush v5, $0x2;
	_ =	sdelay $0xe  }
0x53: {  	s28 =	spop (v2sf)  }
0x54: {  	s26 =	sand.u32 $0x7F, s28  }
0x55: {  	v18 =	vor.u32 s26, v0;
	_ =	sdelay $0x2  }
0x56: {  	[sflag:s16] =	ssyncset.done $0x0  }
0x57: {  	[sflag:s16] =	ssyncadd.s32 $0xFFFFE000  }
0x58: {  	v6 =	vld.idx.msk [tilespmem:v18+s12+$0x0], $0xffff  }
0x59: {  	v19 =	vor.u32 s26, v1;
	_ =	sdelay $0x3  }
0x5a: {  	[tilespmem:s21+$0xFFFFFE80] =	vst v6  }
0x5b: {  	(v2sf) =	vpush v5, $0x6;
	v6 =	vld.idx.msk [tilespmem:v19+s12+$0x0], $0xffff  }
0x5c: {  	v20 =	vor.u32 s26, v2;
	_ =	sdelay $0x3  }
0x5d: {  	[tilespmem:s21+$0xFFFFFE90] =	vst v6  }
0x5e: {  	v6 =	vld.idx.msk [tilespmem:v20+s12+$0x0], $0xffff  }
0x5f: {  	v21 =	vor.u32 s26, v3;
	_ =	sdelay $0x3  }
0x60: {  	[tilespmem:s21+$0xFFFFFEA0] =	vst v6  }
0x61: {  	v6 =	vld.idx.msk [tilespmem:v21+s12+$0x0], $0xffff;
	_ =	sdelay $0x2  }
0x62: {  	s26 =	spop (v2sf)  }
0x63: {  	s23 =	sand.u32 $0x7F, s23;
	s28 =	sand.u32 $0xFFFFF80, s26  }
0x64: {  	v22 =	vor.u32 s23, v0;
	s28 =	sadd.s32 s2, s28;
	[tilespmem:s21+$0xFFFFFEB0] =	vst v6  }
0x65: {  	[tilespmem:s12], [sflag:$0x3] =	stream.strided.gather [hbm4b:s28+s8], $0x2000, s9, s8, $0x38;
	[tilespmem:$0x10200] =	vst v63  }
0x66: {  	_ =	swait.ge [sflag:s17], $0x2000  }
0x67: {  	[sflag:s17] =	ssyncset.done $0x0  }
0x68: {  	[sflag:s17] =	ssyncadd.s32 $0xFFFFE000  }
0x69: {  	v6 =	vld.idx.msk [tilespmem:v22+s13+$0x0], $0xffff  }
0x6a: {  	v23 =	vor.u32 s23, v1;
	_ =	sdelay $0x3  }
0x6b: {  	[tilespmem:s21+$0xFFFFFEC0] =	vst v6  }
0x6c: {  	(v2sf) =	vpush v5, $0x7;
	v6 =	vld.idx.msk [tilespmem:v23+s13+$0x0], $0xffff  }
0x6d: {  	v24 =	vor.u32 s23, v2;
	_ =	sdelay $0x3  }
0x6e: {  	[tilespmem:s21+$0xFFFFFED0] =	vst v6  }
0x6f: {  	v6 =	vld.idx.msk [tilespmem:v24+s13+$0x0], $0xffff  }
0x70: {  	v25 =	vor.u32 s23, v3;
	_ =	sdelay $0x3  }
0x71: {  	[tilespmem:s21+$0xFFFFFEE0] =	vst v6  }
0x72: {  	v6 =	vld.idx.msk [tilespmem:v25+s13+$0x0], $0xffff;
	_ =	sdelay $0x2  }
0x73: {  	s23 =	spop (v2sf)  }
0x74: {  	s24 =	sand.u32 $0x7F, s24;
	s29 =	sand.u32 $0xFFFFF80, s23  }
0x75: {  	v26 =	vor.u32 s24, v0;
	s28 =	sadd.s32 s2, s29;
	[tilespmem:s21+$0xFFFFFEF0] =	vst v6  }
0x76: {  	[tilespmem:s13], [sflag:$0x4] =	stream.strided.gather [hbm4b:s28+s8], $0x2000, s9, s8, $0x38;
	[tilespmem:$0x10200] =	vst v63  }
0x77: {  	_ =	swait.ge [sflag:s14], $0x2000  }
0x78: {  	[sflag:s14] =	ssyncset.done $0x0  }
0x79: {  	[sflag:s14] =	ssyncadd.s32 $0xFFFFE000  }
0x7a: {  	v6 =	vld.idx.msk [tilespmem:v26+s10+$0x0], $0xffff  }
0x7b: {  	v27 =	vor.u32 s24, v1;
	_ =	sdelay $0x3  }
0x7c: {  	[tilespmem:s21+$0xFFFFFF00] =	vst v6  }
0x7d: {  	(v2sf) =	vpush v5, $0x8;
	v6 =	vld.idx.msk [tilespmem:v27+s10+$0x0], $0xffff  }
0x7e: {  	v28 =	vor.u32 s24, v2;
	_ =	sdelay $0x3  }
0x7f: {  	[tilespmem:s21+$0xFFFFFF10] =	vst v6  }
0x80: {  	v6 =	vld.idx.msk [tilespmem:v28+s10+$0x0], $0xffff  }
0x81: {  	v29 =	vor.u32 s24, v3;
	_ =	sdelay $0x3  }
0x82: {  	[tilespmem:s21+$0xFFFFFF20] =	vst v6  }
0x83: {  	v6 =	vld.idx.msk [tilespmem:v29+s10+$0x0], $0xffff;
	_ =	sdelay $0x2  }
0x84: {  	s24 =	spop (v2sf)  }
0x85: {  	s25 =	sand.u32 $0x7F, s31;
	s30 =	sand.u32 $0xFFFFF80, s24  }
0x86: {  	v30 =	vor.u32 s25, v0;
	s28 =	sadd.s32 s2, s30;
	[tilespmem:s21+$0xFFFFFF30] =	vst v6  }
0x87: {  	[tilespmem:s10], [sflag:$0x1] =	stream.strided.gather [hbm4b:s28+s8], $0x2000, s9, s8, $0x38;
	[tilespmem:$0x10200] =	vst v63  }
0x88: {  	_ =	swait.ge [sflag:s15], $0x2000  }
0x89: {  	[sflag:s15] =	ssyncset.done $0x0  }
0x8a: {  	[sflag:s15] =	ssyncadd.s32 $0xFFFFE000  }
0x8b: {  	v6 =	vld.idx.msk [tilespmem:v30+s11+$0x0], $0xffff  }
0x8c: {  	v31 =	vor.u32 s25, v1;
	_ =	sdelay $0x3  }
0x8d: {  	[tilespmem:s21+$0xFFFFFF40] =	vst v6  }
0x8e: {  	(v2sf) =	vpush v5, $0x9;
	v6 =	vld.idx.msk [tilespmem:v31+s11+$0x0], $0xffff  }
0x8f: {  	v32 =	vor.u32 s25, v2;
	_ =	sdelay $0x3  }
0x90: {  	[tilespmem:s21+$0xFFFFFF50] =	vst v6  }
0x91: {  	v6 =	vld.idx.msk [tilespmem:v32+s11+$0x0], $0xffff  }
0x92: {  	v33 =	vor.u32 s25, v3;
	_ =	sdelay $0x3  }
0x93: {  	[tilespmem:s21+$0xFFFFFF60] =	vst v6  }
0x94: {  	v6 =	vld.idx.msk [tilespmem:v33+s11+$0x0], $0xffff;
	_ =	sdelay $0x2  }
0x95: {  	s25 =	spop (v2sf)  }
0x96: {  	s26 =	sand.u32 $0x7F, s26;
	s31 =	sand.u32 $0xFFFFF80, s25  }
0x97: {  	v34 =	vor.u32 s26, v0;
	s28 =	sadd.s32 s2, s31;
	[tilespmem:s21+$0xFFFFFF70] =	vst v6  }
0x98: {  	[tilespmem:s11], [sflag:$0x2] =	stream.strided.gather [hbm4b:s28+s8], $0x2000, s9, s8, $0x38;
	[tilespmem:$0x10200] =	vst v63  }
0x99: {  	_ =	swait.ge [sflag:s16], $0x2000  }
0x9a: {  	[sflag:s16] =	ssyncset.done $0x0  }
0x9b: {  	[sflag:s16] =	ssyncadd.s32 $0xFFFFE000  }
0x9c: {  	v6 =	vld.idx.msk [tilespmem:v34+s12+$0x0], $0xffff  }
0x9d: {  	v35 =	vor.u32 s26, v1;
	_ =	sdelay $0x3  }
0x9e: {  	[tilespmem:s21+$0xFFFFFF80] =	vst v6  }
0x9f: {  	(v2sf) =	vpush v5, $0xA;
	v6 =	vld.idx.msk [tilespmem:v35+s12+$0x0], $0xffff  }
0xa0: {  	v36 =	vor.u32 s26, v2;
	_ =	sdelay $0x3  }
0xa1: {  	[tilespmem:s21+$0xFFFFFF90] =	vst v6  }
0xa2: {  	v6 =	vld.idx.msk [tilespmem:v36+s12+$0x0], $0xffff  }
0xa3: {  	v37 =	vor.u32 s26, v3;
	_ =	sdelay $0x3  }
0xa4: {  	[tilespmem:s21+$0xFFFFFFA0] =	vst v6  }
0xa5: {  	v6 =	vld.idx.msk [tilespmem:v37+s12+$0x0], $0xffff;
	_ =	sdelay $0x2  }
0xa6: {  	s26 =	spop (v2sf)  }
0xa7: {  	s23 =	sand.u32 $0x7F, s23;
	s29 =	sand.u32 $0xFFFFF80, s26  }
0xa8: {  	v38 =	vor.u32 s23, v0;
	s28 =	sadd.s32 s2, s29;
	[tilespmem:s21+$0xFFFFFFB0] =	vst v6  }
0xa9: {  	[tilespmem:s12], [sflag:$0x3] =	stream.strided.gather [hbm4b:s28+s8], $0x2000, s9, s8, $0x38;
	[tilespmem:$0x10200] =	vst v63  }
0xaa: {  	_ =	swait.ge [sflag:s17], $0x2000  }
0xab: {  	[sflag:s17] =	ssyncset.done $0x0  }
0xac: {  	[sflag:s17] =	ssyncadd.s32 $0xFFFFE000  }
0xad: {  	v6 =	vld.idx.msk [tilespmem:v38+s13+$0x0], $0xffff  }
0xae: {  	v39 =	vor.u32 s23, v1;
	_ =	sdelay $0x3  }
0xaf: {  	[tilespmem:s21+$0xFFFFFFC0] =	vst v6  }
0xb0: {  	(v2sf) =	vpush v5, $0xB;
	v6 =	vld.idx.msk [tilespmem:v39+s13+$0x0], $0xffff  }
0xb1: {  	v40 =	vor.u32 s23, v2;
	_ =	sdelay $0x3  }
0xb2: {  	[tilespmem:s21+$0xFFFFFFD0] =	vst v6  }
0xb3: {  	v6 =	vld.idx.msk [tilespmem:v40+s13+$0x0], $0xffff  }
0xb4: {  	v41 =	vor.u32 s23, v3;
	_ =	sdelay $0x3  }
0xb5: {  	[tilespmem:s21+$0xFFFFFFE0] =	vst v6  }
0xb6: {  	v6 =	vld.idx.msk [tilespmem:v41+s13+$0x0], $0xffff;
	_ =	sdelay $0x2  }
0xb7: {  	s23 =	spop (v2sf)  }
0xb8: {  	s24 =	sand.u32 $0x7F, s24;
	s30 =	sand.u32 $0xFFFFF80, s23  }
0xb9: {  	v42 =	vor.u32 s24, v0;
	s28 =	sadd.s32 s2, s30;
	[tilespmem:s21+$0xFFFFFFF0] =	vst v6  }
0xba: {  	[tilespmem:s13], [sflag:$0x4] =	stream.strided.gather [hbm4b:s28+s8], $0x2000, s9, s8, $0x38;
	[tilespmem:$0x10200] =	vst v63  }
0xbb: {  	_ =	swait.ge [sflag:s14], $0x2000  }
0xbc: {  	[sflag:s14] =	ssyncset.done $0x0  }
0xbd: {  	[sflag:s14] =	ssyncadd.s32 $0xFFFFE000  }
0xbe: {  	v6 =	vld.idx.msk [tilespmem:v42+s10+$0x0], $0xffff  }
0xbf: {  	v43 =	vor.u32 s24, v1;
	_ =	sdelay $0x3  }
0xc0: {  	[tilespmem:s21+$0x0] =	vst v6  }
0xc1: {  	(v2sf) =	vpush v5, $0xC;
	v6 =	vld.idx.msk [tilespmem:v43+s10+$0x0], $0xffff  }
0xc2: {  	v44 =	vor.u32 s24, v2;
	_ =	sdelay $0x3  }
0xc3: {  	[tilespmem:s21+$0x10] =	vst v6  }
0xc4: {  	v6 =	vld.idx.msk [tilespmem:v44+s10+$0x0], $0xffff  }
0xc5: {  	v45 =	vor.u32 s24, v3;
	_ =	sdelay $0x3  }
0xc6: {  	[tilespmem:s21+$0x20] =	vst v6  }
0xc7: {  	v6 =	vld.idx.msk [tilespmem:v45+s10+$0x0], $0xffff;
	_ =	sdelay $0x2  }
0xc8: {  	s24 =	spop (v2sf)  }
0xc9: {  	s25 =	sand.u32 $0x7F, s25;
	s31 =	sand.u32 $0xFFFFF80, s24  }
0xca: {  	v46 =	vor.u32 s25, v0;
	s28 =	sadd.s32 s2, s31;
	[tilespmem:s21+$0x30] =	vst v6  }
0xcb: {  	[tilespmem:s10], [sflag:$0x1] =	stream.strided.gather [hbm4b:s28+s8], $0x2000, s9, s8, $0x38;
	[tilespmem:$0x10200] =	vst v63  }
0xcc: {  	_ =	swait.ge [sflag:s15], $0x2000  }
0xcd: {  	[sflag:s15] =	ssyncset.done $0x0  }
0xce: {  	[sflag:s15] =	ssyncadd.s32 $0xFFFFE000  }
0xcf: {  	v6 =	vld.idx.msk [tilespmem:v46+s11+$0x0], $0xffff  }
0xd0: {  	v47 =	vor.u32 s25, v1;
	_ =	sdelay $0x3  }
0xd1: {  	[tilespmem:s21+$0x40] =	vst v6  }
0xd2: {  	(v2sf) =	vpush v5, $0xD;
	v6 =	vld.idx.msk [tilespmem:v47+s11+$0x0], $0xffff  }
0xd3: {  	v48 =	vor.u32 s25, v2;
	_ =	sdelay $0x3  }
0xd4: {  	[tilespmem:s21+$0x50] =	vst v6  }
0xd5: {  	v6 =	vld.idx.msk [tilespmem:v48+s11+$0x0], $0xffff  }
0xd6: {  	v49 =	vor.u32 s25, v3;
	_ =	sdelay $0x3  }
0xd7: {  	[tilespmem:s21+$0x60] =	vst v6  }
0xd8: {  	v6 =	vld.idx.msk [tilespmem:v49+s11+$0x0], $0xffff;
	_ =	sdelay $0x2  }
0xd9: {  	s25 =	spop (v2sf)  }
0xda: {  	s26 =	sand.u32 $0x7F, s26;
	s29 =	sand.u32 $0xFFFFF80, s25  }
0xdb: {  	v50 =	vor.u32 s26, v0;
	s28 =	sadd.s32 s2, s29;
	[tilespmem:s21+$0x70] =	vst v6  }
0xdc: {  	[tilespmem:s11], [sflag:$0x2] =	stream.strided.gather [hbm4b:s28+s8], $0x2000, s9, s8, $0x38;
	[tilespmem:$0x10200] =	vst v63  }
0xdd: {  	_ =	swait.ge [sflag:s16], $0x2000  }
0xde: {  	[sflag:s16] =	ssyncset.done $0x0  }
0xdf: {  	[sflag:s16] =	ssyncadd.s32 $0xFFFFE000  }
0xe0: {  	v6 =	vld.idx.msk [tilespmem:v50+s12+$0x0], $0xffff  }
0xe1: {  	v51 =	vor.u32 s26, v1;
	_ =	sdelay $0x3  }
0xe2: {  	[tilespmem:s21+$0x80] =	vst v6  }
0xe3: {  	(v2sf) =	vpush v5, $0xE;
	v6 =	vld.idx.msk [tilespmem:v51+s12+$0x0], $0xffff  }
0xe4: {  	v52 =	vor.u32 s26, v2;
	_ =	sdelay $0x3  }
0xe5: {  	[tilespmem:s21+$0x90] =	vst v6  }
0xe6: {  	v6 =	vld.idx.msk [tilespmem:v52+s12+$0x0], $0xffff  }
0xe7: {  	v53 =	vor.u32 s26, v3;
	_ =	sdelay $0x3  }
0xe8: {  	[tilespmem:s21+$0xA0] =	vst v6  }
0xe9: {  	v6 =	vld.idx.msk [tilespmem:v53+s12+$0x0], $0xffff;
	_ =	sdelay $0x2  }
0xea: {  	s26 =	spop (v2sf)  }
0xeb: {  	s23 =	sand.u32 $0x7F, s23;
	s30 =	sand.u32 $0xFFFFF80, s26  }
0xec: {  	v54 =	vor.u32 s23, v0;
	s28 =	sadd.s32 s2, s30;
	[tilespmem:s21+$0xB0] =	vst v6  }
0xed: {  	[tilespmem:s12], [sflag:$0x3] =	stream.strided.gather [hbm4b:s28+s8], $0x2000, s9, s8, $0x38;
	[tilespmem:$0x10200] =	vst v63  }
0xee: {  	_ =	swait.ge [sflag:s17], $0x2000  }
0xef: {  	[sflag:s17] =	ssyncset.done $0x0  }
0xf0: {  	[sflag:s17] =	ssyncadd.s32 $0xFFFFE000  }
0xf1: {  	v6 =	vld.idx.msk [tilespmem:v54+s13+$0x0], $0xffff  }
0xf2: {  	v55 =	vor.u32 s23, v1;
	_ =	sdelay $0x3  }
0xf3: {  	[tilespmem:s21+$0xC0] =	vst v6  }
0xf4: {  	(v2sf) =	vpush v5, $0xF;
	v6 =	vld.idx.msk [tilespmem:v55+s13+$0x0], $0xffff  }
0xf5: {  	v5 =	vor.u32 s23, v2;
	_ =	sdelay $0x3  }
0xf6: {  	[tilespmem:s21+$0xD0] =	vst v6  }
0xf7: {  	v5 =	vld.idx.msk [tilespmem:v5+s13+$0x0], $0xffff  }
0xf8: {  	v56 =	vor.u32 s23, v3;
	_ =	sdelay $0x3  }
0xf9: {  	[tilespmem:s21+$0xE0] =	vst v5  }
0xfa: {  	v5 =	vld.idx.msk [tilespmem:v56+s13+$0x0], $0xffff;
	_ =	sdelay $0x2  }
0xfb: {  	s23 =	spop (v2sf)  }
0xfc: {  	s24 =	sand.u32 $0x7F, s24;
	s31 =	sand.u32 $0xFFFFF80, s23  }
0xfd: {  	s28 =	sadd.s32 s2, s31;
	[tilespmem:s21+$0xF0] =	vst v5;
	v5 =	vor.u32 s24, v0  }
0xfe: {  	[tilespmem:s13], [sflag:$0x4] =	stream.strided.gather [hbm4b:s28+s8], $0x2000, s9, s8, $0x38;
	[tilespmem:$0x10200] =	vst v63  }
0xff: {  	_ =	swait.ge [sflag:s14], $0x2000  }
0x100: {  	[sflag:s14] =	ssyncset.done $0x0  }
0x101: {  	[sflag:s14] =	ssyncadd.s32 $0xFFFFE000  }
0x102: {  	v5 =	vld.idx.msk [tilespmem:v5+s10+$0x0], $0xffff  }
0x103: {  	v57 =	vor.u32 s24, v1;
	_ =	sdelay $0x3  }
0x104: {  	[tilespmem:s21+$0x100] =	vst v5  }
0x105: {  	(v2sf) =	vpush v4, $0x0;
	v5 =	vld.idx.msk [tilespmem:v57+s10+$0x0], $0xffff  }
0x106: {  	v58 =	vor.u32 s24, v2;
	_ =	sdelay $0x3  }
0x107: {  	[tilespmem:s21+$0x110] =	vst v5  }
0x108: {  	v5 =	vld.idx.msk [tilespmem:v58+s10+$0x0], $0xffff  }
0x109: {  	v59 =	vor.u32 s24, v3;
	_ =	sdelay $0x3  }
0x10a: {  	[tilespmem:s21+$0x120] =	vst v5  }
0x10b: {  	v5 =	vld.idx.msk [tilespmem:v59+s10+$0x0], $0xffff;
	_ =	sdelay $0x2  }
0x10c: {  	s28 =	spop (v2sf)  }
0x10d: {  	s25 =	sand.u32 $0x7F, s25;
	s24 =	sand.u32 $0xFFFFF80, s28  }
0x10e: {  	s24 =	sadd.s32 s2, s24;
	[tilespmem:s21+$0x130] =	vst v5;
	v5 =	vor.u32 s25, v0  }
0x10f: {  	[tilespmem:s10], [sflag:$0x1] =	stream.strided.gather [hbm4b:s24+s8], $0x2000, s9, s8, $0x38;
	[tilespmem:$0x10200] =	vst v63  }
0x110: {  	_ =	swait.ge [sflag:s15], $0x2000  }
0x111: {  	[sflag:s15] =	ssyncset.done $0x0  }
0x112: {  	[sflag:s15] =	ssyncadd.s32 $0xFFFFE000  }
0x113: {  	v5 =	vld.idx.msk [tilespmem:v5+s11+$0x0], $0xffff  }
0x114: {  	v60 =	vor.u32 s25, v1;
	_ =	sdelay $0x3  }
0x115: {  	[tilespmem:s21+$0x140] =	vst v5  }
0x116: {  	(v2sf) =	vpush v4, $0x1;
	v5 =	vld.idx.msk [tilespmem:v60+s11+$0x0], $0xffff  }
0x117: {  	v61 =	vor.u32 s25, v2;
	_ =	sdelay $0x3  }
0x118: {  	[tilespmem:s21+$0x150] =	vst v5  }
0x119: {  	v5 =	vld.idx.msk [tilespmem:v61+s11+$0x0], $0xffff  }
0x11a: {  	v62 =	vor.u32 s25, v3;
	_ =	sdelay $0x3  }
0x11b: {  	[tilespmem:s21+$0x160] =	vst v5  }
0x11c: {  	v5 =	vld.idx.msk [tilespmem:v62+s11+$0x0], $0xffff;
	_ =	sdelay $0x2  }
0x11d: {  	s29 =	spop (v2sf)  }
0x11e: {  	s30 =	sand.u32 $0x7F, s26;
	s24 =	sand.u32 $0xFFFFF80, s29  }
0x11f: {  	s24 =	sadd.s32 s2, s24;
	[tilespmem:s21+$0x170] =	vst v5;
	v5 =	vor.u32 s30, v0  }
0x120: {  	[tilespmem:s11], [sflag:$0x2] =	stream.strided.gather [hbm4b:s24+s8], $0x2000, s9, s8, $0x38;
	[tilespmem:$0x10200] =	vst v63  }
0x121: {  	_ =	swait.ge [sflag:s16], $0x2000  }
0x122: {  	[sflag:s16] =	ssyncset.done $0x0  }
0x123: {  	[sflag:s16] =	ssyncadd.s32 $0xFFFFE000  }
0x124: {  	v5 =	vld.idx.msk [tilespmem:v5+s12+$0x0], $0xffff  }
0x125: {  	v63 =	vor.u32 s30, v1;
	_ =	sdelay $0x3  }
0x126: {  	[tilespmem:s21+$0x180] =	vst v5  }
0x127: {  	(v2sf) =	vpush v4, $0x2;
	v5 =	vld.idx.msk [tilespmem:v63+s12+$0x0], $0xffff  }
0x128: {  	v4 =	vor.u32 s30, v2;
	_ =	sdelay $0x3  }
0x129: {  	[tilespmem:s21+$0x190] =	vst v5  }
0x12a: {  	v4 =	vld.idx.msk [tilespmem:v4+s12+$0x0], $0xffff  }
0x12b: {  	v5 =	vor.u32 s30, v3;
	_ =	sdelay $0x3  }
0x12c: {  	[tilespmem:s21+$0x1A0] =	vst v4  }
0x12d: {  	v4 =	vld.idx.msk [tilespmem:v5+s12+$0x0], $0xffff;
	_ =	sdelay $0x2  }
0x12e: {  	s31 =	spop (v2sf)  }
0x12f: {  	s23 =	sand.u32 $0x7F, s23;
	s24 =	sand.u32 $0xFFFFF80, s31  }
0x130: {  	s24 =	sadd.s32 s2, s24;
	[tilespmem:s21+$0x1B0] =	vst v4;
	v4 =	vor.u32 s23, v0  }
0x131: {  	[tilespmem:s12], [sflag:$0x3] =	stream.strided.gather [hbm4b:s24+s8], $0x2000, s9, s8, $0x38;
	[tilespmem:$0x10200] =	vst v63  }
0x132: {  	_ =	swait.ge [sflag:s17], $0x2000  }
0x133: {  	[sflag:s17] =	ssyncset.done $0x0  }
0x134: {  	[sflag:s17] =	ssyncadd.s32 $0xFFFFE000  }
0x135: {  	v4 =	vld.idx.msk [tilespmem:v4+s13+$0x0], $0xffff  }
0x136: {  	v5 =	vor.u32 s23, v1;
	_ =	sdelay $0x3  }
0x137: {  	[tilespmem:s21+$0x1C0] =	vst v4  }
0x138: {  	v4 =	vld.idx.msk [tilespmem:v5+s13+$0x0], $0xffff  }
0x139: {  	v5 =	vor.u32 s23, v2;
	_ =	sdelay $0x3  }
0x13a: {  	[tilespmem:s21+$0x1D0] =	vst v4  }
0x13b: {  	v4 =	vld.idx.msk [tilespmem:v5+s13+$0x0], $0xffff  }
0x13c: {  	v5 =	vor.u32 s23, v3;
	_ =	sdelay $0x3  }
0x13d: {  	[tilespmem:s21+$0x1E0] =	vst v4  }
0x13e: {  	p0 =	sne.s32 s20, $0x200;
	v4 =	vld.idx.msk [tilespmem:v5+s13+$0x0], $0xffff  }
.Ltmp0:
0x13f: {  	_ = 	snop;
	(pc) =	sbr.rel @p0 .LBB2_2-.Ltmp0, $2  }
0x140: {  	_ =	sdelay $0x2  }
0x141: {  	s22 =	sadd.s32 $0x10, s22;
	s20 =	sadd.s32 $0x10, s20;
	[tilespmem:s21+$0x1F0] =	vst v4;
	s21 =	sadd.s32 $0x400, s21  }
0x142: {  	_ =	swait.ge [sflag:s14], $0x2000  }
0x143: {  	[sflag:s14] =	ssyncset.done $0x0  }
0x144: {  	[sflag:s14] =	ssyncadd.s32 $0xFFFFE000  }
0x145: {  	_ =	swait.ge [sflag:s15], $0x2000  }
0x146: {  	[sflag:s15] =	ssyncset.done $0x0  }
0x147: {  	[sflag:s15] =	ssyncadd.s32 $0xFFFFE000  }
0x148: {  	s19 =	sadd.s32 $0x1, s19;
	_ =	swait.ge [sflag:s16], $0x2000  }
0x149: {  	p0 =	sne.s32 s19, s6;
	[sflag:s16] =	ssyncset.done $0x0  }
.Ltmp1:
0x14a: {  	[sflag:s16] =	ssyncadd.s32 $0xFFFFE000;
	(pc) =	sbr.rel @p0 .LBB2_1-.Ltmp1, $4  }
0x14b: {  	[hbm4b:s5+s3] =	stream.linear.scatter [tilespmem:s18], [sflag:$0x5], $0x8000, $0x38;
	[tilespmem:$0x10200] =	vst v63  }
0x14c: {  	_ =	swait.ge [sflag:s7], $0x8000  }
0x14d: {  	[sflag:s7] =	ssyncset.done $0x0  }
0x14e: {  	[sflag:s7] =	ssyncadd.s32 $0xFFFF8000  }
0x14f: {  	_ =	sfence.sel $0x180000  }
0x150: {  	[bflag:$0x0] =	sbarrier.arrive $0xFFFF  }
0x151: {  	p0 =	sne.s32 s1, $0x0;
	_ =	strace $0x90000047  }
0x152: {  	s0 =	sadd.s32 @!p0 $0x100000, s0;
	[bflag:$0x2] =	sbarrier.arrive $0xFFFF  }
0x153: {  	[sflag:s0] =	ssyncadd.tile.s32 @!p0 $0x1;
	_ =	shalt  }
.Lfunc_end2:
_tile_overlayer_lowered:
.L_overlay_start_2:
0x154: {  	(tag) =	ssettag $0x2  }
0x155: {  	s0 =	rddreg [dreg:$0x0];
	s2 =	stileid.u32  }
0x156: {  	s1 =	rddreg [dreg:$0x1];
	p0 =	sne.s32 s2, $0x0  }
0x157: {  	s3 =	rddreg [dreg:$0x2];
	[bflag:$0x3] =	sbarrier.arrive $0xFFFF;
	s2 =	simm.s32 @!p0 $0x1C05  }
0x158: {  	[timem:s3], [sflag:s2] =	dma.local @!p0 [hbm:s0], s1  }
0x159: {  	s0 =	simm.s32 @!p0 $0x5  }
0x15a: {  	_ =	swait.ge @!p0 [sflag:s0], s1  }
0x15b: {  	s1 =	ssub.s32 @!p0 $0x0, s1;
	[sflag:s0] =	ssyncset.done @!p0 $0x0  }
0x15c: {  	[sflag:s0] =	ssyncadd.s32 @!p0 s1  }
0x15d: {  	[bflag:$0x3] =	sbarrier.arrive $0xFFFF  }
0x15e: {  	_ =	shalt  }

// kernel: kernel.7.cloned.1.call-start
scs
__scs_entry_jumppad:
0x0: {  	(pc) =	sbr.rel $0x88, $3  }
0x1: {  	(tag) =	ssettag $0x0;
	lr =	simm.s32 $0x1  }
0x2: {  	[smem:$0x3F9D] =	sst lr;
	_ =	strace $0xD0000000  }
0x3: {  	_ = 	snop  }
0x4: {  	_ = 	snop  }
0x5: {  	_ = 	snop  }
0x6: {  	_ = 	snop  }
0x7: {  	_ = 	snop  }
__scs_overlays_trampoline_lowered:
0x8: {  	[smem:$0x3FAC] =	sst s0  }
0x9: {  	[smem:$0x3FAD] =	sst s1  }
0xa: {  	[smem:$0x3FAE] =	sst s2  }
0xb: {  	[smem:$0x3FAF] =	sst s3  }
0xc: {  	[smem:$0x3FB0] =	sst s4  }
0xd: {  	[smem:$0x3FB1] =	sst s5  }
0xe: {  	[smem:$0x3FB2] =	sst s6  }
0xf: {  	[smem:$0x3FB3] =	sst s7  }
0x10: {  	[smem:$0x3FB4] =	sst s8  }
0x11: {  	[smem:$0x3FB5] =	sst s9;
	s0 =	simm.s32 @!p0 $0x0  }
0x12: {  	s1 =	sld [smem:$0x3F9B];
	s0 =	simm.s32 @p0 $0x1  }
0x13: {  	[smem:$0x3FB6] =	sst s0;
	s0 =	simm.s32 @!p1 $0x0  }
0x14: {  	s2 =	sld [smem:$0x3F9A];
	s0 =	simm.s32 @p1 $0x1  }
0x15: {  	[smem:$0x3FB7] =	sst s0;
	s0 =	simm.s32 @!p2 $0x0  }
0x16: {  	s3 =	sld [smem:$0x3FDB];
	s0 =	simm.s32 @p2 $0x1  }
0x17: {  	s4 =	simm.s32 $0x1BF5;
	[smem:$0x3FB9] =	sst s0  }
0x18: {  	s0 =	sld [smem:$0x3F9C];
	_ =	swait.ge [sflag:s4], $0x0  }
0x19: {  	s7 =	sld [smem:$0x3F9D]  }
0x1a: {  	s8 =	sadd.s32 $0xFFFFE003, lr  }
0x1b: {  	s9 =	sadd.s32 $0xFFFFFEF7, lr;
	s5 =	simm.s32 $0xFFFFFFFF;
	p2 =	slt.u32 s8, $0xFFFFF086  }
0x1c: {  	p1 =	slt.u32 s9, $0xF7A;
	s5 =	simm.s32 @!p2 $0x0  }
0x1d: {  	s5 =	simm.s32 @p1 $0x1;
	p0 =	seq.s32 s7, s2  }
0x1e: {  	s7 =	smul.u32 @!p0 $0xF7A, s2;
	p2 =	seq.s32 @!p0 s5, $0x0  }
0x1f: {  	s9 =	smul.u32 $0xF7A, s1;
	s8 =	simm.s32 @!p0 $0x1BF5;
	p2 =	por !p2, p0  }
0x20: {  	[sflag:s8] =	ssyncset.s32 @!p0 $0xFFFFF086;
	s6 =	sadd.s32 @!p0 s3, s7;
	s7 =	simm.s32 @!p0 $0x108  }
0x21: {  	s3 =	sadd.s32 s3, s9;
	s6 =	sadd.s32 @!p0 $0x88, s6;
	s7 =	simm.s32 @p2 $0x1082  }
0x22: {  	[simem:s7], [sflag:s8] =	dma.local @!p0 [hbm:s6], $0xF7A  }
0x23: {  	s9 =	sor.u32 $0xD0000000, s2;
	s6 =	simm.s32 $0x108;
	_ =	swait.ge @!p0 [sflag:s8], $0x0  }
0x24: {  	s3 =	sadd.s32 $0x88, s3;
	s6 =	simm.s32 @!p1 $0x1082;
	[sflag:s4] =	ssyncset.s32 $0xFFFFF086  }
0x25: {  	[simem:s6], [sflag:s4] =	dma.local [hbm:s3], $0xF7A  }
0x26: {  	[smem:$0x3F9D] =	sst s1;
	(tag) =	ssettag s2;
	_ =	strace s9  }
0x27: {  	s1 =	sld [smem:$0x3FAD]  }
0x28: {  	s2 =	sld [smem:$0x3FAE]  }
0x29: {  	s4 =	sld [smem:$0x3FB0]  }
0x2a: {  	p0 =	seq.s32 s5, $0x0;
	s5 =	sld [smem:$0x3FB1]  }
0x2b: {  	s6 =	sld [smem:$0x3FB2]  }
0x2c: {  	s7 =	sld [smem:$0x3FB3]  }
0x2d: {  	s3 =	simm.s32 $0x108;
	s8 =	sld [smem:$0x3FB4]  }
0x2e: {  	s3 =	simm.s32 @!p0 $0x1082;
	s9 =	sld [smem:$0x3FB5]  }
0x2f: {  	lr =	sadd.s32 s0, s3;
	s0 =	sld [smem:$0x3FAC]  }
0x30: {  	s3 =	sld [smem:$0x3FAF]  }
0x31: {  	[smem:$0x3FB8] =	sst s10  }
0x32: {  	s10 =	sld [smem:$0x3FB6];
	_ =	sdelay $0x3  }
0x33: {  	p0 =	seq.s32 s10, $0x1;
	s10 =	sld [smem:$0x3FB8];
	_ =	sdelay $0x3  }
0x34: {  	[smem:$0x3FB8] =	sst s10  }
0x35: {  	s10 =	sld [smem:$0x3FB7];
	_ =	sdelay $0x3  }
0x36: {  	p1 =	seq.s32 s10, $0x1;
	s10 =	sld [smem:$0x3FB8];
	_ =	sdelay $0x3  }
0x37: {  	[smem:$0x3FB8] =	sst s10  }
0x38: {  	s10 =	sld [smem:$0x3FB9]  }
0x39: {  	_ = 	snop;
	(pc) =	sbr.ind lr, $3  }
0x3a: {  	_ = 	snop  }
0x3b: {  	_ = 	snop  }
0x3c: {  	p2 =	seq.s32 s10, $0x1;
	s10 =	sld [smem:$0x3FB8]  }
0x3d: {  	_ =	shalt  }
0x3e: {  	_ =	shalt  }
0x3f: {  	_ =	shalt  }
0x40: {  	_ =	shalt  }
0x41: {  	_ =	shalt  }
0x42: {  	_ =	shalt  }
0x43: {  	_ =	shalt  }
0x44: {  	_ =	shalt  }
0x45: {  	_ =	shalt  }
0x46: {  	_ =	shalt  }
0x47: {  	_ =	shalt  }
0x48: {  	_ =	shalt  }
0x49: {  	_ =	shalt  }
0x4a: {  	_ =	shalt  }
0x4b: {  	_ =	shalt  }
0x4c: {  	_ =	shalt  }
0x4d: {  	_ =	shalt  }
0x4e: {  	_ =	shalt  }
0x4f: {  	_ =	shalt  }
0x50: {  	_ =	shalt  }
0x51: {  	_ =	shalt  }
0x52: {  	_ =	shalt  }
0x53: {  	_ =	shalt  }
0x54: {  	_ =	shalt  }
0x55: {  	_ =	shalt  }
0x56: {  	_ =	shalt  }
0x57: {  	_ =	shalt  }
0x58: {  	_ =	shalt  }
0x59: {  	_ =	shalt  }
0x5a: {  	_ =	shalt  }
0x5b: {  	_ =	shalt  }
0x5c: {  	_ =	shalt  }
0x5d: {  	_ =	shalt  }
0x5e: {  	_ =	shalt  }
0x5f: {  	_ =	shalt  }
0x60: {  	_ =	shalt  }
0x61: {  	_ =	shalt  }
0x62: {  	_ =	shalt  }
0x63: {  	_ =	shalt  }
0x64: {  	_ =	shalt  }
0x65: {  	_ =	shalt  }
0x66: {  	_ =	shalt  }
0x67: {  	_ =	shalt  }
0x68: {  	_ =	shalt  }
0x69: {  	_ =	shalt  }
0x6a: {  	_ =	shalt  }
0x6b: {  	_ =	shalt  }
0x6c: {  	_ =	shalt  }
0x6d: {  	_ =	shalt  }
0x6e: {  	_ =	shalt  }
0x6f: {  	_ =	shalt  }
0x70: {  	_ =	shalt  }
0x71: {  	_ =	shalt  }
0x72: {  	_ =	shalt  }
0x73: {  	_ =	shalt  }
0x74: {  	_ =	shalt  }
0x75: {  	_ =	shalt  }
0x76: {  	_ =	shalt  }
0x77: {  	_ =	shalt  }
0x78: {  	_ =	shalt  }
0x79: {  	_ =	shalt  }
0x7a: {  	_ =	shalt  }
0x7b: {  	_ =	shalt  }
0x7c: {  	_ =	shalt  }
0x7d: {  	_ =	shalt  }
0x7e: {  	_ =	shalt  }
0x7f: {  	_ =	shalt  }
0x80: {  	_ =	shalt  }
0x81: {  	_ =	shalt  }
0x82: {  	_ =	shalt  }
0x83: {  	_ =	shalt  }
0x84: {  	_ =	shalt  }
0x85: {  	_ =	shalt  }
0x86: {  	_ =	shalt  }
0x87: {  	_ =	shalt  }
.Lfunc_end0:
.L_simem_size_0:
called_computation.1_lowered:
.L_overlay_start_0:
0x88: {  	s2 =	sld [smem:$0x3FD9]  }
0x89: {  	s3 =	sld [smem:$0x3FFE];
	_ =	sdelay $0x1  }
0x8a: {  	s1 =	srdreg.scid  }
0x8b: {  	s0 =	sand.u32 $0x1, s1  }
0x8c: {  	s17 =	sshll.u32 s0, $0xA;
	s2 =	sadd.s32 s3, s2  }
0x8d: {  	s2 =	sadd.s32 s2, s17  }
0x8e: {  	[smem:$0x3FC4] =	sst s2  }
0x8f: {  	_ = 	snop  }
0x90: {  	s18 =	sld [smem:$0x3FC9];
	(tm) =	ssettm $0x1  }
0x91: {  	s19 =	sld [smem:$0x3FFB];
	_ =	sdelay $0x3  }
0x92: {  	_ =	strace s19  }
0x93: {  	s2 =	sld [smem:$0x3FFC];
	_ =	sdelay $0x3  }
0x94: {  	_ =	strace s2  }
0x95: {  	s2 =	sld [smem:$0x3FFD];
	_ =	sdelay $0x3  }
0x96: {  	_ =	strace s2  }
0x97: {  	_ =	strace $0x8FFFFFFF  }
0x98: {  	s20 =	sld [smem:$0x3FDB];
	_ =	sdelay $0x1  }
0x99: {  	s4 =	simm.s32 $_scs_section_size  }
0x9a: {  	s5 =	simm.s32 $_size__tile_overlayer_lowered;
	s6 =	simm.s32 $_tile_overlayer_lowered  }
0x9b: {  	s7 =	simm.s32 $0x1BFF;
	s21 =	sshll.u32 s6, $0x1;
	s4 =	sadd.s32 s4, s20  }
0x9c: {  	s22 =	simm.s32 $0x0;
	s5 =	sshll.u32 s5, $0x1;
	s6 =	sadd.s32 s21, s4  }
0x9d: {  	[timem:s22], [sflag:s7] =	dma.local [hbm:s6], s5  }
0x9e: {  	_ =	swait.ge [sflag:s7], s5  }
0x9f: {  	s5 =	ssub.s32 $0x0, s5;
	[sflag:s7] =	ssyncset.done $0x0  }
0xa0: {  	[sflag:s7] =	ssyncadd.s32 s5;
	_ =	sdelay $0x1  }
0xa1: {  	s23 =	simm.s32 $0x1B8B  }
0xa2: {  	_ =	swait.ge [sflag:s23], $0x1  }
0xa3: {  	[sflag:s23] =	ssyncset.done $0x0  }
0xa4: {  	[sflag:s23] =	ssyncadd.s32 $0xFFFFFFFF  }
0xa5: {  	s5 =	sld [smem:$0x0]  }
0xa6: {  	s6 =	sand.u32 $0xFFFFFFFE, s1  }
0xa7: {  	p0 =	sne.s32 s1, s6  }
0xa8: {  	s6 =	sshll.u32 @p0 s6, $0xE  }
0xa9: {  	s6 =	sadd.s32 @p0 $0x11B8D, s6;
	s7 =	sshll.u32 @p0 s5, $0x11  }
0xaa: {  	s6 =	sor.u32 @p0 s7, s6  }
0xab: {  	[sflag:s6] =	ssyncadd.remote.s32 @p0 $0x1;
	_ =	sdelay $0x1  }
0xac: {  	s6 =	simm.s32 @p0 $0x1B8D  }
0xad: {  	_ =	swait.eq @p0 [sflag:s6], $0x1  }
0xae: {  	[sflag:s6] =	ssyncadd.s32 @p0 $0xFFFFFFFF  }
0xaf: {  	s7 =	sshll.u32 @!p0 s1, $0xE  }
0xb0: {  	s7 =	sor.u32 @!p0 $0x4000, s7;
	s6 =	simm.s32 @!p0 $0x1B8D  }
0xb1: {  	s5 =	sshll.u32 @!p0 s5, $0x11;
	s7 =	sadd.s32 @!p0 $0x11B8D, s7;
	_ =	swait.eq @!p0 [sflag:s6], $0x1  }
0xb2: {  	s5 =	sor.u32 @!p0 s5, s7;
	[sflag:s6] =	ssyncadd.s32 @!p0 $0xFFFFFFFF  }
0xb3: {  	s25 =	simm.s32 $0x1B8E;
	s24 =	sld [smem:$0x3FFE];
	[sflag:s5] =	ssyncadd.remote.s32 @!p0 $0x1  }
0xb4: {  	s26 =	simm.s32 $execute0_lowered;
	[smem:$0x3FD2] =	sst s25  }
0xb5: {  	s6 =	sshll.u32 s26, $0x1;
	_ =	strace $0x80000049;
	[dreg:$0x1] =	wrdreg $0xFFFFFFFF  }
0xb6: {  	s28 =	simm.s32 $_size_execute0_lowered;
	s4 =	sadd.s32 s4, s6;
	[dreg:$0x0] =	wrdreg $0x0  }
0xb7: {  	s6 =	sshll.u32 s28, $0x1;
	[dreg:$0x2] =	wrdreg s4  }
0xb8: {  	[dreg:$0x3] =	wrdreg s6  }
0xb9: {  	[dreg:$0x4] =	wrdreg $0xC0  }
0xba: {  	_ =	task [dreg:s22], $0x5FFFF  }
0xbb: {  	[dreg:$0x1] =	wrdreg $0xFFFFFFFF  }
0xbc: {  	[dreg:$0x0] =	wrdreg $0x60  }
0xbd: {  	[dreg:$0x2] =	wrdreg s18  }
0xbe: {  	[dreg:$0x3] =	wrdreg s24  }
0xbf: {  	[dreg:$0x4] =	wrdreg $0xA  }
0xc0: {  	_ =	task.clear_ibuf [dreg:s22], $0x5FFFF;
	_ =	strace $0x90000049  }
0xc1: {  	s29 =	simm.s32 $0xA;
	_ =	strace $0x8000004B  }
0xc2: {  	_ =	swait.ge [sflag:s29], $0x1  }
0xc3: {  	[sflag:s29] =	ssyncadd.s32 $0xFFFFFFFF  }
0xc4: {  	_ =	strace $0x9000004B  }
0xc5: {  	_ =	sfence  }
0xc6: {  	s30 =	sld [smem:$0x0];
	_ =	sdelay $0x2  }
0xc7: {  	s31 =	sshll.u32 s1, $0xD;
	s1 =	sshrl.u32 s1, $0x2  }
0xc8: {  	s4 =	sand.u32 $0x4000, s31;
	s1 =	sadd.s32 s1, s30  }
0xc9: {  	s0 =	sor.u32 s4, s0;
	s1 =	sshll.u32 s1, $0x11  }
0xca: {  	s0 =	sor.u32 s1, s0  }
0xcb: {  	s0 =	sadd.s32 $0x8F2B, s0  }
0xcc: {  	[sflag:s0] =	ssyncadd.remote.s32 $0x1  }
0xcd: {  	_ =	sfence.sel $0xFFFF  }
0xce: {  	[dreg:$0x0] =	wrdreg $0xFFFFFFFF;
	(pc) =	sbr.abs _section_cstart, $3  }
0xcf: {  	[dreg:$0x1] =	wrdreg $0xFFFFFFFF  }
0xd0: {  	_ =	task.clear_ibuf [dreg:s22], $0x2FFFF;
	_ =	strace $0x9FFFFFFF  }
0xd1: {  	(tm) =	ssettm $0x7FFFFFFF  }
tec
execute0_lowered:
.L_overlay_start_1:
0x0: {  	(tag) =	ssettag $0x1  }
0x1: {  	s4 =	rddreg [dreg:$0x0]  }
0x2: {  	s5 =	rddreg [dreg:$0x1]  }
0x3: {  	s0 =	rddreg [dreg:$0x2];
	s2 =	simm.s32 $0x0;
	s3 =	srdreg.scid  }
0x4: {  	s1 =	stileid.u32;
	s10 =	simm.s32 $0x0;
	s6 =	sand.u32 $0x1, s3  }
0x5: {  	[smem:$0x7FF] =	sst s2;
	s7 =	sshll.u32 s1, $0xA;
	s8 =	sshll.u32 s6, $0x9  }
0x6: {  	s3 =	sadd.s32 $0x800, s5;
	s6 =	ssub.s32 $0x2, s6;
	s7 =	sor.u32 s8, s7  }
0x7: {  	_ =	strace $0x8000004A;
	s9 =	sshrl.u32 s6, $0x1;
	s8 =	sshll.u32 s7, $0x4  }
0x8: {  	s7 =	sshrl.u32 s7, $0x3;
	s6 =	ssub.s32 s6, s9;
	s9 =	simm.s32 $0x200  }
0x9: {  	s5 =	sadd.s32 s8, s5;
	s4 =	sadd.s32 s4, s7;
	s6 =	smax.u32 s6, $0x1  }
0xa: {  	s7 =	simm.s32 $0x2;
	s8 =	simm.s32 $0x1;
	s5 =	sadd.s32 $0xF42C00, s5  }
.LBB2_1:
0xb: {  	[tilespmem:s2], [sflag:$0x2] =	stream.linear.gather [hbm4b:s4+s2], $0x200, $0x38;
	[tilespmem:$0x10200] =	vst v63  }
0xc: {  	_ =	swait.ge [sflag:s7], $0x200  }
0xd: {  	[sflag:s7] =	ssyncset.done $0x0  }
0xe: {  	[sflag:s7] =	ssyncadd.s32 $0xFFFFFE00  }
0xf: {  	v0 =	vld [tilespmem:s2+$0x0];
	_ =	sdelay $0x4  }
0x10: {  	v0 =	vshll.u32 v0, $0x4  }
0x11: {  	(v2sf) =	vpush v0, $0x0  }
0x12: {  	(v2sf) =	vpush v0, $0x1  }
0x13: {  	(v2sf) =	vpush v0, $0x2;
	_ =	sdelay $0x1  }
0x14: {  	(v2sf) =	vpush v0, $0x4;
	_ =	sdelay $0x1  }
0x15: {  	(v2sf) =	vpush v0, $0x3  }
0x16: {  	(v2sf) =	vpush v0, $0x5  }
0x17: {  	s12 =	simm.s32 $0x2000;
	s11 =	simm.s32 $0x0;
	s13 =	simm.s32 $0x0;
	(v2sf) =	vpush v0, $0x6  }
.LBB2_2:
0x18: {  	p0 =	sne.s32 s12, $0x3E000  }
0x19: {  	s23 =	sadd.s32 $0x280, s11;
	s17 =	sadd.s32 $0x780, s11;
	s14 =	smov.u32 s12  }
0x1a: {  	s12 =	sadd.s32 $0x2000, s12;
	s20 =	sadd.s32 $0x580, s11;
	s15 =	sadd.s32 $0x800, s11;
	(v2sf) =	vpush v0, $0x7  }
0x1b: {  	s22 =	sadd.s32 $0x480, s11;
	s19 =	sadd.s32 $0x600, s11;
	s16 =	sadd.s32 $0x880, s11  }
0x1c: {  	s24 =	sadd.s32 $0x200, s11;
	s25 =	sadd.s32 $0x400, s11;
	(v2sf) =	vpush v0, $0x8  }
0x1d: {  	s26 =	sadd.s32 $0x500, s11;
	s13 =	sadd.s32 $0x10, s13  }
0x1e: {  	s28 =	sadd.s32 $0x300, s11;
	s18 =	sadd.s32 $0x700, s11;
	s21 =	spop (v2sf);
	(v2sf) =	vpush v0, $0x9  }
0x1f: {  	s29 =	sand.u32 $0x1FFFFFF0, s21;
	s21 =	sadd.s32 $0x680, s11;
	s30 =	spop (v2sf)  }
0x20: {  	s29 =	sadd.s32 s3, s29;
	s30 =	sand.u32 $0x1FFFFFF0, s30;
	s31 =	spop (v2sf);
	(v2sf) =	vpush v0, $0xA  }
0x21: {  	[tilespmem:s24], [sflag:$0x1] =	stream.linear.gather [hbm4b:s29+s2], $0x80, $0x38;
	[tilespmem:$0x10200] =	vst v63  }
0x22: {  	s24 =	sadd.s32 s3, s30;
	s29 =	sadd.s32 $0x380, s11;
	s30 =	spop (v2sf);
	(v2sf) =	vpush v0, $0xB  }
0x23: {  	[tilespmem:s23], [sflag:$0x1] =	stream.linear.gather [hbm4b:s24+s2], $0x80, $0x38;
	[tilespmem:$0x10200] =	vst v63  }
0x24: {  	s23 =	sand.u32 $0x1FFFFFF0, s31;
	s24 =	sand.u32 $0x1FFFFFF0, s30;
	s30 =	spop (v2sf);
	(v2sf) =	vpush v0, $0xC  }
0x25: {  	s23 =	sadd.s32 s3, s23;
	s30 =	sand.u32 $0x1FFFFFF0, s30;
	s31 =	spop (v2sf)  }
0x26: {  	[tilespmem:s28], [sflag:$0x1] =	stream.linear.gather [hbm4b:s23+s2], $0x80, $0x38;
	(v2sf) =	vpush v0, $0xD;
	[tilespmem:$0x10200] =	vst v63  }
0x27: {  	s23 =	sadd.s32 s3, s30;
	s28 =	sand.u32 $0x1FFFFFF0, s31;
	s30 =	spop (v2sf)  }
0x28: {  	[tilespmem:s29], [sflag:$0x1] =	stream.linear.gather [hbm4b:s23+s2], $0x80, $0x38;
	(v2sf) =	vpush v0, $0xE;
	[tilespmem:$0x10200] =	vst v63  }
0x29: {  	s23 =	sadd.s32 s3, s24;
	s24 =	sand.u32 $0x1FFFFFF0, s30;
	s29 =	spop (v2sf)  }
0x2a: {  	[tilespmem:s25], [sflag:$0x1] =	stream.linear.gather [hbm4b:s23+s2], $0x80, $0x38;
	(v2sf) =	vpush v0, $0xF;
	[tilespmem:$0x10200] =	vst v63  }
0x2b: {  	s23 =	sadd.s32 s3, s28;
	s25 =	sand.u32 $0x1FFFFFF0, s29;
	s28 =	spop (v2sf)  }
0x2c: {  	[tilespmem:s22], [sflag:$0x1] =	stream.linear.gather [hbm4b:s23+s2], $0x80, $0x38;
	[tilespmem:$0x10200] =	vst v63  }
0x2d: {  	s22 =	sadd.s32 s3, s24;
	s23 =	sand.u32 $0x1FFFFFF0, s28;
	s24 =	spop (v2sf)  }
0x2e: {  	[tilespmem:s26], [sflag:$0x1] =	stream.linear.gather [hbm4b:s22+s2], $0x80, $0x38;
	[tilespmem:$0x10200] =	vst v63  }
0x2f: {  	s22 =	sadd.s32 s3, s25;
	s24 =	sand.u32 $0x1FFFFFF0, s24;
	s25 =	spop (v2sf)  }
0x30: {  	[tilespmem:s20], [sflag:$0x1] =	stream.linear.gather [hbm4b:s22+s2], $0x80, $0x38;
	[tilespmem:$0x10200] =	vst v63  }
0x31: {  	s20 =	sadd.s32 s3, s23;
	s22 =	sand.u32 $0x1FFFFFF0, s25;
	s23 =	spop (v2sf)  }
0x32: {  	[tilespmem:s19], [sflag:$0x1] =	stream.linear.gather [hbm4b:s20+s2], $0x80, $0x38;
	[tilespmem:$0x10200] =	vst v63  }
0x33: {  	s19 =	sadd.s32 s3, s24;
	s20 =	sand.u32 $0x1FFFFFF0, s23;
	s23 =	spop (v2sf)  }
0x34: {  	[tilespmem:s21], [sflag:$0x1] =	stream.linear.gather [hbm4b:s19+s2], $0x80, $0x38;
	[tilespmem:$0x10200] =	vst v63  }
0x35: {  	s19 =	sadd.s32 s3, s22;
	s21 =	sand.u32 $0x1FFFFFF0, s23;
	s22 =	spop (v2sf)  }
0x36: {  	[tilespmem:s18], [sflag:$0x1] =	stream.linear.gather [hbm4b:s19+s2], $0x80, $0x38;
	[tilespmem:$0x10200] =	vst v63  }
0x37: {  	s18 =	sadd.s32 s3, s20;
	s19 =	sand.u32 $0x1FFFFFF0, s22;
	s20 =	spop (v2sf)  }
0x38: {  	[tilespmem:s17], [sflag:$0x1] =	stream.linear.gather [hbm4b:s18+s2], $0x80, $0x38;
	[tilespmem:$0x10200] =	vst v63  }
0x39: {  	s17 =	sadd.s32 s3, s21;
	s18 =	sand.u32 $0x1FFFFFF0, s20;
	s20 =	spop (v2sf)  }
0x3a: {  	[tilespmem:s15], [sflag:$0x1] =	stream.linear.gather [hbm4b:s17+s2], $0x80, $0x38;
	[tilespmem:$0x10200] =	vst v63  }
0x3b: {  	s15 =	sadd.s32 s3, s19;
	s17 =	sand.u32 $0x1FFFFFF0, s20  }
0x3c: {  	[tilespmem:s16], [sflag:$0x1] =	stream.linear.gather [hbm4b:s15+s2], $0x80, $0x38;
	[tilespmem:$0x10200] =	vst v63  }
0x3d: {  	s15 =	sadd.s32 $0x900, s11;
	s16 =	sadd.s32 s3, s18  }
0x3e: {  	[tilespmem:s15], [sflag:$0x1] =	stream.linear.gather [hbm4b:s16+s2], $0x80, $0x38;
	[tilespmem:$0x10200] =	vst v63  }
0x3f: {  	s11 =	sadd.s32 $0x980, s11;
	s15 =	sadd.s32 s3, s17  }
0x40: {  	[tilespmem:s11], [sflag:$0x1] =	stream.linear.gather [hbm4b:s15+s2], $0x80, $0x38;
	[tilespmem:$0x10200] =	vst v63  }
0x41: {  	v0 =	vld [tilespmem:s13+$0x0];
	_ =	sdelay $0x4  }
0x42: {  	v0 =	vshll.u32 v0, $0x4  }
0x43: {  	(v2sf) =	vpush v0, $0x0  }
0x44: {  	(v2sf) =	vpush v0, $0x1  }
0x45: {  	(v2sf) =	vpush v0, $0x2;
	_ =	sdelay $0x1  }
0x46: {  	(v2sf) =	vpush v0, $0x4  }
.Ltmp0:
0x47: {  	(pc) =	sbr.rel @p0 .LBB2_2-.Ltmp0, $3  }
0x48: {  	(v2sf) =	vpush v0, $0x3  }
0x49: {  	(v2sf) =	vpush v0, $0x5;
	_ =	sdelay $0x1  }
0x4a: {  	s11 =	sshra.s32 s14, $0x2;
	(v2sf) =	vpush v0, $0x6  }
0x4b: {  	_ =	sdelay $0x1  }
0x4c: {  	s15 =	sadd.s32 $0x280, s11;
	s14 =	sadd.s32 $0x780, s11  }
0x4d: {  	s16 =	sadd.s32 $0x580, s11;
	s12 =	sadd.s32 $0x800, s11;
	(v2sf) =	vpush v0, $0x7;
	s17 =	sadd.s32 $0x480, s11  }
0x4e: {  	s18 =	sadd.s32 $0x600, s11;
	s13 =	sadd.s32 $0x880, s11;
	s19 =	sadd.s32 $0x200, s11  }
0x4f: {  	s20 =	sadd.s32 $0x400, s11;
	s21 =	sadd.s32 $0x500, s11;
	(v2sf) =	vpush v0, $0x8;
	s22 =	spop (v2sf)  }
0x50: {  	s23 =	sadd.s32 $0x300, s11;
	s22 =	sand.u32 $0x1FFFFFF0, s22;
	s24 =	spop (v2sf)  }
0x51: {  	(v2sf) =	vpush v0, $0x9;
	s22 =	sadd.s32 s3, s22;
	s24 =	sand.u32 $0x1FFFFFF0, s24;
	s25 =	spop (v2sf)  }
0x52: {  	[tilespmem:s19], [sflag:$0x1] =	stream.linear.gather [hbm4b:s22+s2], $0x80, $0x38;
	[tilespmem:$0x10200] =	vst v63  }
0x53: {  	s26 =	sadd.s32 $0x380, s11;
	(v2sf) =	vpush v0, $0xA;
	s30 =	sadd.s32 s3, s24;
	s31 =	spop (v2sf)  }
0x54: {  	[tilespmem:s15], [sflag:$0x1] =	stream.linear.gather [hbm4b:s30+s2], $0x80, $0x38;
	[tilespmem:$0x10200] =	vst v63  }
0x55: {  	s19 =	sadd.s32 $0x700, s11;
	s28 =	sand.u32 $0x1FFFFFF0, s25;
	(v2sf) =	vpush v0, $0xB;
	s29 =	spop (v2sf)  }
0x56: {  	s22 =	sadd.s32 s3, s28;
	s15 =	sadd.s32 $0x680, s11;
	s25 =	sand.u32 $0x1FFFFFF0, s29  }
0x57: {  	(v2sf) =	vpush v0, $0xC;
	[tilespmem:s23], [sflag:$0x1] =	stream.linear.gather [hbm4b:s22+s2], $0x80, $0x38;
	[tilespmem:$0x10200] =	vst v63  }
0x58: {  	s30 =	sand.u32 $0x1FFFFFF0, s31;
	s31 =	spop (v2sf);
	s28 =	sadd.s32 s3, s25  }
0x59: {  	(v2sf) =	vpush v0, $0xD;
	[tilespmem:s26], [sflag:$0x1] =	stream.linear.gather [hbm4b:s28+s2], $0x80, $0x38;
	[tilespmem:$0x10200] =	vst v63  }
0x5a: {  	s22 =	sadd.s32 s3, s30;
	s23 =	sand.u32 $0x1FFFFFF0, s31;
	s29 =	spop (v2sf)  }
0x5b: {  	(v2sf) =	vpush v0, $0xE;
	[tilespmem:s20], [sflag:$0x1] =	stream.linear.gather [hbm4b:s22+s2], $0x80, $0x38;
	[tilespmem:$0x10200] =	vst v63  }
0x5c: {  	s23 =	sadd.s32 s3, s23;
	s30 =	sand.u32 $0x1FFFFFF0, s29;
	s31 =	spop (v2sf)  }
0x5d: {  	(v2sf) =	vpush v0, $0xF;
	[tilespmem:s17], [sflag:$0x1] =	stream.linear.gather [hbm4b:s23+s2], $0x80, $0x38;
	[tilespmem:$0x10200] =	vst v63  }
0x5e: {  	s24 =	sand.u32 $0x1FFFFFF0, s31;
	s25 =	spop (v2sf);
	s20 =	sadd.s32 s3, s30  }
0x5f: {  	[tilespmem:s21], [sflag:$0x1] =	stream.linear.gather [hbm4b:s20+s2], $0x80, $0x38;
	[tilespmem:$0x10200] =	vst v63  }
0x60: {  	s26 =	sand.u32 $0x1FFFFFF0, s25;
	s17 =	sadd.s32 s3, s24;
	s28 =	spop (v2sf)  }
0x61: {  	[tilespmem:s16], [sflag:$0x1] =	stream.linear.gather [hbm4b:s17+s2], $0x80, $0x38;
	[tilespmem:$0x10200] =	vst v63  }
0x62: {  	s20 =	sadd.s32 s3, s26;
	s29 =	sand.u32 $0x1FFFFFF0, s28;
	s30 =	spop (v2sf)  }
0x63: {  	[tilespmem:s18], [sflag:$0x1] =	stream.linear.gather [hbm4b:s20+s2], $0x80, $0x38;
	[tilespmem:$0x10200] =	vst v63  }
0x64: {  	s17 =	sand.u32 $0x1FFFFFF0, s30;
	s16 =	sadd.s32 s3, s29;
	s31 =	spop (v2sf)  }
0x65: {  	[tilespmem:s15], [sflag:$0x1] =	stream.linear.gather [hbm4b:s16+s2], $0x80, $0x38;
	[tilespmem:$0x10200] =	vst v63  }
0x66: {  	s17 =	sadd.s32 s3, s17;
	s20 =	sand.u32 $0x1FFFFFF0, s31;
	s21 =	spop (v2sf)  }
0x67: {  	[tilespmem:s19], [sflag:$0x1] =	stream.linear.gather [hbm4b:s17+s2], $0x80, $0x38;
	[tilespmem:$0x10200] =	vst v63  }
0x68: {  	s15 =	sadd.s32 s3, s20;
	s16 =	sand.u32 $0x1FFFFFF0, s21;
	s22 =	spop (v2sf)  }
0x69: {  	[tilespmem:s14], [sflag:$0x1] =	stream.linear.gather [hbm4b:s15+s2], $0x80, $0x38;
	[tilespmem:$0x10200] =	vst v63  }
0x6a: {  	s23 =	sand.u32 $0x1FFFFFF0, s22;
	s16 =	sadd.s32 s3, s16;
	s24 =	spop (v2sf)  }
0x6b: {  	[tilespmem:s12], [sflag:$0x1] =	stream.linear.gather [hbm4b:s16+s2], $0x80, $0x38;
	[tilespmem:$0x10200] =	vst v63  }
0x6c: {  	s25 =	sand.u32 $0x1FFFFFF0, s24;
	s26 =	spop (v2sf);
	s14 =	sadd.s32 s3, s23  }
0x6d: {  	[tilespmem:s13], [sflag:$0x1] =	stream.linear.gather [hbm4b:s14+s2], $0x80, $0x38;
	[tilespmem:$0x10200] =	vst v63  }
0x6e: {  	s29 =	sadd.s32 $0x900, s11;
	s28 =	sand.u32 $0x1FFFFFF0, s26;
	s12 =	sadd.s32 s3, s25  }
0x6f: {  	[tilespmem:s29], [sflag:$0x1] =	stream.linear.gather [hbm4b:s12+s2], $0x80, $0x38;
	[tilespmem:$0x10200] =	vst v63  }
0x70: {  	s30 =	sadd.s32 $0x980, s11;
	s31 =	sadd.s32 s3, s28  }
0x71: {  	[tilespmem:s30], [sflag:$0x1] =	stream.linear.gather [hbm4b:s31+s2], $0x80, $0x38;
	[tilespmem:$0x10200] =	vst v63  }
0x72: {  	s10 =	sadd.s32 $0x1, s10;
	_ =	swait.ge [sflag:s8], $0x10000  }
0x73: {  	p0 =	sne.s32 s10, s6;
	[sflag:s8] =	ssyncset.done $0x0  }
.Ltmp1:
0x74: {  	[sflag:s8] =	ssyncadd.s32 $0xFFFF0000;
	(pc) =	sbr.rel @p0 .LBB2_1-.Ltmp1, $4  }
0x75: {  	[hbm4b:s5+s2] =	stream.linear.scatter [tilespmem:s9], [sflag:$0x2], $0x10000, $0x38;
	[tilespmem:$0x10200] =	vst v63  }
0x76: {  	_ =	swait.ge [sflag:s7], $0x10000  }
0x77: {  	[sflag:s7] =	ssyncset.done $0x0  }
0x78: {  	[sflag:s7] =	ssyncadd.s32 $0xFFFF0000  }
0x79: {  	_ =	sfence.sel $0x180000  }
0x7a: {  	[bflag:$0x0] =	sbarrier.arrive $0xFFFF  }
0x7b: {  	p0 =	sne.s32 s1, $0x0;
	_ =	strace $0x9000004A  }
0x7c: {  	s0 =	sadd.s32 @!p0 $0x100000, s0;
	[bflag:$0x2] =	sbarrier.arrive $0xFFFF  }
0x7d: {  	[sflag:s0] =	ssyncadd.tile.s32 @!p0 $0x1;
	_ =	shalt  }
.Lfunc_end2:
_tile_overlayer_lowered:
.L_overlay_start_2:
0x7e: {  	(tag) =	ssettag $0x2  }
0x7f: {  	s0 =	rddreg [dreg:$0x0];
	s2 =	stileid.u32  }
0x80: {  	s1 =	rddreg [dreg:$0x1];
	p0 =	sne.s32 s2, $0x0  }
0x81: {  	s3 =	rddreg [dreg:$0x2];
	[bflag:$0x3] =	sbarrier.arrive $0xFFFF;
	s2 =	simm.s32 @!p0 $0x1C02  }
0x82: {  	[timem:s3], [sflag:s2] =	dma.local @!p0 [hbm:s0], s1  }
0x83: {  	s0 =	simm.s32 @!p0 $0x2  }
0x84: {  	_ =	swait.ge @!p0 [sflag:s0], s1  }
0x85: {  	s1 =	ssub.s32 @!p0 $0x0, s1;
	[sflag:s0] =	ssyncset.done @!p0 $0x0  }
0x86: {  	[sflag:s0] =	ssyncadd.s32 @!p0 s1  }
0x87: {  	[bflag:$0x3] =	sbarrier.arrive $0xFFFF  }
0x88: {  	_ =	shalt  }

</sc_bundles>
